<compile_context>
chip_gen: v7x
topology: tpu7x:2x2x1
jax: 0.10.2.dev20260603
libtpu: 0.0.44.dev20260713+nightly
codegen_flags: <defaults>
</compile_context>

<pallas_src>
import functools

import jax
import jax.numpy as jnp
from jax import lax
from jax.experimental import pallas as pl
from jax.experimental.pallas import tpu as pltpu
from jax.experimental.pallas import tpu_sc as plsc

N = 10000
E = 320000
D = 128
T = 5
BETA = 0.99
EPS_ORTHO = 1e-05
EPS_BN = 1e-05

NC = 2
NS = 16
D2 = D // NC
EPT = E // NS
CHUNK = 128
NCHUNK = -(-EPT // CHUNK)
EPT_PAD = NCHUNK * CHUNK
RPS = N // NS


def _bcast_lane(v16, i):
  return lax.gather(
      v16, jnp.full((16, 1), i, jnp.int32),
      lax.GatherDimensionNumbers(
          offset_dims=(), collapsed_slice_dims=(0,), start_index_map=(0,)),
      slice_sizes=(1,),
      mode=lax.GatherScatterMode.PROMISE_IN_BOUNDS)


def _sc_scatter_body(support_hbm, meta_hbm, vals_hbm, out_hbm,
                     meta_v, vals_v, rows0, rows1, rows2,
                     g_sem0, g_sem1, g_sem2, s_sem0, s_sem1, s_sem2,
                     m_sem, v_sem, acc):
  c = lax.axis_index("c")
  s = lax.axis_index("s")
  rows_v = (rows0, rows1, rows2)
  g_sem = (g_sem0, g_sem1, g_sem2)
  s_sem = (s_sem0, s_sem1, s_sem2)
  sup = support_hbm.at[c]

  meta_cp = pltpu.async_copy(meta_hbm.at[s], meta_v, m_sem)
  vals_cp = pltpu.async_copy(vals_hbm.at[s], vals_v, v_sem)

  zeros16 = jnp.zeros((16,), jnp.float32)

  def zrow(r, carry):
    for g in range(D2 // 16):
      rows0[r, pl.ds(g * 16, 16)] = zeros16
    return carry

  lax.fori_loop(0, CHUNK, zrow, 0)
  rbase = s * RPS
  nfull = RPS // CHUNK
  rem = RPS - nfull * CHUNK
  for k in range(nfull):
    pltpu.sync_copy(rows0, acc.at[pl.ds(rbase + k * CHUNK, CHUNK)])
  pltpu.sync_copy(rows0.at[pl.ds(0, rem)],
                  acc.at[pl.ds(rbase + nfull * CHUNK, rem)])
  meta_cp.wait()
  vals_cp.wait()

  def issue_gather(j, b):
    pltpu.async_copy(sup.at[meta_v.at[j, 1]], rows_v[b], g_sem[b])

  def wait_gather(j, b):
    pltpu.make_async_copy(sup.at[meta_v.at[j, 1]], rows_v[b],
                          g_sem[b]).wait()

  def issue_scatter(j, b):
    pltpu.async_copy(rows_v[b], acc.at[meta_v.at[j, 0]], s_sem[b], add=True)

  def wait_scatter(b):
    pltpu.make_async_copy(sup.at[pl.ds(0, CHUNK)], rows_v[b],
                          s_sem[b]).wait()

  def scale(j, b):
    rv = rows_v[b]

    @plsc.parallel_loop(0, CHUNK, step=1, unroll=8)
    def _edge_body(e):
      g16 = (e // 16) * 16
      lane = e - g16
      val16 = vals_v[j, pl.ds(g16, 16)]
      vb = _bcast_lane(val16, lane)
      for g in range(D2 // 16):
        rv[e, pl.ds(g * 16, 16)] = rv[e, pl.ds(g * 16, 16)] * vb

  issue_gather(0, 0)
  issue_gather(1, 1)
  issue_gather(2, 2)
  plsc.subcore_barrier()
  wait_gather(0, 0)
  scale(0, 0)
  issue_scatter(0, 0)
  wait_gather(1, 1)
  scale(1, 1)
  issue_scatter(1, 1)

  def steady(j, p):
    pn = (p + 1) % 3
    wait_scatter(pn)
    issue_gather(j + 1, pn)
    wait_gather(j, p)
    scale(j, p)
    issue_scatter(j, p)

  def pipe_body(k, carry):
    j = 3 * k + 2
    steady(j, 2)
    steady(j + 1, 0)
    steady(j + 2, 1)
    return carry

  lax.fori_loop(0, (NCHUNK - 4) // 3, pipe_body, 0)

  jt = NCHUNK - 2
  wait_scatter(0)
  issue_gather(jt + 1, 0)
  wait_gather(jt, 2)
  scale(jt, 2)
  issue_scatter(jt, 2)
  wait_scatter(1)
  wait_gather(jt + 1, 0)
  scale(jt + 1, 0)
  issue_scatter(jt + 1, 0)
  wait_scatter(2)
  wait_scatter(0)
  plsc.subcore_barrier()

  pltpu.sync_copy(acc.at[pl.ds(rbase, RPS)], out_hbm.at[c, s])


@functools.partial(jax.jit, static_argnames=())
def _sc_scatter(support, meta, vals):
  mesh = plsc.VectorSubcoreMesh(core_axis_name="c", subcore_axis_name="s")
  return pl.kernel(
      _sc_scatter_body,
      out_type=jax.ShapeDtypeStruct((NC, NS, RPS, D2), jnp.float32),
      mesh=mesh,
      compiler_params=pltpu.CompilerParams(use_tc_tiling_on_sc=False),
      scratch_types=[
          pltpu.VMEM((NCHUNK, 2, CHUNK), jnp.int32),
          pltpu.VMEM((NCHUNK, CHUNK), jnp.float32),
          pltpu.VMEM((CHUNK, D2), jnp.float32),
          pltpu.VMEM((CHUNK, D2), jnp.float32),
          pltpu.VMEM((CHUNK, D2), jnp.float32),
          pltpu.SemaphoreType.DMA,
          pltpu.SemaphoreType.DMA,
          pltpu.SemaphoreType.DMA,
          pltpu.SemaphoreType.DMA,
          pltpu.SemaphoreType.DMA,
          pltpu.SemaphoreType.DMA,
          pltpu.SemaphoreType.DMA,
          pltpu.SemaphoreType.DMA,
          pltpu.VMEM_SHARED((N, D2), jnp.float32),
      ],
  )(support, meta, vals)


def _eye(n, dtype):
  i = lax.broadcasted_iota(jnp.int32, (n, n), 0)
  j = lax.broadcasted_iota(jnp.int32, (n, n), 1)
  return jnp.where(i == j, 1.0, 0.0).astype(dtype)


def _dot(a, b):
  return jax.lax.dot(a, b, precision=jax.lax.Precision.DEFAULT)


def _tc_ortho_support_body(x_ref, w_ref, out_ref):
  w = w_ref[...]
  eye = _eye(D, jnp.float32)
  we = BETA * w + (1.0 - BETA) * eye
  zc = we - jnp.mean(we, axis=1, keepdims=True)
  s = _dot(zc, zc.T)
  s = s + EPS_ORTHO * eye
  norm = jnp.sqrt(jnp.sum(s * s))
  s = s / norm
  b = eye
  for _ in range(T):
    b3 = _dot(_dot(b, b), b)
    b = 1.5 * b - 0.5 * _dot(b3, s)
  t = _dot(b, zc) / jnp.sqrt(norm)
  sup = _dot(x_ref[...], t)
  out_ref[0] = sup[:, :D2]
  out_ref[1] = sup[:, D2:]


def _tc_finish_body(x_ref, sw_ref, a0_ref, a1_ref, g_ref, b_ref, out_ref):
  o = jnp.concatenate([a0_ref[...], a1_ref[...]], axis=1)
  o = o + _dot(x_ref[...], sw_ref[...])
  mean = jnp.mean(o, axis=0, keepdims=True)
  cen = o - mean
  var = jnp.mean(cen * cen, axis=0, keepdims=True)
  out_ref[...] = cen * (g_ref[...] * jax.lax.rsqrt(var + EPS_BN)) + b_ref[...]


def kernel(x, edge_index, edge_values, weight, self_weight, bn_gamma, bn_beta):
  support = pl.pallas_call(
      _tc_ortho_support_body,
      out_shape=jax.ShapeDtypeStruct((NC, N, D2), jnp.float32),
  )(x, weight)

  pad = EPT_PAD - EPT
  row = jnp.pad(edge_index[0].reshape(NS, EPT), ((0, 0), (0, pad)))
  col = jnp.pad(edge_index[1].reshape(NS, EPT), ((0, 0), (0, pad)))
  vals = jnp.pad(edge_values.reshape(NS, EPT), ((0, 0), (0, pad)))
  meta = jnp.stack([row.reshape(NS, NCHUNK, CHUNK),
                    col.reshape(NS, NCHUNK, CHUNK)], axis=2)
  vals = vals.reshape(NS, NCHUNK, CHUNK)

  parts = _sc_scatter(support, meta, vals)
  parts = parts.reshape(NC, N, D2)

  out = pl.pallas_call(
      _tc_finish_body,
      out_shape=jax.ShapeDtypeStruct((N, D), jnp.float32),
  )(x, self_weight, parts[0], parts[1],
    bn_gamma.reshape(1, D), bn_beta.reshape(1, D))
  return out

# --- scband reference (transcript-rebuilt; emitter-appended) ---
"""Pipeline reference for scband-graph-convolution-bs-ortho-68247030334289 (READ-ONLY COPY).

The authoritative reference and input builder live on the scoring server;
editing this copy changes nothing except your own understanding.
"""

import jax, jax.numpy as jnp
import numpy as np
import math

N = 10000
E = 320000
D = 128
T = 5
GROUPS = 1
BETA = 0.99
EPS_ORTHO = 1e-05
EPS_BN = 1e-05


def ortho_trans(weight):
    # Ortho_Trans.forward: Newton-Schulz orthogonalization
    Z = weight.reshape(GROUPS, weight.shape[0] // GROUPS, -1)
    Zc = Z - Z.mean(axis=-1, keepdims=True)
    S = jnp.matmul(Zc, jnp.swapaxes(Zc, 1, 2))
    eye = jnp.broadcast_to(jnp.eye(S.shape[-1], dtype=S.dtype), S.shape)
    S = S + EPS_ORTHO * eye
    norm_S = jnp.sqrt(jnp.sum(S * S, axis=(1, 2), keepdims=True))
    S = S / norm_S
    B = eye
    for _ in range(T):
        B3 = jnp.matmul(jnp.matmul(B, B), B)
        B = 1.5 * B - 0.5 * jnp.matmul(B3, S)
    W = jnp.matmul(B, Zc) / jnp.sqrt(norm_S)
    return W.reshape(weight.shape)


def setup_inputs(seed: int = 0) -> dict:
    key = jax.random.key(seed)
    k1, k2, k3, k4, k5 = jax.random.split(key, 5)
    x = jax.random.normal(k1, (N, D), dtype=jnp.float32)
    edge_index = jax.random.randint(k2, (2, E), 0, N, dtype=jnp.int32)
    edge_values = jax.random.uniform(k3, (E,), dtype=jnp.float32)
    stdv = 1.0 / math.sqrt(D)
    weight = jax.random.uniform(k4, (D, D), dtype=jnp.float32, minval=-stdv, maxval=stdv)
    self_weight = jax.random.uniform(k5, (D, D), dtype=jnp.float32, minval=-stdv, maxval=stdv)
    bn_gamma = jnp.ones((D,), dtype=jnp.float32)
    bn_beta = jnp.zeros((D,), dtype=jnp.float32)
    return {"x": x, "edge_index": edge_index, "edge_values": edge_values,
            "weight": weight, "self_weight": self_weight,
            "bn_gamma": bn_gamma, "bn_beta": bn_beta}


def reference(x, edge_index, edge_values, weight, self_weight, bn_gamma, bn_beta):
    # we = beta * W + (1 - beta) * I ; t = Ortho_Trans(we)
    I = jnp.eye(D, dtype=x.dtype)
    we = BETA * weight + (1.0 - BETA) * I
    t = ortho_trans(we)
    support = jnp.matmul(x, t)
    # torch.spmm(adj, support): out[row] += val * support[col]
    row = edge_index[0]
    col = edge_index[1]
    output = jnp.zeros((N, D), dtype=x.dtype).at[row].add(edge_values[:, None] * support[col])
    # self loop
    output = output + jnp.matmul(x, self_weight)
    # BatchNorm1d (training-mode batch statistics, biased variance)
    mean = output.mean(axis=0)
    var = output.var(axis=0)
    output = (output - mean) / jnp.sqrt(var + EPS_BN) * bn_gamma + bn_beta
    # activation = identity, res = False
    return output

if __name__ == "__main__":
    import jax
    _d = setup_inputs()
    print(jax.jit(kernel)(*tuple(_d.values())))

</pallas_src>

<mosaic_0001>
#map = affine_map<(d0, d1) -> (0, 0, 0)>
#map1 = affine_map<(d0, d1) -> (0, 0, 0, 0)>
module attributes {stable_mosaic.version = 14 : i64} {
  func.func @_sc_scatter_body(%arg0: i32, %arg1: i32, %arg2: memref<2x10000x64xf32, #tpu.memory_space<hbm>>, %arg3: memref<16x157x2x128xi32, #tpu.memory_space<hbm>>, %arg4: memref<16x157x128xf32, #tpu.memory_space<hbm>>, %arg5: memref<2x16x625x64xf32, #tpu.memory_space<hbm>>, %arg6: memref<157x2x128xi32, #tpu.memory_space<vmem>>, %arg7: memref<157x128xf32, #tpu.memory_space<vmem>>, %arg8: memref<128x64xf32, #tpu.memory_space<vmem>>, %arg9: memref<128x64xf32, #tpu.memory_space<vmem>>, %arg10: memref<128x64xf32, #tpu.memory_space<vmem>>, %arg11: memref<!tpu.dma_semaphore, #tpu.memory_space<semaphore_mem>>, %arg12: memref<!tpu.dma_semaphore, #tpu.memory_space<semaphore_mem>>, %arg13: memref<!tpu.dma_semaphore, #tpu.memory_space<semaphore_mem>>, %arg14: memref<!tpu.dma_semaphore, #tpu.memory_space<semaphore_mem>>, %arg15: memref<!tpu.dma_semaphore, #tpu.memory_space<semaphore_mem>>, %arg16: memref<!tpu.dma_semaphore, #tpu.memory_space<semaphore_mem>>, %arg17: memref<!tpu.dma_semaphore, #tpu.memory_space<semaphore_mem>>, %arg18: memref<!tpu.dma_semaphore, #tpu.memory_space<semaphore_mem>>, %arg19: memref<10000x64xf32, #tpu.memory_space<vmem_shared>>) attributes {dimension_semantics = [#tpu.dimension_semantics<core_parallel>, #tpu.dimension_semantics<subcore_parallel>], iteration_bounds = array<i64: 2, 16>, scalar_prefetch = 0 : i64, scratch_operands = 14 : i64, tpu.core_type = #tpu.core_type<sc_vector_subcore>, window_params = [{transform_indices = #map}, {transform_indices = #map1}, {transform_indices = #map}, {transform_indices = #map1}]} {
    %dma_start3A = arith.constant 0 : i32
    %dma_start3A_0 = arith.constant 0 : i32
    %dma_start3A_1 = arith.constant 0 : i32
    %dma_start3A_2 = tpu.memref_slice %arg3[%arg1, %dma_start3A, %dma_start3A_0, %dma_start3A_1] : memref<16x157x2x128xi32, #tpu.memory_space<hbm>> -> memref<1x157x2x128xi32, #tpu.memory_space<hbm>>
    %dma_start3A_3 = tpu.memref_squeeze %dma_start3A_2 : memref<1x157x2x128xi32, #tpu.memory_space<hbm>> -> memref<157x2x128xi32, #tpu.memory_space<hbm>>
    %dma_start3A_4 = arith.constant 0 : i32
    %dma_start3A_5 = arith.constant 0 : i32
    %dma_start3A_6 = arith.constant 0 : i32
    %dma_start3A_7 = tpu.memref_slice %arg3[%arg1, %dma_start3A_4, %dma_start3A_5, %dma_start3A_6] : memref<16x157x2x128xi32, #tpu.memory_space<hbm>> -> memref<1x157x2x128xi32, #tpu.memory_space<hbm>>
    %dma_start3A_8 = tpu.memref_squeeze %dma_start3A_7 : memref<1x157x2x128xi32, #tpu.memory_space<hbm>> -> memref<157x2x128xi32, #tpu.memory_space<hbm>>
    tpu.enqueue_dma source(%dma_start3A_8 : memref<157x2x128xi32, #tpu.memory_space<hbm>>) target(%arg6 : memref<157x2x128xi32, #tpu.memory_space<vmem>>) target_semaphore(%arg17 : memref<!tpu.dma_semaphore, #tpu.memory_space<semaphore_mem>>)
    %dma_start3A_9 = arith.constant 0 : i32
    %dma_start3A_10 = arith.constant 0 : i32
    %dma_start3A_11 = tpu.memref_slice %arg4[%arg1, %dma_start3A_9, %dma_start3A_10] : memref<16x157x128xf32, #tpu.memory_space<hbm>> -> memref<1x157x128xf32, #tpu.memory_space<hbm>>
    %dma_start3A_12 = tpu.memref_squeeze %dma_start3A_11 : memref<1x157x128xf32, #tpu.memory_space<hbm>> -> memref<157x128xf32, #tpu.memory_space<hbm>>
    %dma_start3A_13 = arith.constant 0 : i32
    %dma_start3A_14 = arith.constant 0 : i32
    %dma_start3A_15 = tpu.memref_slice %arg4[%arg1, %dma_start3A_13, %dma_start3A_14] : memref<16x157x128xf32, #tpu.memory_space<hbm>> -> memref<1x157x128xf32, #tpu.memory_space<hbm>>
    %dma_start3A_16 = tpu.memref_squeeze %dma_start3A_15 : memref<1x157x128xf32, #tpu.memory_space<hbm>> -> memref<157x128xf32, #tpu.memory_space<hbm>>
    tpu.enqueue_dma source(%dma_start3A_16 : memref<157x128xf32, #tpu.memory_space<hbm>>) target(%arg7 : memref<157x128xf32, #tpu.memory_space<vmem>>) target_semaphore(%arg18 : memref<!tpu.dma_semaphore, #tpu.memory_space<semaphore_mem>>)
    %broadcast_in_dim3A = arith.constant 0.000000e+00 : f32
    %broadcast_in_dim3A_17 = vector.broadcast %broadcast_in_dim3A : f32 to vector<16xf32>
    %scan3A = arith.constant 0 : i32
    %scan3A_18 = arith.constant 0 : i32
    %scan3A_19 = arith.constant 128 : i32
    %scan3A_20 = arith.addi %scan3A_18, %scan3A_19 : i32
    %scan3A_21 = arith.constant 1 : i32
    scf.for %scan3A_252 = %scan3A_18 to %scan3A_20 step %scan3A_21  : i32 {
      %swap3A = arith.index_cast %scan3A_252 : i32 to index
      %swap3A_253 = arith.constant 0 : index
      %swap3A_254 = tpu.vector_load %arg8[%swap3A, %swap3A_253] {strides = array<i32>} : memref<128x64xf32, #tpu.memory_space<vmem>>, vector<1x16xf32>,
      %swap3A_255 = vector.shape_cast %swap3A_254 : vector<1x16xf32> to vector<16xf32>
      %swap3A_256 = vector.shape_cast %broadcast_in_dim3A_17 : vector<16xf32> to vector<1x16xf32>
      tpu.vector_store %arg8[%swap3A, %swap3A_253], %swap3A_256 {strides = array<i32>} : memref<128x64xf32, #tpu.memory_space<vmem>>, vector<1x16xf32>,
      %swap3A_257 = arith.index_cast %scan3A_252 : i32 to index
      %swap3A_258 = arith.constant 16 : index
      %swap3A_259 = tpu.vector_load %arg8[%swap3A_257, %swap3A_258] {strides = array<i32>} : memref<128x64xf32, #tpu.memory_space<vmem>>, vector<1x16xf32>,
      %swap3A_260 = vector.shape_cast %swap3A_259 : vector<1x16xf32> to vector<16xf32>
      %swap3A_261 = vector.shape_cast %broadcast_in_dim3A_17 : vector<16xf32> to vector<1x16xf32>
      tpu.vector_store %arg8[%swap3A_257, %swap3A_258], %swap3A_261 {strides = array<i32>} : memref<128x64xf32, #tpu.memory_space<vmem>>, vector<1x16xf32>,
      %swap3A_262 = arith.index_cast %scan3A_252 : i32 to index
      %swap3A_263 = arith.constant 32 : index
      %swap3A_264 = tpu.vector_load %arg8[%swap3A_262, %swap3A_263] {strides = array<i32>} : memref<128x64xf32, #tpu.memory_space<vmem>>, vector<1x16xf32>,
      %swap3A_265 = vector.shape_cast %swap3A_264 : vector<1x16xf32> to vector<16xf32>
      %swap3A_266 = vector.shape_cast %broadcast_in_dim3A_17 : vector<16xf32> to vector<1x16xf32>
      tpu.vector_store %arg8[%swap3A_262, %swap3A_263], %swap3A_266 {strides = array<i32>} : memref<128x64xf32, #tpu.memory_space<vmem>>, vector<1x16xf32>,
      %swap3A_267 = arith.index_cast %scan3A_252 : i32 to index
      %swap3A_268 = arith.constant 48 : index
      %swap3A_269 = tpu.vector_load %arg8[%swap3A_267, %swap3A_268] {strides = array<i32>} : memref<128x64xf32, #tpu.memory_space<vmem>>, vector<1x16xf32>,
      %swap3A_270 = vector.shape_cast %swap3A_269 : vector<1x16xf32> to vector<16xf32>
      %swap3A_271 = vector.shape_cast %broadcast_in_dim3A_17 : vector<16xf32> to vector<1x16xf32>
      tpu.vector_store %arg8[%swap3A_267, %swap3A_268], %swap3A_271 {strides = array<i32>} : memref<128x64xf32, #tpu.memory_space<vmem>>, vector<1x16xf32>,
    }
    %scan3A_22 = arith.constant 128 : i32
    %mul3A = arith.constant 625 : i32
    %mul3A_23 = arith.muli %arg1, %mul3A : i32
    %add3A = arith.constant 0 : i32
    %add3A_24 = arith.addi %mul3A_23, %add3A : i32
    "tpu.region"() ({
      %run_scoped3A = tpu.sem_alloc : memref<!tpu.dma_semaphore, #tpu.memory_space<semaphore_mem>>
      %dma_start3A_252 = arith.constant 0 : i32
      %dma_start3A_253 = tpu.memref_slice %arg19[%add3A_24, %dma_start3A_252] : memref<10000x64xf32, #tpu.memory_space<vmem_shared>> -> memref<128x64xf32, #tpu.memory_space<vmem_shared>>
      %dma_start3A_254 = arith.constant 0 : i32
      %dma_start3A_255 = tpu.memref_slice %arg19[%add3A_24, %dma_start3A_254] : memref<10000x64xf32, #tpu.memory_space<vmem_shared>> -> memref<128x64xf32, #tpu.memory_space<vmem_shared>>
      tpu.enqueue_dma source(%arg8 : memref<128x64xf32, #tpu.memory_space<vmem>>) target(%dma_start3A_255 : memref<128x64xf32, #tpu.memory_space<vmem_shared>>) target_semaphore(%run_scoped3A : memref<!tpu.dma_semaphore, #tpu.memory_space<semaphore_mem>>)
      %dma_wait3A_256 = arith.constant 0 : i32
      %dma_wait3A_257 = tpu.memref_slice %arg19[%add3A_24, %dma_wait3A_256] : memref<10000x64xf32, #tpu.memory_space<vmem_shared>> -> memref<128x64xf32, #tpu.memory_space<vmem_shared>>
      %dma_wait3A_258 = arith.constant 0 : i32
      %dma_wait3A_259 = tpu.memref_slice %arg19[%add3A_24, %dma_wait3A_258] : memref<10000x64xf32, #tpu.memory_space<vmem_shared>> -> memref<128x64xf32, #tpu.memory_space<vmem_shared>>
      tpu.wait_dma2 semaphore(%run_scoped3A : memref<!tpu.dma_semaphore, #tpu.memory_space<semaphore_mem>>) src(%arg8 : memref<128x64xf32, #tpu.memory_space<vmem>>) dst(%dma_wait3A_259 : memref<128x64xf32, #tpu.memory_space<vmem_shared>>)
      tpu.yield
    }) : () -> ()
    %add3A_25 = arith.constant 128 : i32
    %add3A_26 = arith.addi %mul3A_23, %add3A_25 : i32
    "tpu.region"() ({
      %run_scoped3A = tpu.sem_alloc : memref<!tpu.dma_semaphore, #tpu.memory_space<semaphore_mem>>
      %dma_start3A_252 = arith.constant 0 : i32
      %dma_start3A_253 = tpu.memref_slice %arg19[%add3A_26, %dma_start3A_252] : memref<10000x64xf32, #tpu.memory_space<vmem_shared>> -> memref<128x64xf32, #tpu.memory_space<vmem_shared>>
      %dma_start3A_254 = arith.constant 0 : i32
      %dma_start3A_255 = tpu.memref_slice %arg19[%add3A_26, %dma_start3A_254] : memref<10000x64xf32, #tpu.memory_space<vmem_shared>> -> memref<128x64xf32, #tpu.memory_space<vmem_shared>>
      tpu.enqueue_dma source(%arg8 : memref<128x64xf32, #tpu.memory_space<vmem>>) target(%dma_start3A_255 : memref<128x64xf32, #tpu.memory_space<vmem_shared>>) target_semaphore(%run_scoped3A : memref<!tpu.dma_semaphore, #tpu.memory_space<semaphore_mem>>)
      %dma_wait3A_256 = arith.constant 0 : i32
      %dma_wait3A_257 = tpu.memref_slice %arg19[%add3A_26, %dma_wait3A_256] : memref<10000x64xf32, #tpu.memory_space<vmem_shared>> -> memref<128x64xf32, #tpu.memory_space<vmem_shared>>
      %dma_wait3A_258 = arith.constant 0 : i32
      %dma_wait3A_259 = tpu.memref_slice %arg19[%add3A_26, %dma_wait3A_258] : memref<10000x64xf32, #tpu.memory_space<vmem_shared>> -> memref<128x64xf32, #tpu.memory_space<vmem_shared>>
      tpu.wait_dma2 semaphore(%run_scoped3A : memref<!tpu.dma_semaphore, #tpu.memory_space<semaphore_mem>>) src(%arg8 : memref<128x64xf32, #tpu.memory_space<vmem>>) dst(%dma_wait3A_259 : memref<128x64xf32, #tpu.memory_space<vmem_shared>>)
      tpu.yield
    }) : () -> ()
    %add3A_27 = arith.constant 256 : i32
    %add3A_28 = arith.addi %mul3A_23, %add3A_27 : i32
    "tpu.region"() ({
      %run_scoped3A = tpu.sem_alloc : memref<!tpu.dma_semaphore, #tpu.memory_space<semaphore_mem>>
      %dma_start3A_252 = arith.constant 0 : i32
      %dma_start3A_253 = tpu.memref_slice %arg19[%add3A_28, %dma_start3A_252] : memref<10000x64xf32, #tpu.memory_space<vmem_shared>> -> memref<128x64xf32, #tpu.memory_space<vmem_shared>>
      %dma_start3A_254 = arith.constant 0 : i32
      %dma_start3A_255 = tpu.memref_slice %arg19[%add3A_28, %dma_start3A_254] : memref<10000x64xf32, #tpu.memory_space<vmem_shared>> -> memref<128x64xf32, #tpu.memory_space<vmem_shared>>
      tpu.enqueue_dma source(%arg8 : memref<128x64xf32, #tpu.memory_space<vmem>>) target(%dma_start3A_255 : memref<128x64xf32, #tpu.memory_space<vmem_shared>>) target_semaphore(%run_scoped3A : memref<!tpu.dma_semaphore, #tpu.memory_space<semaphore_mem>>)
      %dma_wait3A_256 = arith.constant 0 : i32
      %dma_wait3A_257 = tpu.memref_slice %arg19[%add3A_28, %dma_wait3A_256] : memref<10000x64xf32, #tpu.memory_space<vmem_shared>> -> memref<128x64xf32, #tpu.memory_space<vmem_shared>>
      %dma_wait3A_258 = arith.constant 0 : i32
      %dma_wait3A_259 = tpu.memref_slice %arg19[%add3A_28, %dma_wait3A_258] : memref<10000x64xf32, #tpu.memory_space<vmem_shared>> -> memref<128x64xf32, #tpu.memory_space<vmem_shared>>
      tpu.wait_dma2 semaphore(%run_scoped3A : memref<!tpu.dma_semaphore, #tpu.memory_space<semaphore_mem>>) src(%arg8 : memref<128x64xf32, #tpu.memory_space<vmem>>) dst(%dma_wait3A_259 : memref<128x64xf32, #tpu.memory_space<vmem_shared>>)
      tpu.yield
    }) : () -> ()
    %add3A_29 = arith.constant 384 : i32
    %add3A_30 = arith.addi %mul3A_23, %add3A_29 : i32
    "tpu.region"() ({
      %run_scoped3A = tpu.sem_alloc : memref<!tpu.dma_semaphore, #tpu.memory_space<semaphore_mem>>
      %dma_start3A_252 = arith.constant 0 : i32
      %dma_start3A_253 = tpu.memref_slice %arg19[%add3A_30, %dma_start3A_252] : memref<10000x64xf32, #tpu.memory_space<vmem_shared>> -> memref<128x64xf32, #tpu.memory_space<vmem_shared>>
      %dma_start3A_254 = arith.constant 0 : i32
      %dma_start3A_255 = tpu.memref_slice %arg19[%add3A_30, %dma_start3A_254] : memref<10000x64xf32, #tpu.memory_space<vmem_shared>> -> memref<128x64xf32, #tpu.memory_space<vmem_shared>>
      tpu.enqueue_dma source(%arg8 : memref<128x64xf32, #tpu.memory_space<vmem>>) target(%dma_start3A_255 : memref<128x64xf32, #tpu.memory_space<vmem_shared>>) target_semaphore(%run_scoped3A : memref<!tpu.dma_semaphore, #tpu.memory_space<semaphore_mem>>)
      %dma_wait3A_256 = arith.constant 0 : i32
      %dma_wait3A_257 = tpu.memref_slice %arg19[%add3A_30, %dma_wait3A_256] : memref<10000x64xf32, #tpu.memory_space<vmem_shared>> -> memref<128x64xf32, #tpu.memory_space<vmem_shared>>
      %dma_wait3A_258 = arith.constant 0 : i32
      %dma_wait3A_259 = tpu.memref_slice %arg19[%add3A_30, %dma_wait3A_258] : memref<10000x64xf32, #tpu.memory_space<vmem_shared>> -> memref<128x64xf32, #tpu.memory_space<vmem_shared>>
      tpu.wait_dma2 semaphore(%run_scoped3A : memref<!tpu.dma_semaphore, #tpu.memory_space<semaphore_mem>>) src(%arg8 : memref<128x64xf32, #tpu.memory_space<vmem>>) dst(%dma_wait3A_259 : memref<128x64xf32, #tpu.memory_space<vmem_shared>>)
      tpu.yield
    }) : () -> ()
    %add3A_31 = arith.constant 512 : i32
    %add3A_32 = arith.addi %mul3A_23, %add3A_31 : i32
    "tpu.region"() ({
      %run_scoped3A = tpu.sem_alloc : memref<!tpu.dma_semaphore, #tpu.memory_space<semaphore_mem>>
      %dma_start3A_252 = arith.constant 0 : i32
      %dma_start3A_253 = arith.constant 0 : i32
      %dma_start3A_254 = tpu.memref_slice %arg8[%dma_start3A_252, %dma_start3A_253] : memref<128x64xf32, #tpu.memory_space<vmem>> -> memref<113x64xf32, #tpu.memory_space<vmem>>
      %dma_start3A_255 = arith.constant 0 : i32
      %dma_start3A_256 = tpu.memref_slice %arg19[%add3A_32, %dma_start3A_255] : memref<10000x64xf32, #tpu.memory_space<vmem_shared>> -> memref<113x64xf32, #tpu.memory_space<vmem_shared>>
      %dma_start3A_257 = arith.constant 0 : i32
      %dma_start3A_258 = tpu.memref_slice %arg19[%add3A_32, %dma_start3A_257] : memref<10000x64xf32, #tpu.memory_space<vmem_shared>> -> memref<113x64xf32, #tpu.memory_space<vmem_shared>>
      %dma_start3A_259 = arith.constant 0 : i32
      %dma_start3A_260 = arith.constant 0 : i32
      %dma_start3A_261 = tpu.memref_slice %arg8[%dma_start3A_259, %dma_start3A_260] : memref<128x64xf32, #tpu.memory_space<vmem>> -> memref<113x64xf32, #tpu.memory_space<vmem>>
      tpu.enqueue_dma source(%dma_start3A_261 : memref<113x64xf32, #tpu.memory_space<vmem>>) target(%dma_start3A_258 : memref<113x64xf32, #tpu.memory_space<vmem_shared>>) target_semaphore(%run_scoped3A : memref<!tpu.dma_semaphore, #tpu.memory_space<semaphore_mem>>)
      %dma_wait3A_262 = arith.constant 0 : i32
      %dma_wait3A_263 = arith.constant 0 : i32
      %dma_wait3A_264 = tpu.memref_slice %arg8[%dma_wait3A_262, %dma_wait3A_263] : memref<128x64xf32, #tpu.memory_space<vmem>> -> memref<113x64xf32, #tpu.memory_space<vmem>>
      %dma_wait3A_265 = arith.constant 0 : i32
      %dma_wait3A_266 = tpu.memref_slice %arg19[%add3A_32, %dma_wait3A_265] : memref<10000x64xf32, #tpu.memory_space<vmem_shared>> -> memref<113x64xf32, #tpu.memory_space<vmem_shared>>
      %dma_wait3A_267 = arith.constant 0 : i32
      %dma_wait3A_268 = tpu.memref_slice %arg19[%add3A_32, %dma_wait3A_267] : memref<10000x64xf32, #tpu.memory_space<vmem_shared>> -> memref<113x64xf32, #tpu.memory_space<vmem_shared>>
      %dma_wait3A_269 = arith.constant 0 : i32
      %dma_wait3A_270 = arith.constant 0 : i32
      %dma_wait3A_271 = tpu.memref_slice %arg8[%dma_wait3A_269, %dma_wait3A_270] : memref<128x64xf32, #tpu.memory_space<vmem>> -> memref<113x64xf32, #tpu.memory_space<vmem>>
      tpu.wait_dma2 semaphore(%run_scoped3A : memref<!tpu.dma_semaphore, #tpu.memory_space<semaphore_mem>>) src(%dma_wait3A_271 : memref<113x64xf32, #tpu.memory_space<vmem>>) dst(%dma_wait3A_268 : memref<113x64xf32, #tpu.memory_space<vmem_shared>>)
      tpu.yield
    }) : () -> ()
    %dma_wait3A = arith.constant 0 : i32
    %dma_wait3A_33 = arith.constant 0 : i32
    %dma_wait3A_34 = arith.constant 0 : i32
    %dma_wait3A_35 = tpu.memref_slice %arg3[%arg1, %dma_wait3A, %dma_wait3A_33, %dma_wait3A_34] : memref<16x157x2x128xi32, #tpu.memory_space<hbm>> -> memref<1x157x2x128xi32, #tpu.memory_space<hbm>>
    %dma_wait3A_36 = tpu.memref_squeeze %dma_wait3A_35 : memref<1x157x2x128xi32, #tpu.memory_space<hbm>> -> memref<157x2x128xi32, #tpu.memory_space<hbm>>
    %dma_wait3A_37 = arith.constant 0 : i32
    %dma_wait3A_38 = arith.constant 0 : i32
    %dma_wait3A_39 = arith.constant 0 : i32
    %dma_wait3A_40 = tpu.memref_slice %arg3[%arg1, %dma_wait3A_37, %dma_wait3A_38, %dma_wait3A_39] : memref<16x157x2x128xi32, #tpu.memory_space<hbm>> -> memref<1x157x2x128xi32, #tpu.memory_space<hbm>>
    %dma_wait3A_41 = tpu.memref_squeeze %dma_wait3A_40 : memref<1x157x2x128xi32, #tpu.memory_space<hbm>> -> memref<157x2x128xi32, #tpu.memory_space<hbm>>
    tpu.wait_dma2 semaphore(%arg17 : memref<!tpu.dma_semaphore, #tpu.memory_space<semaphore_mem>>) src(%dma_wait3A_41 : memref<157x2x128xi32, #tpu.memory_space<hbm>>) dst(%arg6 : memref<157x2x128xi32, #tpu.memory_space<vmem>>)
    %dma_wait3A_42 = arith.constant 0 : i32
    %dma_wait3A_43 = arith.constant 0 : i32
    %dma_wait3A_44 = tpu.memref_slice %arg4[%arg1, %dma_wait3A_42, %dma_wait3A_43] : memref<16x157x128xf32, #tpu.memory_space<hbm>> -> memref<1x157x128xf32, #tpu.memory_space<hbm>>
    %dma_wait3A_45 = tpu.memref_squeeze %dma_wait3A_44 : memref<1x157x128xf32, #tpu.memory_space<hbm>> -> memref<157x128xf32, #tpu.memory_space<hbm>>
    %dma_wait3A_46 = arith.constant 0 : i32
    %dma_wait3A_47 = arith.constant 0 : i32
    %dma_wait3A_48 = tpu.memref_slice %arg4[%arg1, %dma_wait3A_46, %dma_wait3A_47] : memref<16x157x128xf32, #tpu.memory_space<hbm>> -> memref<1x157x128xf32, #tpu.memory_space<hbm>>
    %dma_wait3A_49 = tpu.memref_squeeze %dma_wait3A_48 : memref<1x157x128xf32, #tpu.memory_space<hbm>> -> memref<157x128xf32, #tpu.memory_space<hbm>>
    tpu.wait_dma2 semaphore(%arg18 : memref<!tpu.dma_semaphore, #tpu.memory_space<semaphore_mem>>) src(%dma_wait3A_49 : memref<157x128xf32, #tpu.memory_space<hbm>>) dst(%arg7 : memref<157x128xf32, #tpu.memory_space<vmem>>)
    %dma_start3A_50 = arith.constant 0 : i32
    %dma_start3A_51 = arith.constant 1 : i32
    %dma_start3A_52 = arith.constant 0 : i32
    %dma_start3A_53 = tpu.memref_slice %arg6[%dma_start3A_50, %dma_start3A_51, %dma_start3A_52] : memref<157x2x128xi32, #tpu.memory_space<vmem>> -> memref<1x1x128xi32, #tpu.memory_space<vmem>>
    %dma_start3A_54 = tpu.memref_squeeze %dma_start3A_53 : memref<1x1x128xi32, #tpu.memory_space<vmem>> -> memref<128xi32, #tpu.memory_space<vmem>>
    %dma_start3A_55 = arith.constant 0 : i32
    %dma_start3A_56 = arith.constant 0 : i32
    %dma_start3A_57 = tpu.memref_slice %arg2[%arg0, %dma_start3A_55, %dma_start3A_56] : memref<2x10000x64xf32, #tpu.memory_space<hbm>> -> memref<1x10000x64xf32, #tpu.memory_space<hbm>>
    %dma_start3A_58 = tpu.memref_squeeze %dma_start3A_57 : memref<1x10000x64xf32, #tpu.memory_space<hbm>> -> memref<10000x64xf32, #tpu.memory_space<hbm>>
    %dma_start3A_59 = arith.constant 0 : i32
    %dma_start3A_60 = arith.constant 0 : i32
    %dma_start3A_61 = tpu.memref_slice %dma_start3A_58[%dma_start3A_59, %dma_start3A_60] : memref<10000x64xf32, #tpu.memory_space<hbm>> -> memref<10000x64xf32, #tpu.memory_space<hbm>>
    tpu.enqueue_indirect_dma source(%dma_start3A_61 : memref<10000x64xf32, #tpu.memory_space<hbm>>) target(%arg8 : memref<128x64xf32, #tpu.memory_space<vmem>>) offsets(%dma_start3A_54 : memref<128xi32, #tpu.memory_space<vmem>>) semaphore(%arg11 : memref<!tpu.dma_semaphore, #tpu.memory_space<semaphore_mem>>)
    %dma_start3A_62 = arith.constant 1 : i32
    %dma_start3A_63 = arith.constant 1 : i32
    %dma_start3A_64 = arith.constant 0 : i32
    %dma_start3A_65 = tpu.memref_slice %arg6[%dma_start3A_62, %dma_start3A_63, %dma_start3A_64] : memref<157x2x128xi32, #tpu.memory_space<vmem>> -> memref<1x1x128xi32, #tpu.memory_space<vmem>>
    %dma_start3A_66 = tpu.memref_squeeze %dma_start3A_65 : memref<1x1x128xi32, #tpu.memory_space<vmem>> -> memref<128xi32, #tpu.memory_space<vmem>>
    %dma_start3A_67 = arith.constant 0 : i32
    %dma_start3A_68 = arith.constant 0 : i32
    %dma_start3A_69 = tpu.memref_slice %arg2[%arg0, %dma_start3A_67, %dma_start3A_68] : memref<2x10000x64xf32, #tpu.memory_space<hbm>> -> memref<1x10000x64xf32, #tpu.memory_space<hbm>>
    %dma_start3A_70 = tpu.memref_squeeze %dma_start3A_69 : memref<1x10000x64xf32, #tpu.memory_space<hbm>> -> memref<10000x64xf32, #tpu.memory_space<hbm>>
    %dma_start3A_71 = arith.constant 0 : i32
    %dma_start3A_72 = arith.constant 0 : i32
    %dma_start3A_73 = tpu.memref_slice %dma_start3A_70[%dma_start3A_71, %dma_start3A_72] : memref<10000x64xf32, #tpu.memory_space<hbm>> -> memref<10000x64xf32, #tpu.memory_space<hbm>>
    tpu.enqueue_indirect_dma source(%dma_start3A_73 : memref<10000x64xf32, #tpu.memory_space<hbm>>) target(%arg9 : memref<128x64xf32, #tpu.memory_space<vmem>>) offsets(%dma_start3A_66 : memref<128xi32, #tpu.memory_space<vmem>>) semaphore(%arg12 : memref<!tpu.dma_semaphore, #tpu.memory_space<semaphore_mem>>)
    %dma_start3A_74 = arith.constant 2 : i32
    %dma_start3A_75 = arith.constant 1 : i32
    %dma_start3A_76 = arith.constant 0 : i32
    %dma_start3A_77 = tpu.memref_slice %arg6[%dma_start3A_74, %dma_start3A_75, %dma_start3A_76] : memref<157x2x128xi32, #tpu.memory_space<vmem>> -> memref<1x1x128xi32, #tpu.memory_space<vmem>>
    %dma_start3A_78 = tpu.memref_squeeze %dma_start3A_77 : memref<1x1x128xi32, #tpu.memory_space<vmem>> -> memref<128xi32, #tpu.memory_space<vmem>>
    %dma_start3A_79 = arith.constant 0 : i32
    %dma_start3A_80 = arith.constant 0 : i32
    %dma_start3A_81 = tpu.memref_slice %arg2[%arg0, %dma_start3A_79, %dma_start3A_80] : memref<2x10000x64xf32, #tpu.memory_space<hbm>> -> memref<1x10000x64xf32, #tpu.memory_space<hbm>>
    %dma_start3A_82 = tpu.memref_squeeze %dma_start3A_81 : memref<1x10000x64xf32, #tpu.memory_space<hbm>> -> memref<10000x64xf32, #tpu.memory_space<hbm>>
    %dma_start3A_83 = arith.constant 0 : i32
    %dma_start3A_84 = arith.constant 0 : i32
    %dma_start3A_85 = tpu.memref_slice %dma_start3A_82[%dma_start3A_83, %dma_start3A_84] : memref<10000x64xf32, #tpu.memory_space<hbm>> -> memref<10000x64xf32, #tpu.memory_space<hbm>>
    tpu.enqueue_indirect_dma source(%dma_start3A_85 : memref<10000x64xf32, #tpu.memory_space<hbm>>) target(%arg10 : memref<128x64xf32, #tpu.memory_space<vmem>>) offsets(%dma_start3A_78 : memref<128xi32, #tpu.memory_space<vmem>>) semaphore(%arg13 : memref<!tpu.dma_semaphore, #tpu.memory_space<semaphore_mem>>)
    %barrier3A = arith.constant 0 : index
    tpu.barrier barrier_id(%barrier3A)
    %dma_wait3A_86 = arith.constant 0 : i32
    %dma_wait3A_87 = arith.constant 1 : i32
    %dma_wait3A_88 = arith.constant 0 : i32
    %dma_wait3A_89 = tpu.memref_slice %arg6[%dma_wait3A_86, %dma_wait3A_87, %dma_wait3A_88] : memref<157x2x128xi32, #tpu.memory_space<vmem>> -> memref<1x1x128xi32, #tpu.memory_space<vmem>>
    %dma_wait3A_90 = tpu.memref_squeeze %dma_wait3A_89 : memref<1x1x128xi32, #tpu.memory_space<vmem>> -> memref<128xi32, #tpu.memory_space<vmem>>
    %dma_wait3A_91 = arith.constant 0 : i32
    %dma_wait3A_92 = arith.constant 0 : i32
    %dma_wait3A_93 = tpu.memref_slice %arg2[%arg0, %dma_wait3A_91, %dma_wait3A_92] : memref<2x10000x64xf32, #tpu.memory_space<hbm>> -> memref<1x10000x64xf32, #tpu.memory_space<hbm>>
    %dma_wait3A_94 = tpu.memref_squeeze %dma_wait3A_93 : memref<1x10000x64xf32, #tpu.memory_space<hbm>> -> memref<10000x64xf32, #tpu.memory_space<hbm>>
    %dma_wait3A_95 = arith.constant 0 : i32
    %dma_wait3A_96 = arith.constant 0 : i32
    %dma_wait3A_97 = tpu.memref_slice %dma_wait3A_94[%dma_wait3A_95, %dma_wait3A_96] : memref<10000x64xf32, #tpu.memory_space<hbm>> -> memref<10000x64xf32, #tpu.memory_space<hbm>>
    tpu.wait_indirect_dma semaphore(%arg11 : memref<!tpu.dma_semaphore, #tpu.memory_space<semaphore_mem>>) src(%dma_wait3A_97 : memref<10000x64xf32, #tpu.memory_space<hbm>>) dst(%arg8 : memref<128x64xf32, #tpu.memory_space<vmem>>)
    %parallel_loop3A = arith.constant 0 : i32
    %parallel_loop3A_98 = arith.constant 128 : i32
    %parallel_loop3A_99 = arith.constant 1 : i32
    scf.for %parallel_loop3A_252 = %parallel_loop3A to %parallel_loop3A_98 step %parallel_loop3A_99  : i32 {
      %parallel_loop3A_253 = arith.constant 16 : i32
      %parallel_loop3A_254 = arith.divsi %parallel_loop3A_252, %parallel_loop3A_253 : i32
      %parallel_loop3A_255 = arith.constant 0 : i32
      %parallel_loop3A_256 = arith.cmpi sgt, %parallel_loop3A_252, %parallel_loop3A_255 : i32
      %parallel_loop3A_257 = arith.extui %parallel_loop3A_256 : i1 to i32
      %parallel_loop3A_258 = arith.constant 0 : i32
      %parallel_loop3A_259 = arith.cmpi slt, %parallel_loop3A_252, %parallel_loop3A_258 : i32
      %parallel_loop3A_260 = arith.extui %parallel_loop3A_259 : i1 to i32
      %parallel_loop3A_261 = arith.subi %parallel_loop3A_257, %parallel_loop3A_260 : i32
      %parallel_loop3A_262 = arith.constant 0 : i32
      %parallel_loop3A_263 = arith.cmpi sgt, %parallel_loop3A_253, %parallel_loop3A_262 : i32
      %parallel_loop3A_264 = arith.extui %parallel_loop3A_263 : i1 to i32
      %parallel_loop3A_265 = arith.constant 0 : i32
      %parallel_loop3A_266 = arith.cmpi slt, %parallel_loop3A_253, %parallel_loop3A_265 : i32
      %parallel_loop3A_267 = arith.extui %parallel_loop3A_266 : i1 to i32
      %parallel_loop3A_268 = arith.subi %parallel_loop3A_264, %parallel_loop3A_267 : i32
      %parallel_loop3A_269 = arith.cmpi ne, %parallel_loop3A_261, %parallel_loop3A_268 : i32
      %parallel_loop3A_270 = arith.remsi %parallel_loop3A_252, %parallel_loop3A_253 : i32
      %parallel_loop3A_271 = arith.constant 0 : i32
      %parallel_loop3A_272 = arith.cmpi ne, %parallel_loop3A_270, %parallel_loop3A_271 : i32
      %parallel_loop3A_273 = arith.andi %parallel_loop3A_269, %parallel_loop3A_272 : i1
      %parallel_loop3A_274 = arith.constant 1 : i32
      %parallel_loop3A_275 = arith.subi %parallel_loop3A_254, %parallel_loop3A_274 : i32
      %parallel_loop3A_276 = arith.select %parallel_loop3A_273, %parallel_loop3A_275, %parallel_loop3A_254 : i32
      %parallel_loop3A_277 = arith.constant 16 : i32
      %parallel_loop3A_278 = arith.muli %parallel_loop3A_276, %parallel_loop3A_277 : i32
      %parallel_loop3A_279 = arith.subi %parallel_loop3A_252, %parallel_loop3A_278 : i32
      %parallel_loop3A_280 = arith.constant 0 : i32
      %parallel_loop3A_281 = arith.index_cast %parallel_loop3A_280 : i32 to index
      %parallel_loop3A_282 = arith.index_cast %parallel_loop3A_278 : i32 to index
      %parallel_loop3A_283 = tpu.vector_load %arg7[%parallel_loop3A_281, %parallel_loop3A_282] {strides = array<i32>} : memref<157x128xf32, #tpu.memory_space<vmem>>, vector<1x16xf32>,
      %parallel_loop3A_284 = vector.shape_cast %parallel_loop3A_283 : vector<1x16xf32> to vector<16xf32>
      %parallel_loop3A_285 = vector.broadcast %parallel_loop3A_279 : i32 to vector<16x1xi32>
      %parallel_loop3A_286 = vector.shape_cast %parallel_loop3A_285 : vector<16x1xi32> to vector<16xi32>
      %parallel_loop3A_287 = tpu.dynamic_gather %parallel_loop3A_284[%parallel_loop3A_286] in [0] : vector<16xf32>, vector<16xi32> -> vector<16xf32>
      %parallel_loop3A_288 = arith.index_cast %parallel_loop3A_252 : i32 to index
      %parallel_loop3A_289 = arith.constant 0 : index
      %parallel_loop3A_290 = tpu.vector_load %arg8[%parallel_loop3A_288, %parallel_loop3A_289] {strides = array<i32>} : memref<128x64xf32, #tpu.memory_space<vmem>>, vector<1x16xf32>,
      %parallel_loop3A_291 = vector.shape_cast %parallel_loop3A_290 : vector<1x16xf32> to vector<16xf32>
      %parallel_loop3A_292 = arith.mulf %parallel_loop3A_291, %parallel_loop3A_287 : vector<16xf32>
      %parallel_loop3A_293 = arith.index_cast %parallel_loop3A_252 : i32 to index
      %parallel_loop3A_294 = arith.constant 0 : index
      %parallel_loop3A_295 = tpu.vector_load %arg8[%parallel_loop3A_293, %parallel_loop3A_294] {strides = array<i32>} : memref<128x64xf32, #tpu.memory_space<vmem>>, vector<1x16xf32>,
      %parallel_loop3A_296 = vector.shape_cast %parallel_loop3A_295 : vector<1x16xf32> to vector<16xf32>
      %parallel_loop3A_297 = vector.shape_cast %parallel_loop3A_292 : vector<16xf32> to vector<1x16xf32>
      tpu.vector_store %arg8[%parallel_loop3A_293, %parallel_loop3A_294], %parallel_loop3A_297 {strides = array<i32>} : memref<128x64xf32, #tpu.memory_space<vmem>>, vector<1x16xf32>,
      %parallel_loop3A_298 = arith.index_cast %parallel_loop3A_252 : i32 to index
      %parallel_loop3A_299 = arith.constant 16 : index
      %parallel_loop3A_300 = tpu.vector_load %arg8[%parallel_loop3A_298, %parallel_loop3A_299] {strides = array<i32>} : memref<128x64xf32, #tpu.memory_space<vmem>>, vector<1x16xf32>,
      %parallel_loop3A_301 = vector.shape_cast %parallel_loop3A_300 : vector<1x16xf32> to vector<16xf32>
      %parallel_loop3A_302 = arith.mulf %parallel_loop3A_301, %parallel_loop3A_287 : vector<16xf32>
      %parallel_loop3A_303 = arith.index_cast %parallel_loop3A_252 : i32 to index
      %parallel_loop3A_304 = arith.constant 16 : index
      %parallel_loop3A_305 = tpu.vector_load %arg8[%parallel_loop3A_303, %parallel_loop3A_304] {strides = array<i32>} : memref<128x64xf32, #tpu.memory_space<vmem>>, vector<1x16xf32>,
      %parallel_loop3A_306 = vector.shape_cast %parallel_loop3A_305 : vector<1x16xf32> to vector<16xf32>
      %parallel_loop3A_307 = vector.shape_cast %parallel_loop3A_302 : vector<16xf32> to vector<1x16xf32>
      tpu.vector_store %arg8[%parallel_loop3A_303, %parallel_loop3A_304], %parallel_loop3A_307 {strides = array<i32>} : memref<128x64xf32, #tpu.memory_space<vmem>>, vector<1x16xf32>,
      %parallel_loop3A_308 = arith.index_cast %parallel_loop3A_252 : i32 to index
      %parallel_loop3A_309 = arith.constant 32 : index
      %parallel_loop3A_310 = tpu.vector_load %arg8[%parallel_loop3A_308, %parallel_loop3A_309] {strides = array<i32>} : memref<128x64xf32, #tpu.memory_space<vmem>>, vector<1x16xf32>,
      %parallel_loop3A_311 = vector.shape_cast %parallel_loop3A_310 : vector<1x16xf32> to vector<16xf32>
      %parallel_loop3A_312 = arith.mulf %parallel_loop3A_311, %parallel_loop3A_287 : vector<16xf32>
      %parallel_loop3A_313 = arith.index_cast %parallel_loop3A_252 : i32 to index
      %parallel_loop3A_314 = arith.constant 32 : index
      %parallel_loop3A_315 = tpu.vector_load %arg8[%parallel_loop3A_313, %parallel_loop3A_314] {strides = array<i32>} : memref<128x64xf32, #tpu.memory_space<vmem>>, vector<1x16xf32>,
      %parallel_loop3A_316 = vector.shape_cast %parallel_loop3A_315 : vector<1x16xf32> to vector<16xf32>
      %parallel_loop3A_317 = vector.shape_cast %parallel_loop3A_312 : vector<16xf32> to vector<1x16xf32>
      tpu.vector_store %arg8[%parallel_loop3A_313, %parallel_loop3A_314], %parallel_loop3A_317 {strides = array<i32>} : memref<128x64xf32, #tpu.memory_space<vmem>>, vector<1x16xf32>,
      %parallel_loop3A_318 = arith.index_cast %parallel_loop3A_252 : i32 to index
      %parallel_loop3A_319 = arith.constant 48 : index
      %parallel_loop3A_320 = tpu.vector_load %arg8[%parallel_loop3A_318, %parallel_loop3A_319] {strides = array<i32>} : memref<128x64xf32, #tpu.memory_space<vmem>>, vector<1x16xf32>,
      %parallel_loop3A_321 = vector.shape_cast %parallel_loop3A_320 : vector<1x16xf32> to vector<16xf32>
      %parallel_loop3A_322 = arith.mulf %parallel_loop3A_321, %parallel_loop3A_287 : vector<16xf32>
      %parallel_loop3A_323 = arith.index_cast %parallel_loop3A_252 : i32 to index
      %parallel_loop3A_324 = arith.constant 48 : index
      %parallel_loop3A_325 = tpu.vector_load %arg8[%parallel_loop3A_323, %parallel_loop3A_324] {strides = array<i32>} : memref<128x64xf32, #tpu.memory_space<vmem>>, vector<1x16xf32>,
      %parallel_loop3A_326 = vector.shape_cast %parallel_loop3A_325 : vector<1x16xf32> to vector<16xf32>
      %parallel_loop3A_327 = vector.shape_cast %parallel_loop3A_322 : vector<16xf32> to vector<1x16xf32>
      tpu.vector_store %arg8[%parallel_loop3A_323, %parallel_loop3A_324], %parallel_loop3A_327 {strides = array<i32>} : memref<128x64xf32, #tpu.memory_space<vmem>>, vector<1x16xf32>,
    } {sc.loop_unroll_factor = 8 : i64, sc.parallel_access}
    %dma_start3A_100 = arith.constant 0 : i32
    %dma_start3A_101 = arith.constant 0 : i32
    %dma_start3A_102 = arith.constant 0 : i32
    %dma_start3A_103 = tpu.memref_slice %arg6[%dma_start3A_100, %dma_start3A_101, %dma_start3A_102] : memref<157x2x128xi32, #tpu.memory_space<vmem>> -> memref<1x1x128xi32, #tpu.memory_space<vmem>>
    %dma_start3A_104 = tpu.memref_squeeze %dma_start3A_103 : memref<1x1x128xi32, #tpu.memory_space<vmem>> -> memref<128xi32, #tpu.memory_space<vmem>>
    %dma_start3A_105 = arith.constant 0 : i32
    %dma_start3A_106 = arith.constant 0 : i32
    %dma_start3A_107 = tpu.memref_slice %arg19[%dma_start3A_105, %dma_start3A_106] : memref<10000x64xf32, #tpu.memory_space<vmem_shared>> -> memref<10000x64xf32, #tpu.memory_space<vmem_shared>>
    tpu.enqueue_indirect_dma source(%arg8 : memref<128x64xf32, #tpu.memory_space<vmem>>) target(%dma_start3A_107 : memref<10000x64xf32, #tpu.memory_space<vmem_shared>>) offsets(%dma_start3A_104 : memref<128xi32, #tpu.memory_space<vmem>>) semaphore(%arg14 : memref<!tpu.dma_semaphore, #tpu.memory_space<semaphore_mem>>) {add = true}
    %dma_wait3A_108 = arith.constant 1 : i32
    %dma_wait3A_109 = arith.constant 1 : i32
    %dma_wait3A_110 = arith.constant 0 : i32
    %dma_wait3A_111 = tpu.memref_slice %arg6[%dma_wait3A_108, %dma_wait3A_109, %dma_wait3A_110] : memref<157x2x128xi32, #tpu.memory_space<vmem>> -> memref<1x1x128xi32, #tpu.memory_space<vmem>>
    %dma_wait3A_112 = tpu.memref_squeeze %dma_wait3A_111 : memref<1x1x128xi32, #tpu.memory_space<vmem>> -> memref<128xi32, #tpu.memory_space<vmem>>
    %dma_wait3A_113 = arith.constant 0 : i32
    %dma_wait3A_114 = arith.constant 0 : i32
    %dma_wait3A_115 = tpu.memref_slice %arg2[%arg0, %dma_wait3A_113, %dma_wait3A_114] : memref<2x10000x64xf32, #tpu.memory_space<hbm>> -> memref<1x10000x64xf32, #tpu.memory_space<hbm>>
    %dma_wait3A_116 = tpu.memref_squeeze %dma_wait3A_115 : memref<1x10000x64xf32, #tpu.memory_space<hbm>> -> memref<10000x64xf32, #tpu.memory_space<hbm>>
    %dma_wait3A_117 = arith.constant 0 : i32
    %dma_wait3A_118 = arith.constant 0 : i32
    %dma_wait3A_119 = tpu.memref_slice %dma_wait3A_116[%dma_wait3A_117, %dma_wait3A_118] : memref<10000x64xf32, #tpu.memory_space<hbm>> -> memref<10000x64xf32, #tpu.memory_space<hbm>>
    tpu.wait_indirect_dma semaphore(%arg12 : memref<!tpu.dma_semaphore, #tpu.memory_space<semaphore_mem>>) src(%dma_wait3A_119 : memref<10000x64xf32, #tpu.memory_space<hbm>>) dst(%arg9 : memref<128x64xf32, #tpu.memory_space<vmem>>)
    %parallel_loop3A_120 = arith.constant 0 : i32
    %parallel_loop3A_121 = arith.constant 128 : i32
    %parallel_loop3A_122 = arith.constant 1 : i32
    scf.for %parallel_loop3A_252 = %parallel_loop3A_120 to %parallel_loop3A_121 step %parallel_loop3A_122  : i32 {
      %parallel_loop3A_253 = arith.constant 16 : i32
      %parallel_loop3A_254 = arith.divsi %parallel_loop3A_252, %parallel_loop3A_253 : i32
      %parallel_loop3A_255 = arith.constant 0 : i32
      %parallel_loop3A_256 = arith.cmpi sgt, %parallel_loop3A_252, %parallel_loop3A_255 : i32
      %parallel_loop3A_257 = arith.extui %parallel_loop3A_256 : i1 to i32
      %parallel_loop3A_258 = arith.constant 0 : i32
      %parallel_loop3A_259 = arith.cmpi slt, %parallel_loop3A_252, %parallel_loop3A_258 : i32
      %parallel_loop3A_260 = arith.extui %parallel_loop3A_259 : i1 to i32
      %parallel_loop3A_261 = arith.subi %parallel_loop3A_257, %parallel_loop3A_260 : i32
      %parallel_loop3A_262 = arith.constant 0 : i32
      %parallel_loop3A_263 = arith.cmpi sgt, %parallel_loop3A_253, %parallel_loop3A_262 : i32
      %parallel_loop3A_264 = arith.extui %parallel_loop3A_263 : i1 to i32
      %parallel_loop3A_265 = arith.constant 0 : i32
      %parallel_loop3A_266 = arith.cmpi slt, %parallel_loop3A_253, %parallel_loop3A_265 : i32
      %parallel_loop3A_267 = arith.extui %parallel_loop3A_266 : i1 to i32
      %parallel_loop3A_268 = arith.subi %parallel_loop3A_264, %parallel_loop3A_267 : i32
      %parallel_loop3A_269 = arith.cmpi ne, %parallel_loop3A_261, %parallel_loop3A_268 : i32
      %parallel_loop3A_270 = arith.remsi %parallel_loop3A_252, %parallel_loop3A_253 : i32
      %parallel_loop3A_271 = arith.constant 0 : i32
      %parallel_loop3A_272 = arith.cmpi ne, %parallel_loop3A_270, %parallel_loop3A_271 : i32
      %parallel_loop3A_273 = arith.andi %parallel_loop3A_269, %parallel_loop3A_272 : i1
      %parallel_loop3A_274 = arith.constant 1 : i32
      %parallel_loop3A_275 = arith.subi %parallel_loop3A_254, %parallel_loop3A_274 : i32
      %parallel_loop3A_276 = arith.select %parallel_loop3A_273, %parallel_loop3A_275, %parallel_loop3A_254 : i32
      %parallel_loop3A_277 = arith.constant 16 : i32
      %parallel_loop3A_278 = arith.muli %parallel_loop3A_276, %parallel_loop3A_277 : i32
      %parallel_loop3A_279 = arith.subi %parallel_loop3A_252, %parallel_loop3A_278 : i32
      %parallel_loop3A_280 = arith.constant 1 : i32
      %parallel_loop3A_281 = arith.index_cast %parallel_loop3A_280 : i32 to index
      %parallel_loop3A_282 = arith.index_cast %parallel_loop3A_278 : i32 to index
      %parallel_loop3A_283 = tpu.vector_load %arg7[%parallel_loop3A_281, %parallel_loop3A_282] {strides = array<i32>} : memref<157x128xf32, #tpu.memory_space<vmem>>, vector<1x16xf32>,
      %parallel_loop3A_284 = vector.shape_cast %parallel_loop3A_283 : vector<1x16xf32> to vector<16xf32>
      %parallel_loop3A_285 = vector.broadcast %parallel_loop3A_279 : i32 to vector<16x1xi32>
      %parallel_loop3A_286 = vector.shape_cast %parallel_loop3A_285 : vector<16x1xi32> to vector<16xi32>
      %parallel_loop3A_287 = tpu.dynamic_gather %parallel_loop3A_284[%parallel_loop3A_286] in [0] : vector<16xf32>, vector<16xi32> -> vector<16xf32>
      %parallel_loop3A_288 = arith.index_cast %parallel_loop3A_252 : i32 to index
      %parallel_loop3A_289 = arith.constant 0 : index
      %parallel_loop3A_290 = tpu.vector_load %arg9[%parallel_loop3A_288, %parallel_loop3A_289] {strides = array<i32>} : memref<128x64xf32, #tpu.memory_space<vmem>>, vector<1x16xf32>,
      %parallel_loop3A_291 = vector.shape_cast %parallel_loop3A_290 : vector<1x16xf32> to vector<16xf32>
      %parallel_loop3A_292 = arith.mulf %parallel_loop3A_291, %parallel_loop3A_287 : vector<16xf32>
      %parallel_loop3A_293 = arith.index_cast %parallel_loop3A_252 : i32 to index
      %parallel_loop3A_294 = arith.constant 0 : index
      %parallel_loop3A_295 = tpu.vector_load %arg9[%parallel_loop3A_293, %parallel_loop3A_294] {strides = array<i32>} : memref<128x64xf32, #tpu.memory_space<vmem>>, vector<1x16xf32>,
      %parallel_loop3A_296 = vector.shape_cast %parallel_loop3A_295 : vector<1x16xf32> to vector<16xf32>
      %parallel_loop3A_297 = vector.shape_cast %parallel_loop3A_292 : vector<16xf32> to vector<1x16xf32>
      tpu.vector_store %arg9[%parallel_loop3A_293, %parallel_loop3A_294], %parallel_loop3A_297 {strides = array<i32>} : memref<128x64xf32, #tpu.memory_space<vmem>>, vector<1x16xf32>,
      %parallel_loop3A_298 = arith.index_cast %parallel_loop3A_252 : i32 to index
      %parallel_loop3A_299 = arith.constant 16 : index
      %parallel_loop3A_300 = tpu.vector_load %arg9[%parallel_loop3A_298, %parallel_loop3A_299] {strides = array<i32>} : memref<128x64xf32, #tpu.memory_space<vmem>>, vector<1x16xf32>,
      %parallel_loop3A_301 = vector.shape_cast %parallel_loop3A_300 : vector<1x16xf32> to vector<16xf32>
      %parallel_loop3A_302 = arith.mulf %parallel_loop3A_301, %parallel_loop3A_287 : vector<16xf32>
      %parallel_loop3A_303 = arith.index_cast %parallel_loop3A_252 : i32 to index
      %parallel_loop3A_304 = arith.constant 16 : index
      %parallel_loop3A_305 = tpu.vector_load %arg9[%parallel_loop3A_303, %parallel_loop3A_304] {strides = array<i32>} : memref<128x64xf32, #tpu.memory_space<vmem>>, vector<1x16xf32>,
      %parallel_loop3A_306 = vector.shape_cast %parallel_loop3A_305 : vector<1x16xf32> to vector<16xf32>
      %parallel_loop3A_307 = vector.shape_cast %parallel_loop3A_302 : vector<16xf32> to vector<1x16xf32>
      tpu.vector_store %arg9[%parallel_loop3A_303, %parallel_loop3A_304], %parallel_loop3A_307 {strides = array<i32>} : memref<128x64xf32, #tpu.memory_space<vmem>>, vector<1x16xf32>,
      %parallel_loop3A_308 = arith.index_cast %parallel_loop3A_252 : i32 to index
      %parallel_loop3A_309 = arith.constant 32 : index
      %parallel_loop3A_310 = tpu.vector_load %arg9[%parallel_loop3A_308, %parallel_loop3A_309] {strides = array<i32>} : memref<128x64xf32, #tpu.memory_space<vmem>>, vector<1x16xf32>,
      %parallel_loop3A_311 = vector.shape_cast %parallel_loop3A_310 : vector<1x16xf32> to vector<16xf32>
      %parallel_loop3A_312 = arith.mulf %parallel_loop3A_311, %parallel_loop3A_287 : vector<16xf32>
      %parallel_loop3A_313 = arith.index_cast %parallel_loop3A_252 : i32 to index
      %parallel_loop3A_314 = arith.constant 32 : index
      %parallel_loop3A_315 = tpu.vector_load %arg9[%parallel_loop3A_313, %parallel_loop3A_314] {strides = array<i32>} : memref<128x64xf32, #tpu.memory_space<vmem>>, vector<1x16xf32>,
      %parallel_loop3A_316 = vector.shape_cast %parallel_loop3A_315 : vector<1x16xf32> to vector<16xf32>
      %parallel_loop3A_317 = vector.shape_cast %parallel_loop3A_312 : vector<16xf32> to vector<1x16xf32>
      tpu.vector_store %arg9[%parallel_loop3A_313, %parallel_loop3A_314], %parallel_loop3A_317 {strides = array<i32>} : memref<128x64xf32, #tpu.memory_space<vmem>>, vector<1x16xf32>,
      %parallel_loop3A_318 = arith.index_cast %parallel_loop3A_252 : i32 to index
      %parallel_loop3A_319 = arith.constant 48 : index
      %parallel_loop3A_320 = tpu.vector_load %arg9[%parallel_loop3A_318, %parallel_loop3A_319] {strides = array<i32>} : memref<128x64xf32, #tpu.memory_space<vmem>>, vector<1x16xf32>,
      %parallel_loop3A_321 = vector.shape_cast %parallel_loop3A_320 : vector<1x16xf32> to vector<16xf32>
      %parallel_loop3A_322 = arith.mulf %parallel_loop3A_321, %parallel_loop3A_287 : vector<16xf32>
      %parallel_loop3A_323 = arith.index_cast %parallel_loop3A_252 : i32 to index
      %parallel_loop3A_324 = arith.constant 48 : index
      %parallel_loop3A_325 = tpu.vector_load %arg9[%parallel_loop3A_323, %parallel_loop3A_324] {strides = array<i32>} : memref<128x64xf32, #tpu.memory_space<vmem>>, vector<1x16xf32>,
      %parallel_loop3A_326 = vector.shape_cast %parallel_loop3A_325 : vector<1x16xf32> to vector<16xf32>
      %parallel_loop3A_327 = vector.shape_cast %parallel_loop3A_322 : vector<16xf32> to vector<1x16xf32>
      tpu.vector_store %arg9[%parallel_loop3A_323, %parallel_loop3A_324], %parallel_loop3A_327 {strides = array<i32>} : memref<128x64xf32, #tpu.memory_space<vmem>>, vector<1x16xf32>,
    } {sc.loop_unroll_factor = 8 : i64, sc.parallel_access}
    %dma_start3A_123 = arith.constant 1 : i32
    %dma_start3A_124 = arith.constant 0 : i32
    %dma_start3A_125 = arith.constant 0 : i32
    %dma_start3A_126 = tpu.memref_slice %arg6[%dma_start3A_123, %dma_start3A_124, %dma_start3A_125] : memref<157x2x128xi32, #tpu.memory_space<vmem>> -> memref<1x1x128xi32, #tpu.memory_space<vmem>>
    %dma_start3A_127 = tpu.memref_squeeze %dma_start3A_126 : memref<1x1x128xi32, #tpu.memory_space<vmem>> -> memref<128xi32, #tpu.memory_space<vmem>>
    %dma_start3A_128 = arith.constant 0 : i32
    %dma_start3A_129 = arith.constant 0 : i32
    %dma_start3A_130 = tpu.memref_slice %arg19[%dma_start3A_128, %dma_start3A_129] : memref<10000x64xf32, #tpu.memory_space<vmem_shared>> -> memref<10000x64xf32, #tpu.memory_space<vmem_shared>>
    tpu.enqueue_indirect_dma source(%arg9 : memref<128x64xf32, #tpu.memory_space<vmem>>) target(%dma_start3A_130 : memref<10000x64xf32, #tpu.memory_space<vmem_shared>>) offsets(%dma_start3A_127 : memref<128xi32, #tpu.memory_space<vmem>>) semaphore(%arg15 : memref<!tpu.dma_semaphore, #tpu.memory_space<semaphore_mem>>) {add = true}
    %scan3A_131 = arith.constant 0 : i32
    %scan3A_132 = arith.constant 0 : i32
    %scan3A_133 = arith.constant 51 : i32
    %scan3A_134 = arith.addi %scan3A_132, %scan3A_133 : i32
    %scan3A_135 = arith.constant 1 : i32
    scf.for %scan3A_252 = %scan3A_132 to %scan3A_134 step %scan3A_135  : i32 {
      %mul3A_253 = arith.constant 3 : i32
      %mul3A_254 = arith.muli %mul3A_253, %scan3A_252 : i32
      %add3A_255 = arith.constant 2 : i32
      %add3A_256 = arith.addi %mul3A_254, %add3A_255 : i32
      %dma_wait3A_257 = arith.constant 0 : i32
      %dma_wait3A_258 = arith.constant 0 : i32
      %dma_wait3A_259 = tpu.memref_slice %arg2[%arg0, %dma_wait3A_257, %dma_wait3A_258] : memref<2x10000x64xf32, #tpu.memory_space<hbm>> -> memref<1x10000x64xf32, #tpu.memory_space<hbm>>
      %dma_wait3A_260 = tpu.memref_squeeze %dma_wait3A_259 : memref<1x10000x64xf32, #tpu.memory_space<hbm>> -> memref<10000x64xf32, #tpu.memory_space<hbm>>
      %dma_wait3A_261 = arith.constant 0 : i32
      %dma_wait3A_262 = arith.constant 0 : i32
      %dma_wait3A_263 = tpu.memref_slice %dma_wait3A_260[%dma_wait3A_261, %dma_wait3A_262] : memref<10000x64xf32, #tpu.memory_space<hbm>> -> memref<128x64xf32, #tpu.memory_space<hbm>>
      %dma_wait3A_264 = arith.constant 0 : i32
      %dma_wait3A_265 = arith.constant 0 : i32
      %dma_wait3A_266 = tpu.memref_slice %arg2[%arg0, %dma_wait3A_264, %dma_wait3A_265] : memref<2x10000x64xf32, #tpu.memory_space<hbm>> -> memref<1x10000x64xf32, #tpu.memory_space<hbm>>
      %dma_wait3A_267 = tpu.memref_squeeze %dma_wait3A_266 : memref<1x10000x64xf32, #tpu.memory_space<hbm>> -> memref<10000x64xf32, #tpu.memory_space<hbm>>
      %dma_wait3A_268 = arith.constant 0 : i32
      %dma_wait3A_269 = arith.constant 0 : i32
      %dma_wait3A_270 = tpu.memref_slice %dma_wait3A_267[%dma_wait3A_268, %dma_wait3A_269] : memref<10000x64xf32, #tpu.memory_space<hbm>> -> memref<128x64xf32, #tpu.memory_space<hbm>>
      tpu.wait_dma2 semaphore(%arg14 : memref<!tpu.dma_semaphore, #tpu.memory_space<semaphore_mem>>) src(%dma_wait3A_270 : memref<128x64xf32, #tpu.memory_space<hbm>>) dst(%arg8 : memref<128x64xf32, #tpu.memory_space<vmem>>)
      %add3A_271 = arith.constant 1 : i32
      %add3A_272 = arith.addi %add3A_256, %add3A_271 : i32
      %dma_start3A_273 = arith.constant 1 : i32
      %dma_start3A_274 = arith.constant 0 : i32
      %dma_start3A_275 = tpu.memref_slice %arg6[%add3A_272, %dma_start3A_273, %dma_start3A_274] : memref<157x2x128xi32, #tpu.memory_space<vmem>> -> memref<1x1x128xi32, #tpu.memory_space<vmem>>
      %dma_start3A_276 = tpu.memref_squeeze %dma_start3A_275 : memref<1x1x128xi32, #tpu.memory_space<vmem>> -> memref<128xi32, #tpu.memory_space<vmem>>
      %dma_start3A_277 = arith.constant 0 : i32
      %dma_start3A_278 = arith.constant 0 : i32
      %dma_start3A_279 = tpu.memref_slice %arg2[%arg0, %dma_start3A_277, %dma_start3A_278] : memref<2x10000x64xf32, #tpu.memory_space<hbm>> -> memref<1x10000x64xf32, #tpu.memory_space<hbm>>
      %dma_start3A_280 = tpu.memref_squeeze %dma_start3A_279 : memref<1x10000x64xf32, #tpu.memory_space<hbm>> -> memref<10000x64xf32, #tpu.memory_space<hbm>>
      %dma_start3A_281 = arith.constant 0 : i32
      %dma_start3A_282 = arith.constant 0 : i32
      %dma_start3A_283 = tpu.memref_slice %dma_start3A_280[%dma_start3A_281, %dma_start3A_282] : memref<10000x64xf32, #tpu.memory_space<hbm>> -> memref<10000x64xf32, #tpu.memory_space<hbm>>
      tpu.enqueue_indirect_dma source(%dma_start3A_283 : memref<10000x64xf32, #tpu.memory_space<hbm>>) target(%arg8 : memref<128x64xf32, #tpu.memory_space<vmem>>) offsets(%dma_start3A_276 : memref<128xi32, #tpu.memory_space<vmem>>) semaphore(%arg11 : memref<!tpu.dma_semaphore, #tpu.memory_space<semaphore_mem>>)
      %dma_wait3A_284 = arith.constant 1 : i32
      %dma_wait3A_285 = arith.constant 0 : i32
      %dma_wait3A_286 = tpu.memref_slice %arg6[%add3A_256, %dma_wait3A_284, %dma_wait3A_285] : memref<157x2x128xi32, #tpu.memory_space<vmem>> -> memref<1x1x128xi32, #tpu.memory_space<vmem>>
      %dma_wait3A_287 = tpu.memref_squeeze %dma_wait3A_286 : memref<1x1x128xi32, #tpu.memory_space<vmem>> -> memref<128xi32, #tpu.memory_space<vmem>>
      %dma_wait3A_288 = arith.constant 0 : i32
      %dma_wait3A_289 = arith.constant 0 : i32
      %dma_wait3A_290 = tpu.memref_slice %arg2[%arg0, %dma_wait3A_288, %dma_wait3A_289] : memref<2x10000x64xf32, #tpu.memory_space<hbm>> -> memref<1x10000x64xf32, #tpu.memory_space<hbm>>
      %dma_wait3A_291 = tpu.memref_squeeze %dma_wait3A_290 : memref<1x10000x64xf32, #tpu.memory_space<hbm>> -> memref<10000x64xf32, #tpu.memory_space<hbm>>
      %dma_wait3A_292 = arith.constant 0 : i32
      %dma_wait3A_293 = arith.constant 0 : i32
      %dma_wait3A_294 = tpu.memref_slice %dma_wait3A_291[%dma_wait3A_292, %dma_wait3A_293] : memref<10000x64xf32, #tpu.memory_space<hbm>> -> memref<10000x64xf32, #tpu.memory_space<hbm>>
      tpu.wait_indirect_dma semaphore(%arg13 : memref<!tpu.dma_semaphore, #tpu.memory_space<semaphore_mem>>) src(%dma_wait3A_294 : memref<10000x64xf32, #tpu.memory_space<hbm>>) dst(%arg10 : memref<128x64xf32, #tpu.memory_space<vmem>>)
      %parallel_loop3A_295 = arith.constant 0 : i32
      %parallel_loop3A_296 = arith.constant 128 : i32
      %parallel_loop3A_297 = arith.constant 1 : i32
      scf.for %parallel_loop3A_405 = %parallel_loop3A_295 to %parallel_loop3A_296 step %parallel_loop3A_297  : i32 {
        %parallel_loop3A_406 = arith.constant 16 : i32
        %parallel_loop3A_407 = arith.divsi %parallel_loop3A_405, %parallel_loop3A_406 : i32
        %parallel_loop3A_408 = arith.constant 0 : i32
        %parallel_loop3A_409 = arith.cmpi sgt, %parallel_loop3A_405, %parallel_loop3A_408 : i32
        %parallel_loop3A_410 = arith.extui %parallel_loop3A_409 : i1 to i32
        %parallel_loop3A_411 = arith.constant 0 : i32
        %parallel_loop3A_412 = arith.cmpi slt, %parallel_loop3A_405, %parallel_loop3A_411 : i32
        %parallel_loop3A_413 = arith.extui %parallel_loop3A_412 : i1 to i32
        %parallel_loop3A_414 = arith.subi %parallel_loop3A_410, %parallel_loop3A_413 : i32
        %parallel_loop3A_415 = arith.constant 0 : i32
        %parallel_loop3A_416 = arith.cmpi sgt, %parallel_loop3A_406, %parallel_loop3A_415 : i32
        %parallel_loop3A_417 = arith.extui %parallel_loop3A_416 : i1 to i32
        %parallel_loop3A_418 = arith.constant 0 : i32
        %parallel_loop3A_419 = arith.cmpi slt, %parallel_loop3A_406, %parallel_loop3A_418 : i32
        %parallel_loop3A_420 = arith.extui %parallel_loop3A_419 : i1 to i32
        %parallel_loop3A_421 = arith.subi %parallel_loop3A_417, %parallel_loop3A_420 : i32
        %parallel_loop3A_422 = arith.cmpi ne, %parallel_loop3A_414, %parallel_loop3A_421 : i32
        %parallel_loop3A_423 = arith.remsi %parallel_loop3A_405, %parallel_loop3A_406 : i32
        %parallel_loop3A_424 = arith.constant 0 : i32
        %parallel_loop3A_425 = arith.cmpi ne, %parallel_loop3A_423, %parallel_loop3A_424 : i32
        %parallel_loop3A_426 = arith.andi %parallel_loop3A_422, %parallel_loop3A_425 : i1
        %parallel_loop3A_427 = arith.constant 1 : i32
        %parallel_loop3A_428 = arith.subi %parallel_loop3A_407, %parallel_loop3A_427 : i32
        %parallel_loop3A_429 = arith.select %parallel_loop3A_426, %parallel_loop3A_428, %parallel_loop3A_407 : i32
        %parallel_loop3A_430 = arith.constant 16 : i32
        %parallel_loop3A_431 = arith.muli %parallel_loop3A_429, %parallel_loop3A_430 : i32
        %parallel_loop3A_432 = arith.subi %parallel_loop3A_405, %parallel_loop3A_431 : i32
        %parallel_loop3A_433 = arith.index_cast %add3A_256 : i32 to index
        %parallel_loop3A_434 = arith.index_cast %parallel_loop3A_431 : i32 to index
        %parallel_loop3A_435 = tpu.vector_load %arg7[%parallel_loop3A_433, %parallel_loop3A_434] {strides = array<i32>} : memref<157x128xf32, #tpu.memory_space<vmem>>, vector<1x16xf32>,
        %parallel_loop3A_436 = vector.shape_cast %parallel_loop3A_435 : vector<1x16xf32> to vector<16xf32>
        %parallel_loop3A_437 = vector.broadcast %parallel_loop3A_432 : i32 to vector<16x1xi32>
        %parallel_loop3A_438 = vector.shape_cast %parallel_loop3A_437 : vector<16x1xi32> to vector<16xi32>
        %parallel_loop3A_439 = tpu.dynamic_gather %parallel_loop3A_436[%parallel_loop3A_438] in [0] : vector<16xf32>, vector<16xi32> -> vector<16xf32>
        %parallel_loop3A_440 = arith.index_cast %parallel_loop3A_405 : i32 to index
        %parallel_loop3A_441 = arith.constant 0 : index
        %parallel_loop3A_442 = tpu.vector_load %arg10[%parallel_loop3A_440, %parallel_loop3A_441] {strides = array<i32>} : memref<128x64xf32, #tpu.memory_space<vmem>>, vector<1x16xf32>,
        %parallel_loop3A_443 = vector.shape_cast %parallel_loop3A_442 : vector<1x16xf32> to vector<16xf32>
        %parallel_loop3A_444 = arith.mulf %parallel_loop3A_443, %parallel_loop3A_439 : vector<16xf32>
        %parallel_loop3A_445 = arith.index_cast %parallel_loop3A_405 : i32 to index
        %parallel_loop3A_446 = arith.constant 0 : index
        %parallel_loop3A_447 = tpu.vector_load %arg10[%parallel_loop3A_445, %parallel_loop3A_446] {strides = array<i32>} : memref<128x64xf32, #tpu.memory_space<vmem>>, vector<1x16xf32>,
        %parallel_loop3A_448 = vector.shape_cast %parallel_loop3A_447 : vector<1x16xf32> to vector<16xf32>
        %parallel_loop3A_449 = vector.shape_cast %parallel_loop3A_444 : vector<16xf32> to vector<1x16xf32>
        tpu.vector_store %arg10[%parallel_loop3A_445, %parallel_loop3A_446], %parallel_loop3A_449 {strides = array<i32>} : memref<128x64xf32, #tpu.memory_space<vmem>>, vector<1x16xf32>,
        %parallel_loop3A_450 = arith.index_cast %parallel_loop3A_405 : i32 to index
        %parallel_loop3A_451 = arith.constant 16 : index
        %parallel_loop3A_452 = tpu.vector_load %arg10[%parallel_loop3A_450, %parallel_loop3A_451] {strides = array<i32>} : memref<128x64xf32, #tpu.memory_space<vmem>>, vector<1x16xf32>,
        %parallel_loop3A_453 = vector.shape_cast %parallel_loop3A_452 : vector<1x16xf32> to vector<16xf32>
        %parallel_loop3A_454 = arith.mulf %parallel_loop3A_453, %parallel_loop3A_439 : vector<16xf32>
        %parallel_loop3A_455 = arith.index_cast %parallel_loop3A_405 : i32 to index
        %parallel_loop3A_456 = arith.constant 16 : index
        %parallel_loop3A_457 = tpu.vector_load %arg10[%parallel_loop3A_455, %parallel_loop3A_456] {strides = array<i32>} : memref<128x64xf32, #tpu.memory_space<vmem>>, vector<1x16xf32>,
        %parallel_loop3A_458 = vector.shape_cast %parallel_loop3A_457 : vector<1x16xf32> to vector<16xf32>
        %parallel_loop3A_459 = vector.shape_cast %parallel_loop3A_454 : vector<16xf32> to vector<1x16xf32>
        tpu.vector_store %arg10[%parallel_loop3A_455, %parallel_loop3A_456], %parallel_loop3A_459 {strides = array<i32>} : memref<128x64xf32, #tpu.memory_space<vmem>>, vector<1x16xf32>,
        %parallel_loop3A_460 = arith.index_cast %parallel_loop3A_405 : i32 to index
        %parallel_loop3A_461 = arith.constant 32 : index
        %parallel_loop3A_462 = tpu.vector_load %arg10[%parallel_loop3A_460, %parallel_loop3A_461] {strides = array<i32>} : memref<128x64xf32, #tpu.memory_space<vmem>>, vector<1x16xf32>,
        %parallel_loop3A_463 = vector.shape_cast %parallel_loop3A_462 : vector<1x16xf32> to vector<16xf32>
        %parallel_loop3A_464 = arith.mulf %parallel_loop3A_463, %parallel_loop3A_439 : vector<16xf32>
        %parallel_loop3A_465 = arith.index_cast %parallel_loop3A_405 : i32 to index
        %parallel_loop3A_466 = arith.constant 32 : index
        %parallel_loop3A_467 = tpu.vector_load %arg10[%parallel_loop3A_465, %parallel_loop3A_466] {strides = array<i32>} : memref<128x64xf32, #tpu.memory_space<vmem>>, vector<1x16xf32>,
        %parallel_loop3A_468 = vector.shape_cast %parallel_loop3A_467 : vector<1x16xf32> to vector<16xf32>
        %parallel_loop3A_469 = vector.shape_cast %parallel_loop3A_464 : vector<16xf32> to vector<1x16xf32>
        tpu.vector_store %arg10[%parallel_loop3A_465, %parallel_loop3A_466], %parallel_loop3A_469 {strides = array<i32>} : memref<128x64xf32, #tpu.memory_space<vmem>>, vector<1x16xf32>,
        %parallel_loop3A_470 = arith.index_cast %parallel_loop3A_405 : i32 to index
        %parallel_loop3A_471 = arith.constant 48 : index
        %parallel_loop3A_472 = tpu.vector_load %arg10[%parallel_loop3A_470, %parallel_loop3A_471] {strides = array<i32>} : memref<128x64xf32, #tpu.memory_space<vmem>>, vector<1x16xf32>,
        %parallel_loop3A_473 = vector.shape_cast %parallel_loop3A_472 : vector<1x16xf32> to vector<16xf32>
        %parallel_loop3A_474 = arith.mulf %parallel_loop3A_473, %parallel_loop3A_439 : vector<16xf32>
        %parallel_loop3A_475 = arith.index_cast %parallel_loop3A_405 : i32 to index
        %parallel_loop3A_476 = arith.constant 48 : index
        %parallel_loop3A_477 = tpu.vector_load %arg10[%parallel_loop3A_475, %parallel_loop3A_476] {strides = array<i32>} : memref<128x64xf32, #tpu.memory_space<vmem>>, vector<1x16xf32>,
        %parallel_loop3A_478 = vector.shape_cast %parallel_loop3A_477 : vector<1x16xf32> to vector<16xf32>
        %parallel_loop3A_479 = vector.shape_cast %parallel_loop3A_474 : vector<16xf32> to vector<1x16xf32>
        tpu.vector_store %arg10[%parallel_loop3A_475, %parallel_loop3A_476], %parallel_loop3A_479 {strides = array<i32>} : memref<128x64xf32, #tpu.memory_space<vmem>>, vector<1x16xf32>,
      } {sc.loop_unroll_factor = 8 : i64, sc.parallel_access}
      %dma_start3A_298 = arith.constant 0 : i32
      %dma_start3A_299 = arith.constant 0 : i32
      %dma_start3A_300 = tpu.memref_slice %arg6[%add3A_256, %dma_start3A_298, %dma_start3A_299] : memref<157x2x128xi32, #tpu.memory_space<vmem>> -> memref<1x1x128xi32, #tpu.memory_space<vmem>>
      %dma_start3A_301 = tpu.memref_squeeze %dma_start3A_300 : memref<1x1x128xi32, #tpu.memory_space<vmem>> -> memref<128xi32, #tpu.memory_space<vmem>>
      %dma_start3A_302 = arith.constant 0 : i32
      %dma_start3A_303 = arith.constant 0 : i32
      %dma_start3A_304 = tpu.memref_slice %arg19[%dma_start3A_302, %dma_start3A_303] : memref<10000x64xf32, #tpu.memory_space<vmem_shared>> -> memref<10000x64xf32, #tpu.memory_space<vmem_shared>>
      tpu.enqueue_indirect_dma source(%arg10 : memref<128x64xf32, #tpu.memory_space<vmem>>) target(%dma_start3A_304 : memref<10000x64xf32, #tpu.memory_space<vmem_shared>>) offsets(%dma_start3A_301 : memref<128xi32, #tpu.memory_space<vmem>>) semaphore(%arg16 : memref<!tpu.dma_semaphore, #tpu.memory_space<semaphore_mem>>) {add = true}
      %add3A_305 = arith.constant 1 : i32
      %add3A_306 = arith.addi %add3A_256, %add3A_305 : i32
      %dma_wait3A_307 = arith.constant 0 : i32
      %dma_wait3A_308 = arith.constant 0 : i32
      %dma_wait3A_309 = tpu.memref_slice %arg2[%arg0, %dma_wait3A_307, %dma_wait3A_308] : memref<2x10000x64xf32, #tpu.memory_space<hbm>> -> memref<1x10000x64xf32, #tpu.memory_space<hbm>>
      %dma_wait3A_310 = tpu.memref_squeeze %dma_wait3A_309 : memref<1x10000x64xf32, #tpu.memory_space<hbm>> -> memref<10000x64xf32, #tpu.memory_space<hbm>>
      %dma_wait3A_311 = arith.constant 0 : i32
      %dma_wait3A_312 = arith.constant 0 : i32
      %dma_wait3A_313 = tpu.memref_slice %dma_wait3A_310[%dma_wait3A_311, %dma_wait3A_312] : memref<10000x64xf32, #tpu.memory_space<hbm>> -> memref<128x64xf32, #tpu.memory_space<hbm>>
      %dma_wait3A_314 = arith.constant 0 : i32
      %dma_wait3A_315 = arith.constant 0 : i32
      %dma_wait3A_316 = tpu.memref_slice %arg2[%arg0, %dma_wait3A_314, %dma_wait3A_315] : memref<2x10000x64xf32, #tpu.memory_space<hbm>> -> memref<1x10000x64xf32, #tpu.memory_space<hbm>>
      %dma_wait3A_317 = tpu.memref_squeeze %dma_wait3A_316 : memref<1x10000x64xf32, #tpu.memory_space<hbm>> -> memref<10000x64xf32, #tpu.memory_space<hbm>>
      %dma_wait3A_318 = arith.constant 0 : i32
      %dma_wait3A_319 = arith.constant 0 : i32
      %dma_wait3A_320 = tpu.memref_slice %dma_wait3A_317[%dma_wait3A_318, %dma_wait3A_319] : memref<10000x64xf32, #tpu.memory_space<hbm>> -> memref<128x64xf32, #tpu.memory_space<hbm>>
      tpu.wait_dma2 semaphore(%arg15 : memref<!tpu.dma_semaphore, #tpu.memory_space<semaphore_mem>>) src(%dma_wait3A_320 : memref<128x64xf32, #tpu.memory_space<hbm>>) dst(%arg9 : memref<128x64xf32, #tpu.memory_space<vmem>>)
      %add3A_321 = arith.constant 1 : i32
      %add3A_322 = arith.addi %add3A_306, %add3A_321 : i32
      %dma_start3A_323 = arith.constant 1 : i32
      %dma_start3A_324 = arith.constant 0 : i32
      %dma_start3A_325 = tpu.memref_slice %arg6[%add3A_322, %dma_start3A_323, %dma_start3A_324] : memref<157x2x128xi32, #tpu.memory_space<vmem>> -> memref<1x1x128xi32, #tpu.memory_space<vmem>>
      %dma_start3A_326 = tpu.memref_squeeze %dma_start3A_325 : memref<1x1x128xi32, #tpu.memory_space<vmem>> -> memref<128xi32, #tpu.memory_space<vmem>>
      %dma_start3A_327 = arith.constant 0 : i32
      %dma_start3A_328 = arith.constant 0 : i32
      %dma_start3A_329 = tpu.memref_slice %arg2[%arg0, %dma_start3A_327, %dma_start3A_328] : memref<2x10000x64xf32, #tpu.memory_space<hbm>> -> memref<1x10000x64xf32, #tpu.memory_space<hbm>>
      %dma_start3A_330 = tpu.memref_squeeze %dma_start3A_329 : memref<1x10000x64xf32, #tpu.memory_space<hbm>> -> memref<10000x64xf32, #tpu.memory_space<hbm>>
      %dma_start3A_331 = arith.constant 0 : i32
      %dma_start3A_332 = arith.constant 0 : i32
      %dma_start3A_333 = tpu.memref_slice %dma_start3A_330[%dma_start3A_331, %dma_start3A_332] : memref<10000x64xf32, #tpu.memory_space<hbm>> -> memref<10000x64xf32, #tpu.memory_space<hbm>>
      tpu.enqueue_indirect_dma source(%dma_start3A_333 : memref<10000x64xf32, #tpu.memory_space<hbm>>) target(%arg9 : memref<128x64xf32, #tpu.memory_space<vmem>>) offsets(%dma_start3A_326 : memref<128xi32, #tpu.memory_space<vmem>>) semaphore(%arg12 : memref<!tpu.dma_semaphore, #tpu.memory_space<semaphore_mem>>)
      %dma_wait3A_334 = arith.constant 1 : i32
      %dma_wait3A_335 = arith.constant 0 : i32
      %dma_wait3A_336 = tpu.memref_slice %arg6[%add3A_306, %dma_wait3A_334, %dma_wait3A_335] : memref<157x2x128xi32, #tpu.memory_space<vmem>> -> memref<1x1x128xi32, #tpu.memory_space<vmem>>
      %dma_wait3A_337 = tpu.memref_squeeze %dma_wait3A_336 : memref<1x1x128xi32, #tpu.memory_space<vmem>> -> memref<128xi32, #tpu.memory_space<vmem>>
      %dma_wait3A_338 = arith.constant 0 : i32
      %dma_wait3A_339 = arith.constant 0 : i32
      %dma_wait3A_340 = tpu.memref_slice %arg2[%arg0, %dma_wait3A_338, %dma_wait3A_339] : memref<2x10000x64xf32, #tpu.memory_space<hbm>> -> memref<1x10000x64xf32, #tpu.memory_space<hbm>>
      %dma_wait3A_341 = tpu.memref_squeeze %dma_wait3A_340 : memref<1x10000x64xf32, #tpu.memory_space<hbm>> -> memref<10000x64xf32, #tpu.memory_space<hbm>>
      %dma_wait3A_342 = arith.constant 0 : i32
      %dma_wait3A_343 = arith.constant 0 : i32
      %dma_wait3A_344 = tpu.memref_slice %dma_wait3A_341[%dma_wait3A_342, %dma_wait3A_343] : memref<10000x64xf32, #tpu.memory_space<hbm>> -> memref<10000x64xf32, #tpu.memory_space<hbm>>
      tpu.wait_indirect_dma semaphore(%arg11 : memref<!tpu.dma_semaphore, #tpu.memory_space<semaphore_mem>>) src(%dma_wait3A_344 : memref<10000x64xf32, #tpu.memory_space<hbm>>) dst(%arg8 : memref<128x64xf32, #tpu.memory_space<vmem>>)
      %parallel_loop3A_345 = arith.constant 0 : i32
      %parallel_loop3A_346 = arith.constant 128 : i32
      %parallel_loop3A_347 = arith.constant 1 : i32
      scf.for %parallel_loop3A_405 = %parallel_loop3A_345 to %parallel_loop3A_346 step %parallel_loop3A_347  : i32 {
        %parallel_loop3A_406 = arith.constant 16 : i32
        %parallel_loop3A_407 = arith.divsi %parallel_loop3A_405, %parallel_loop3A_406 : i32
        %parallel_loop3A_408 = arith.constant 0 : i32
        %parallel_loop3A_409 = arith.cmpi sgt, %parallel_loop3A_405, %parallel_loop3A_408 : i32
        %parallel_loop3A_410 = arith.extui %parallel_loop3A_409 : i1 to i32
        %parallel_loop3A_411 = arith.constant 0 : i32
        %parallel_loop3A_412 = arith.cmpi slt, %parallel_loop3A_405, %parallel_loop3A_411 : i32
        %parallel_loop3A_413 = arith.extui %parallel_loop3A_412 : i1 to i32
        %parallel_loop3A_414 = arith.subi %parallel_loop3A_410, %parallel_loop3A_413 : i32
        %parallel_loop3A_415 = arith.constant 0 : i32
        %parallel_loop3A_416 = arith.cmpi sgt, %parallel_loop3A_406, %parallel_loop3A_415 : i32
        %parallel_loop3A_417 = arith.extui %parallel_loop3A_416 : i1 to i32
        %parallel_loop3A_418 = arith.constant 0 : i32
        %parallel_loop3A_419 = arith.cmpi slt, %parallel_loop3A_406, %parallel_loop3A_418 : i32
        %parallel_loop3A_420 = arith.extui %parallel_loop3A_419 : i1 to i32
        %parallel_loop3A_421 = arith.subi %parallel_loop3A_417, %parallel_loop3A_420 : i32
        %parallel_loop3A_422 = arith.cmpi ne, %parallel_loop3A_414, %parallel_loop3A_421 : i32
        %parallel_loop3A_423 = arith.remsi %parallel_loop3A_405, %parallel_loop3A_406 : i32
        %parallel_loop3A_424 = arith.constant 0 : i32
        %parallel_loop3A_425 = arith.cmpi ne, %parallel_loop3A_423, %parallel_loop3A_424 : i32
        %parallel_loop3A_426 = arith.andi %parallel_loop3A_422, %parallel_loop3A_425 : i1
        %parallel_loop3A_427 = arith.constant 1 : i32
        %parallel_loop3A_428 = arith.subi %parallel_loop3A_407, %parallel_loop3A_427 : i32
        %parallel_loop3A_429 = arith.select %parallel_loop3A_426, %parallel_loop3A_428, %parallel_loop3A_407 : i32
        %parallel_loop3A_430 = arith.constant 16 : i32
        %parallel_loop3A_431 = arith.muli %parallel_loop3A_429, %parallel_loop3A_430 : i32
        %parallel_loop3A_432 = arith.subi %parallel_loop3A_405, %parallel_loop3A_431 : i32
        %parallel_loop3A_433 = arith.index_cast %add3A_306 : i32 to index
        %parallel_loop3A_434 = arith.index_cast %parallel_loop3A_431 : i32 to index
        %parallel_loop3A_435 = tpu.vector_load %arg7[%parallel_loop3A_433, %parallel_loop3A_434] {strides = array<i32>} : memref<157x128xf32, #tpu.memory_space<vmem>>, vector<1x16xf32>,
        %parallel_loop3A_436 = vector.shape_cast %parallel_loop3A_435 : vector<1x16xf32> to vector<16xf32>
        %parallel_loop3A_437 = vector.broadcast %parallel_loop3A_432 : i32 to vector<16x1xi32>
        %parallel_loop3A_438 = vector.shape_cast %parallel_loop3A_437 : vector<16x1xi32> to vector<16xi32>
        %parallel_loop3A_439 = tpu.dynamic_gather %parallel_loop3A_436[%parallel_loop3A_438] in [0] : vector<16xf32>, vector<16xi32> -> vector<16xf32>
        %parallel_loop3A_440 = arith.index_cast %parallel_loop3A_405 : i32 to index
        %parallel_loop3A_441 = arith.constant 0 : index
        %parallel_loop3A_442 = tpu.vector_load %arg8[%parallel_loop3A_440, %parallel_loop3A_441] {strides = array<i32>} : memref<128x64xf32, #tpu.memory_space<vmem>>, vector<1x16xf32>,
        %parallel_loop3A_443 = vector.shape_cast %parallel_loop3A_442 : vector<1x16xf32> to vector<16xf32>
        %parallel_loop3A_444 = arith.mulf %parallel_loop3A_443, %parallel_loop3A_439 : vector<16xf32>
        %parallel_loop3A_445 = arith.index_cast %parallel_loop3A_405 : i32 to index
        %parallel_loop3A_446 = arith.constant 0 : index
        %parallel_loop3A_447 = tpu.vector_load %arg8[%parallel_loop3A_445, %parallel_loop3A_446] {strides = array<i32>} : memref<128x64xf32, #tpu.memory_space<vmem>>, vector<1x16xf32>,
        %parallel_loop3A_448 = vector.shape_cast %parallel_loop3A_447 : vector<1x16xf32> to vector<16xf32>
        %parallel_loop3A_449 = vector.shape_cast %parallel_loop3A_444 : vector<16xf32> to vector<1x16xf32>
        tpu.vector_store %arg8[%parallel_loop3A_445, %parallel_loop3A_446], %parallel_loop3A_449 {strides = array<i32>} : memref<128x64xf32, #tpu.memory_space<vmem>>, vector<1x16xf32>,
        %parallel_loop3A_450 = arith.index_cast %parallel_loop3A_405 : i32 to index
        %parallel_loop3A_451 = arith.constant 16 : index
        %parallel_loop3A_452 = tpu.vector_load %arg8[%parallel_loop3A_450, %parallel_loop3A_451] {strides = array<i32>} : memref<128x64xf32, #tpu.memory_space<vmem>>, vector<1x16xf32>,
        %parallel_loop3A_453 = vector.shape_cast %parallel_loop3A_452 : vector<1x16xf32> to vector<16xf32>
        %parallel_loop3A_454 = arith.mulf %parallel_loop3A_453, %parallel_loop3A_439 : vector<16xf32>
        %parallel_loop3A_455 = arith.index_cast %parallel_loop3A_405 : i32 to index
        %parallel_loop3A_456 = arith.constant 16 : index
        %parallel_loop3A_457 = tpu.vector_load %arg8[%parallel_loop3A_455, %parallel_loop3A_456] {strides = array<i32>} : memref<128x64xf32, #tpu.memory_space<vmem>>, vector<1x16xf32>,
        %parallel_loop3A_458 = vector.shape_cast %parallel_loop3A_457 : vector<1x16xf32> to vector<16xf32>
        %parallel_loop3A_459 = vector.shape_cast %parallel_loop3A_454 : vector<16xf32> to vector<1x16xf32>
        tpu.vector_store %arg8[%parallel_loop3A_455, %parallel_loop3A_456], %parallel_loop3A_459 {strides = array<i32>} : memref<128x64xf32, #tpu.memory_space<vmem>>, vector<1x16xf32>,
        %parallel_loop3A_460 = arith.index_cast %parallel_loop3A_405 : i32 to index
        %parallel_loop3A_461 = arith.constant 32 : index
        %parallel_loop3A_462 = tpu.vector_load %arg8[%parallel_loop3A_460, %parallel_loop3A_461] {strides = array<i32>} : memref<128x64xf32, #tpu.memory_space<vmem>>, vector<1x16xf32>,
        %parallel_loop3A_463 = vector.shape_cast %parallel_loop3A_462 : vector<1x16xf32> to vector<16xf32>
        %parallel_loop3A_464 = arith.mulf %parallel_loop3A_463, %parallel_loop3A_439 : vector<16xf32>
        %parallel_loop3A_465 = arith.index_cast %parallel_loop3A_405 : i32 to index
        %parallel_loop3A_466 = arith.constant 32 : index
        %parallel_loop3A_467 = tpu.vector_load %arg8[%parallel_loop3A_465, %parallel_loop3A_466] {strides = array<i32>} : memref<128x64xf32, #tpu.memory_space<vmem>>, vector<1x16xf32>,
        %parallel_loop3A_468 = vector.shape_cast %parallel_loop3A_467 : vector<1x16xf32> to vector<16xf32>
        %parallel_loop3A_469 = vector.shape_cast %parallel_loop3A_464 : vector<16xf32> to vector<1x16xf32>
        tpu.vector_store %arg8[%parallel_loop3A_465, %parallel_loop3A_466], %parallel_loop3A_469 {strides = array<i32>} : memref<128x64xf32, #tpu.memory_space<vmem>>, vector<1x16xf32>,
        %parallel_loop3A_470 = arith.index_cast %parallel_loop3A_405 : i32 to index
        %parallel_loop3A_471 = arith.constant 48 : index
        %parallel_loop3A_472 = tpu.vector_load %arg8[%parallel_loop3A_470, %parallel_loop3A_471] {strides = array<i32>} : memref<128x64xf32, #tpu.memory_space<vmem>>, vector<1x16xf32>,
        %parallel_loop3A_473 = vector.shape_cast %parallel_loop3A_472 : vector<1x16xf32> to vector<16xf32>
        %parallel_loop3A_474 = arith.mulf %parallel_loop3A_473, %parallel_loop3A_439 : vector<16xf32>
        %parallel_loop3A_475 = arith.index_cast %parallel_loop3A_405 : i32 to index
        %parallel_loop3A_476 = arith.constant 48 : index
        %parallel_loop3A_477 = tpu.vector_load %arg8[%parallel_loop3A_475, %parallel_loop3A_476] {strides = array<i32>} : memref<128x64xf32, #tpu.memory_space<vmem>>, vector<1x16xf32>,
        %parallel_loop3A_478 = vector.shape_cast %parallel_loop3A_477 : vector<1x16xf32> to vector<16xf32>
        %parallel_loop3A_479 = vector.shape_cast %parallel_loop3A_474 : vector<16xf32> to vector<1x16xf32>
        tpu.vector_store %arg8[%parallel_loop3A_475, %parallel_loop3A_476], %parallel_loop3A_479 {strides = array<i32>} : memref<128x64xf32, #tpu.memory_space<vmem>>, vector<1x16xf32>,
      } {sc.loop_unroll_factor = 8 : i64, sc.parallel_access}
      %dma_start3A_348 = arith.constant 0 : i32
      %dma_start3A_349 = arith.constant 0 : i32
      %dma_start3A_350 = tpu.memref_slice %arg6[%add3A_306, %dma_start3A_348, %dma_start3A_349] : memref<157x2x128xi32, #tpu.memory_space<vmem>> -> memref<1x1x128xi32, #tpu.memory_space<vmem>>
      %dma_start3A_351 = tpu.memref_squeeze %dma_start3A_350 : memref<1x1x128xi32, #tpu.memory_space<vmem>> -> memref<128xi32, #tpu.memory_space<vmem>>
      %dma_start3A_352 = arith.constant 0 : i32
      %dma_start3A_353 = arith.constant 0 : i32
      %dma_start3A_354 = tpu.memref_slice %arg19[%dma_start3A_352, %dma_start3A_353] : memref<10000x64xf32, #tpu.memory_space<vmem_shared>> -> memref<10000x64xf32, #tpu.memory_space<vmem_shared>>
      tpu.enqueue_indirect_dma source(%arg8 : memref<128x64xf32, #tpu.memory_space<vmem>>) target(%dma_start3A_354 : memref<10000x64xf32, #tpu.memory_space<vmem_shared>>) offsets(%dma_start3A_351 : memref<128xi32, #tpu.memory_space<vmem>>) semaphore(%arg14 : memref<!tpu.dma_semaphore, #tpu.memory_space<semaphore_mem>>) {add = true}
      %add3A_355 = arith.constant 2 : i32
      %add3A_356 = arith.addi %add3A_256, %add3A_355 : i32
      %dma_wait3A_357 = arith.constant 0 : i32
      %dma_wait3A_358 = arith.constant 0 : i32
      %dma_wait3A_359 = tpu.memref_slice %arg2[%arg0, %dma_wait3A_357, %dma_wait3A_358] : memref<2x10000x64xf32, #tpu.memory_space<hbm>> -> memref<1x10000x64xf32, #tpu.memory_space<hbm>>
      %dma_wait3A_360 = tpu.memref_squeeze %dma_wait3A_359 : memref<1x10000x64xf32, #tpu.memory_space<hbm>> -> memref<10000x64xf32, #tpu.memory_space<hbm>>
      %dma_wait3A_361 = arith.constant 0 : i32
      %dma_wait3A_362 = arith.constant 0 : i32
      %dma_wait3A_363 = tpu.memref_slice %dma_wait3A_360[%dma_wait3A_361, %dma_wait3A_362] : memref<10000x64xf32, #tpu.memory_space<hbm>> -> memref<128x64xf32, #tpu.memory_space<hbm>>
      %dma_wait3A_364 = arith.constant 0 : i32
      %dma_wait3A_365 = arith.constant 0 : i32
      %dma_wait3A_366 = tpu.memref_slice %arg2[%arg0, %dma_wait3A_364, %dma_wait3A_365] : memref<2x10000x64xf32, #tpu.memory_space<hbm>> -> memref<1x10000x64xf32, #tpu.memory_space<hbm>>
      %dma_wait3A_367 = tpu.memref_squeeze %dma_wait3A_366 : memref<1x10000x64xf32, #tpu.memory_space<hbm>> -> memref<10000x64xf32, #tpu.memory_space<hbm>>
      %dma_wait3A_368 = arith.constant 0 : i32
      %dma_wait3A_369 = arith.constant 0 : i32
      %dma_wait3A_370 = tpu.memref_slice %dma_wait3A_367[%dma_wait3A_368, %dma_wait3A_369] : memref<10000x64xf32, #tpu.memory_space<hbm>> -> memref<128x64xf32, #tpu.memory_space<hbm>>
      tpu.wait_dma2 semaphore(%arg16 : memref<!tpu.dma_semaphore, #tpu.memory_space<semaphore_mem>>) src(%dma_wait3A_370 : memref<128x64xf32, #tpu.memory_space<hbm>>) dst(%arg10 : memref<128x64xf32, #tpu.memory_space<vmem>>)
      %add3A_371 = arith.constant 1 : i32
      %add3A_372 = arith.addi %add3A_356, %add3A_371 : i32
      %dma_start3A_373 = arith.constant 1 : i32
      %dma_start3A_374 = arith.constant 0 : i32
      %dma_start3A_375 = tpu.memref_slice %arg6[%add3A_372, %dma_start3A_373, %dma_start3A_374] : memref<157x2x128xi32, #tpu.memory_space<vmem>> -> memref<1x1x128xi32, #tpu.memory_space<vmem>>
      %dma_start3A_376 = tpu.memref_squeeze %dma_start3A_375 : memref<1x1x128xi32, #tpu.memory_space<vmem>> -> memref<128xi32, #tpu.memory_space<vmem>>
      %dma_start3A_377 = arith.constant 0 : i32
      %dma_start3A_378 = arith.constant 0 : i32
      %dma_start3A_379 = tpu.memref_slice %arg2[%arg0, %dma_start3A_377, %dma_start3A_378] : memref<2x10000x64xf32, #tpu.memory_space<hbm>> -> memref<1x10000x64xf32, #tpu.memory_space<hbm>>
      %dma_start3A_380 = tpu.memref_squeeze %dma_start3A_379 : memref<1x10000x64xf32, #tpu.memory_space<hbm>> -> memref<10000x64xf32, #tpu.memory_space<hbm>>
      %dma_start3A_381 = arith.constant 0 : i32
      %dma_start3A_382 = arith.constant 0 : i32
      %dma_start3A_383 = tpu.memref_slice %dma_start3A_380[%dma_start3A_381, %dma_start3A_382] : memref<10000x64xf32, #tpu.memory_space<hbm>> -> memref<10000x64xf32, #tpu.memory_space<hbm>>
      tpu.enqueue_indirect_dma source(%dma_start3A_383 : memref<10000x64xf32, #tpu.memory_space<hbm>>) target(%arg10 : memref<128x64xf32, #tpu.memory_space<vmem>>) offsets(%dma_start3A_376 : memref<128xi32, #tpu.memory_space<vmem>>) semaphore(%arg13 : memref<!tpu.dma_semaphore, #tpu.memory_space<semaphore_mem>>)
      %dma_wait3A_384 = arith.constant 1 : i32
      %dma_wait3A_385 = arith.constant 0 : i32
      %dma_wait3A_386 = tpu.memref_slice %arg6[%add3A_356, %dma_wait3A_384, %dma_wait3A_385] : memref<157x2x128xi32, #tpu.memory_space<vmem>> -> memref<1x1x128xi32, #tpu.memory_space<vmem>>
      %dma_wait3A_387 = tpu.memref_squeeze %dma_wait3A_386 : memref<1x1x128xi32, #tpu.memory_space<vmem>> -> memref<128xi32, #tpu.memory_space<vmem>>
      %dma_wait3A_388 = arith.constant 0 : i32
      %dma_wait3A_389 = arith.constant 0 : i32
      %dma_wait3A_390 = tpu.memref_slice %arg2[%arg0, %dma_wait3A_388, %dma_wait3A_389] : memref<2x10000x64xf32, #tpu.memory_space<hbm>> -> memref<1x10000x64xf32, #tpu.memory_space<hbm>>
      %dma_wait3A_391 = tpu.memref_squeeze %dma_wait3A_390 : memref<1x10000x64xf32, #tpu.memory_space<hbm>> -> memref<10000x64xf32, #tpu.memory_space<hbm>>
      %dma_wait3A_392 = arith.constant 0 : i32
      %dma_wait3A_393 = arith.constant 0 : i32
      %dma_wait3A_394 = tpu.memref_slice %dma_wait3A_391[%dma_wait3A_392, %dma_wait3A_393] : memref<10000x64xf32, #tpu.memory_space<hbm>> -> memref<10000x64xf32, #tpu.memory_space<hbm>>
      tpu.wait_indirect_dma semaphore(%arg12 : memref<!tpu.dma_semaphore, #tpu.memory_space<semaphore_mem>>) src(%dma_wait3A_394 : memref<10000x64xf32, #tpu.memory_space<hbm>>) dst(%arg9 : memref<128x64xf32, #tpu.memory_space<vmem>>)
      %parallel_loop3A_395 = arith.constant 0 : i32
      %parallel_loop3A_396 = arith.constant 128 : i32
      %parallel_loop3A_397 = arith.constant 1 : i32
      scf.for %parallel_loop3A_405 = %parallel_loop3A_395 to %parallel_loop3A_396 step %parallel_loop3A_397  : i32 {
        %parallel_loop3A_406 = arith.constant 16 : i32
        %parallel_loop3A_407 = arith.divsi %parallel_loop3A_405, %parallel_loop3A_406 : i32
        %parallel_loop3A_408 = arith.constant 0 : i32
        %parallel_loop3A_409 = arith.cmpi sgt, %parallel_loop3A_405, %parallel_loop3A_408 : i32
        %parallel_loop3A_410 = arith.extui %parallel_loop3A_409 : i1 to i32
        %parallel_loop3A_411 = arith.constant 0 : i32
        %parallel_loop3A_412 = arith.cmpi slt, %parallel_loop3A_405, %parallel_loop3A_411 : i32
        %parallel_loop3A_413 = arith.extui %parallel_loop3A_412 : i1 to i32
        %parallel_loop3A_414 = arith.subi %parallel_loop3A_410, %parallel_loop3A_413 : i32
        %parallel_loop3A_415 = arith.constant 0 : i32
        %parallel_loop3A_416 = arith.cmpi sgt, %parallel_loop3A_406, %parallel_loop3A_415 : i32
        %parallel_loop3A_417 = arith.extui %parallel_loop3A_416 : i1 to i32
        %parallel_loop3A_418 = arith.constant 0 : i32
        %parallel_loop3A_419 = arith.cmpi slt, %parallel_loop3A_406, %parallel_loop3A_418 : i32
        %parallel_loop3A_420 = arith.extui %parallel_loop3A_419 : i1 to i32
        %parallel_loop3A_421 = arith.subi %parallel_loop3A_417, %parallel_loop3A_420 : i32
        %parallel_loop3A_422 = arith.cmpi ne, %parallel_loop3A_414, %parallel_loop3A_421 : i32
        %parallel_loop3A_423 = arith.remsi %parallel_loop3A_405, %parallel_loop3A_406 : i32
        %parallel_loop3A_424 = arith.constant 0 : i32
        %parallel_loop3A_425 = arith.cmpi ne, %parallel_loop3A_423, %parallel_loop3A_424 : i32
        %parallel_loop3A_426 = arith.andi %parallel_loop3A_422, %parallel_loop3A_425 : i1
        %parallel_loop3A_427 = arith.constant 1 : i32
        %parallel_loop3A_428 = arith.subi %parallel_loop3A_407, %parallel_loop3A_427 : i32
        %parallel_loop3A_429 = arith.select %parallel_loop3A_426, %parallel_loop3A_428, %parallel_loop3A_407 : i32
        %parallel_loop3A_430 = arith.constant 16 : i32
        %parallel_loop3A_431 = arith.muli %parallel_loop3A_429, %parallel_loop3A_430 : i32
        %parallel_loop3A_432 = arith.subi %parallel_loop3A_405, %parallel_loop3A_431 : i32
        %parallel_loop3A_433 = arith.index_cast %add3A_356 : i32 to index
        %parallel_loop3A_434 = arith.index_cast %parallel_loop3A_431 : i32 to index
        %parallel_loop3A_435 = tpu.vector_load %arg7[%parallel_loop3A_433, %parallel_loop3A_434] {strides = array<i32>} : memref<157x128xf32, #tpu.memory_space<vmem>>, vector<1x16xf32>,
        %parallel_loop3A_436 = vector.shape_cast %parallel_loop3A_435 : vector<1x16xf32> to vector<16xf32>
        %parallel_loop3A_437 = vector.broadcast %parallel_loop3A_432 : i32 to vector<16x1xi32>
        %parallel_loop3A_438 = vector.shape_cast %parallel_loop3A_437 : vector<16x1xi32> to vector<16xi32>
        %parallel_loop3A_439 = tpu.dynamic_gather %parallel_loop3A_436[%parallel_loop3A_438] in [0] : vector<16xf32>, vector<16xi32> -> vector<16xf32>
        %parallel_loop3A_440 = arith.index_cast %parallel_loop3A_405 : i32 to index
        %parallel_loop3A_441 = arith.constant 0 : index
        %parallel_loop3A_442 = tpu.vector_load %arg9[%parallel_loop3A_440, %parallel_loop3A_441] {strides = array<i32>} : memref<128x64xf32, #tpu.memory_space<vmem>>, vector<1x16xf32>,
        %parallel_loop3A_443 = vector.shape_cast %parallel_loop3A_442 : vector<1x16xf32> to vector<16xf32>
        %parallel_loop3A_444 = arith.mulf %parallel_loop3A_443, %parallel_loop3A_439 : vector<16xf32>
        %parallel_loop3A_445 = arith.index_cast %parallel_loop3A_405 : i32 to index
        %parallel_loop3A_446 = arith.constant 0 : index
        %parallel_loop3A_447 = tpu.vector_load %arg9[%parallel_loop3A_445, %parallel_loop3A_446] {strides = array<i32>} : memref<128x64xf32, #tpu.memory_space<vmem>>, vector<1x16xf32>,
        %parallel_loop3A_448 = vector.shape_cast %parallel_loop3A_447 : vector<1x16xf32> to vector<16xf32>
        %parallel_loop3A_449 = vector.shape_cast %parallel_loop3A_444 : vector<16xf32> to vector<1x16xf32>
        tpu.vector_store %arg9[%parallel_loop3A_445, %parallel_loop3A_446], %parallel_loop3A_449 {strides = array<i32>} : memref<128x64xf32, #tpu.memory_space<vmem>>, vector<1x16xf32>,
        %parallel_loop3A_450 = arith.index_cast %parallel_loop3A_405 : i32 to index
        %parallel_loop3A_451 = arith.constant 16 : index
        %parallel_loop3A_452 = tpu.vector_load %arg9[%parallel_loop3A_450, %parallel_loop3A_451] {strides = array<i32>} : memref<128x64xf32, #tpu.memory_space<vmem>>, vector<1x16xf32>,
        %parallel_loop3A_453 = vector.shape_cast %parallel_loop3A_452 : vector<1x16xf32> to vector<16xf32>
        %parallel_loop3A_454 = arith.mulf %parallel_loop3A_453, %parallel_loop3A_439 : vector<16xf32>
        %parallel_loop3A_455 = arith.index_cast %parallel_loop3A_405 : i32 to index
        %parallel_loop3A_456 = arith.constant 16 : index
        %parallel_loop3A_457 = tpu.vector_load %arg9[%parallel_loop3A_455, %parallel_loop3A_456] {strides = array<i32>} : memref<128x64xf32, #tpu.memory_space<vmem>>, vector<1x16xf32>,
        %parallel_loop3A_458 = vector.shape_cast %parallel_loop3A_457 : vector<1x16xf32> to vector<16xf32>
        %parallel_loop3A_459 = vector.shape_cast %parallel_loop3A_454 : vector<16xf32> to vector<1x16xf32>
        tpu.vector_store %arg9[%parallel_loop3A_455, %parallel_loop3A_456], %parallel_loop3A_459 {strides = array<i32>} : memref<128x64xf32, #tpu.memory_space<vmem>>, vector<1x16xf32>,
        %parallel_loop3A_460 = arith.index_cast %parallel_loop3A_405 : i32 to index
        %parallel_loop3A_461 = arith.constant 32 : index
        %parallel_loop3A_462 = tpu.vector_load %arg9[%parallel_loop3A_460, %parallel_loop3A_461] {strides = array<i32>} : memref<128x64xf32, #tpu.memory_space<vmem>>, vector<1x16xf32>,
        %parallel_loop3A_463 = vector.shape_cast %parallel_loop3A_462 : vector<1x16xf32> to vector<16xf32>
        %parallel_loop3A_464 = arith.mulf %parallel_loop3A_463, %parallel_loop3A_439 : vector<16xf32>
        %parallel_loop3A_465 = arith.index_cast %parallel_loop3A_405 : i32 to index
        %parallel_loop3A_466 = arith.constant 32 : index
        %parallel_loop3A_467 = tpu.vector_load %arg9[%parallel_loop3A_465, %parallel_loop3A_466] {strides = array<i32>} : memref<128x64xf32, #tpu.memory_space<vmem>>, vector<1x16xf32>,
        %parallel_loop3A_468 = vector.shape_cast %parallel_loop3A_467 : vector<1x16xf32> to vector<16xf32>
        %parallel_loop3A_469 = vector.shape_cast %parallel_loop3A_464 : vector<16xf32> to vector<1x16xf32>
        tpu.vector_store %arg9[%parallel_loop3A_465, %parallel_loop3A_466], %parallel_loop3A_469 {strides = array<i32>} : memref<128x64xf32, #tpu.memory_space<vmem>>, vector<1x16xf32>,
        %parallel_loop3A_470 = arith.index_cast %parallel_loop3A_405 : i32 to index
        %parallel_loop3A_471 = arith.constant 48 : index
        %parallel_loop3A_472 = tpu.vector_load %arg9[%parallel_loop3A_470, %parallel_loop3A_471] {strides = array<i32>} : memref<128x64xf32, #tpu.memory_space<vmem>>, vector<1x16xf32>,
        %parallel_loop3A_473 = vector.shape_cast %parallel_loop3A_472 : vector<1x16xf32> to vector<16xf32>
        %parallel_loop3A_474 = arith.mulf %parallel_loop3A_473, %parallel_loop3A_439 : vector<16xf32>
        %parallel_loop3A_475 = arith.index_cast %parallel_loop3A_405 : i32 to index
        %parallel_loop3A_476 = arith.constant 48 : index
        %parallel_loop3A_477 = tpu.vector_load %arg9[%parallel_loop3A_475, %parallel_loop3A_476] {strides = array<i32>} : memref<128x64xf32, #tpu.memory_space<vmem>>, vector<1x16xf32>,
        %parallel_loop3A_478 = vector.shape_cast %parallel_loop3A_477 : vector<1x16xf32> to vector<16xf32>
        %parallel_loop3A_479 = vector.shape_cast %parallel_loop3A_474 : vector<16xf32> to vector<1x16xf32>
        tpu.vector_store %arg9[%parallel_loop3A_475, %parallel_loop3A_476], %parallel_loop3A_479 {strides = array<i32>} : memref<128x64xf32, #tpu.memory_space<vmem>>, vector<1x16xf32>,
      } {sc.loop_unroll_factor = 8 : i64, sc.parallel_access}
      %dma_start3A_398 = arith.constant 0 : i32
      %dma_start3A_399 = arith.constant 0 : i32
      %dma_start3A_400 = tpu.memref_slice %arg6[%add3A_356, %dma_start3A_398, %dma_start3A_399] : memref<157x2x128xi32, #tpu.memory_space<vmem>> -> memref<1x1x128xi32, #tpu.memory_space<vmem>>
      %dma_start3A_401 = tpu.memref_squeeze %dma_start3A_400 : memref<1x1x128xi32, #tpu.memory_space<vmem>> -> memref<128xi32, #tpu.memory_space<vmem>>
      %dma_start3A_402 = arith.constant 0 : i32
      %dma_start3A_403 = arith.constant 0 : i32
      %dma_start3A_404 = tpu.memref_slice %arg19[%dma_start3A_402, %dma_start3A_403] : memref<10000x64xf32, #tpu.memory_space<vmem_shared>> -> memref<10000x64xf32, #tpu.memory_space<vmem_shared>>
      tpu.enqueue_indirect_dma source(%arg9 : memref<128x64xf32, #tpu.memory_space<vmem>>) target(%dma_start3A_404 : memref<10000x64xf32, #tpu.memory_space<vmem_shared>>) offsets(%dma_start3A_401 : memref<128xi32, #tpu.memory_space<vmem>>) semaphore(%arg15 : memref<!tpu.dma_semaphore, #tpu.memory_space<semaphore_mem>>) {add = true}
    }
    %scan3A_136 = arith.constant 51 : i32
    %dma_wait3A_137 = arith.constant 0 : i32
    %dma_wait3A_138 = arith.constant 0 : i32
    %dma_wait3A_139 = tpu.memref_slice %arg2[%arg0, %dma_wait3A_137, %dma_wait3A_138] : memref<2x10000x64xf32, #tpu.memory_space<hbm>> -> memref<1x10000x64xf32, #tpu.memory_space<hbm>>
    %dma_wait3A_140 = tpu.memref_squeeze %dma_wait3A_139 : memref<1x10000x64xf32, #tpu.memory_space<hbm>> -> memref<10000x64xf32, #tpu.memory_space<hbm>>
    %dma_wait3A_141 = arith.constant 0 : i32
    %dma_wait3A_142 = arith.constant 0 : i32
    %dma_wait3A_143 = tpu.memref_slice %dma_wait3A_140[%dma_wait3A_141, %dma_wait3A_142] : memref<10000x64xf32, #tpu.memory_space<hbm>> -> memref<128x64xf32, #tpu.memory_space<hbm>>
    %dma_wait3A_144 = arith.constant 0 : i32
    %dma_wait3A_145 = arith.constant 0 : i32
    %dma_wait3A_146 = tpu.memref_slice %arg2[%arg0, %dma_wait3A_144, %dma_wait3A_145] : memref<2x10000x64xf32, #tpu.memory_space<hbm>> -> memref<1x10000x64xf32, #tpu.memory_space<hbm>>
    %dma_wait3A_147 = tpu.memref_squeeze %dma_wait3A_146 : memref<1x10000x64xf32, #tpu.memory_space<hbm>> -> memref<10000x64xf32, #tpu.memory_space<hbm>>
    %dma_wait3A_148 = arith.constant 0 : i32
    %dma_wait3A_149 = arith.constant 0 : i32
    %dma_wait3A_150 = tpu.memref_slice %dma_wait3A_147[%dma_wait3A_148, %dma_wait3A_149] : memref<10000x64xf32, #tpu.memory_space<hbm>> -> memref<128x64xf32, #tpu.memory_space<hbm>>
    tpu.wait_dma2 semaphore(%arg14 : memref<!tpu.dma_semaphore, #tpu.memory_space<semaphore_mem>>) src(%dma_wait3A_150 : memref<128x64xf32, #tpu.memory_space<hbm>>) dst(%arg8 : memref<128x64xf32, #tpu.memory_space<vmem>>)
    %dma_start3A_151 = arith.constant 156 : i32
    %dma_start3A_152 = arith.constant 1 : i32
    %dma_start3A_153 = arith.constant 0 : i32
    %dma_start3A_154 = tpu.memref_slice %arg6[%dma_start3A_151, %dma_start3A_152, %dma_start3A_153] : memref<157x2x128xi32, #tpu.memory_space<vmem>> -> memref<1x1x128xi32, #tpu.memory_space<vmem>>
    %dma_start3A_155 = tpu.memref_squeeze %dma_start3A_154 : memref<1x1x128xi32, #tpu.memory_space<vmem>> -> memref<128xi32, #tpu.memory_space<vmem>>
    %dma_start3A_156 = arith.constant 0 : i32
    %dma_start3A_157 = arith.constant 0 : i32
    %dma_start3A_158 = tpu.memref_slice %arg2[%arg0, %dma_start3A_156, %dma_start3A_157] : memref<2x10000x64xf32, #tpu.memory_space<hbm>> -> memref<1x10000x64xf32, #tpu.memory_space<hbm>>
    %dma_start3A_159 = tpu.memref_squeeze %dma_start3A_158 : memref<1x10000x64xf32, #tpu.memory_space<hbm>> -> memref<10000x64xf32, #tpu.memory_space<hbm>>
    %dma_start3A_160 = arith.constant 0 : i32
    %dma_start3A_161 = arith.constant 0 : i32
    %dma_start3A_162 = tpu.memref_slice %dma_start3A_159[%dma_start3A_160, %dma_start3A_161] : memref<10000x64xf32, #tpu.memory_space<hbm>> -> memref<10000x64xf32, #tpu.memory_space<hbm>>
    tpu.enqueue_indirect_dma source(%dma_start3A_162 : memref<10000x64xf32, #tpu.memory_space<hbm>>) target(%arg8 : memref<128x64xf32, #tpu.memory_space<vmem>>) offsets(%dma_start3A_155 : memref<128xi32, #tpu.memory_space<vmem>>) semaphore(%arg11 : memref<!tpu.dma_semaphore, #tpu.memory_space<semaphore_mem>>)
    %dma_wait3A_163 = arith.constant 155 : i32
    %dma_wait3A_164 = arith.constant 1 : i32
    %dma_wait3A_165 = arith.constant 0 : i32
    %dma_wait3A_166 = tpu.memref_slice %arg6[%dma_wait3A_163, %dma_wait3A_164, %dma_wait3A_165] : memref<157x2x128xi32, #tpu.memory_space<vmem>> -> memref<1x1x128xi32, #tpu.memory_space<vmem>>
    %dma_wait3A_167 = tpu.memref_squeeze %dma_wait3A_166 : memref<1x1x128xi32, #tpu.memory_space<vmem>> -> memref<128xi32, #tpu.memory_space<vmem>>
    %dma_wait3A_168 = arith.constant 0 : i32
    %dma_wait3A_169 = arith.constant 0 : i32
    %dma_wait3A_170 = tpu.memref_slice %arg2[%arg0, %dma_wait3A_168, %dma_wait3A_169] : memref<2x10000x64xf32, #tpu.memory_space<hbm>> -> memref<1x10000x64xf32, #tpu.memory_space<hbm>>
    %dma_wait3A_171 = tpu.memref_squeeze %dma_wait3A_170 : memref<1x10000x64xf32, #tpu.memory_space<hbm>> -> memref<10000x64xf32, #tpu.memory_space<hbm>>
    %dma_wait3A_172 = arith.constant 0 : i32
    %dma_wait3A_173 = arith.constant 0 : i32
    %dma_wait3A_174 = tpu.memref_slice %dma_wait3A_171[%dma_wait3A_172, %dma_wait3A_173] : memref<10000x64xf32, #tpu.memory_space<hbm>> -> memref<10000x64xf32, #tpu.memory_space<hbm>>
    tpu.wait_indirect_dma semaphore(%arg13 : memref<!tpu.dma_semaphore, #tpu.memory_space<semaphore_mem>>) src(%dma_wait3A_174 : memref<10000x64xf32, #tpu.memory_space<hbm>>) dst(%arg10 : memref<128x64xf32, #tpu.memory_space<vmem>>)
    %parallel_loop3A_175 = arith.constant 0 : i32
    %parallel_loop3A_176 = arith.constant 128 : i32
    %parallel_loop3A_177 = arith.constant 1 : i32
    scf.for %parallel_loop3A_252 = %parallel_loop3A_175 to %parallel_loop3A_176 step %parallel_loop3A_177  : i32 {
      %parallel_loop3A_253 = arith.constant 16 : i32
      %parallel_loop3A_254 = arith.divsi %parallel_loop3A_252, %parallel_loop3A_253 : i32
      %parallel_loop3A_255 = arith.constant 0 : i32
      %parallel_loop3A_256 = arith.cmpi sgt, %parallel_loop3A_252, %parallel_loop3A_255 : i32
      %parallel_loop3A_257 = arith.extui %parallel_loop3A_256 : i1 to i32
      %parallel_loop3A_258 = arith.constant 0 : i32
      %parallel_loop3A_259 = arith.cmpi slt, %parallel_loop3A_252, %parallel_loop3A_258 : i32
      %parallel_loop3A_260 = arith.extui %parallel_loop3A_259 : i1 to i32
      %parallel_loop3A_261 = arith.subi %parallel_loop3A_257, %parallel_loop3A_260 : i32
      %parallel_loop3A_262 = arith.constant 0 : i32
      %parallel_loop3A_263 = arith.cmpi sgt, %parallel_loop3A_253, %parallel_loop3A_262 : i32
      %parallel_loop3A_264 = arith.extui %parallel_loop3A_263 : i1 to i32
      %parallel_loop3A_265 = arith.constant 0 : i32
      %parallel_loop3A_266 = arith.cmpi slt, %parallel_loop3A_253, %parallel_loop3A_265 : i32
      %parallel_loop3A_267 = arith.extui %parallel_loop3A_266 : i1 to i32
      %parallel_loop3A_268 = arith.subi %parallel_loop3A_264, %parallel_loop3A_267 : i32
      %parallel_loop3A_269 = arith.cmpi ne, %parallel_loop3A_261, %parallel_loop3A_268 : i32
      %parallel_loop3A_270 = arith.remsi %parallel_loop3A_252, %parallel_loop3A_253 : i32
      %parallel_loop3A_271 = arith.constant 0 : i32
      %parallel_loop3A_272 = arith.cmpi ne, %parallel_loop3A_270, %parallel_loop3A_271 : i32
      %parallel_loop3A_273 = arith.andi %parallel_loop3A_269, %parallel_loop3A_272 : i1
      %parallel_loop3A_274 = arith.constant 1 : i32
      %parallel_loop3A_275 = arith.subi %parallel_loop3A_254, %parallel_loop3A_274 : i32
      %parallel_loop3A_276 = arith.select %parallel_loop3A_273, %parallel_loop3A_275, %parallel_loop3A_254 : i32
      %parallel_loop3A_277 = arith.constant 16 : i32
      %parallel_loop3A_278 = arith.muli %parallel_loop3A_276, %parallel_loop3A_277 : i32
      %parallel_loop3A_279 = arith.subi %parallel_loop3A_252, %parallel_loop3A_278 : i32
      %parallel_loop3A_280 = arith.constant 155 : i32
      %parallel_loop3A_281 = arith.index_cast %parallel_loop3A_280 : i32 to index
      %parallel_loop3A_282 = arith.index_cast %parallel_loop3A_278 : i32 to index
      %parallel_loop3A_283 = tpu.vector_load %arg7[%parallel_loop3A_281, %parallel_loop3A_282] {strides = array<i32>} : memref<157x128xf32, #tpu.memory_space<vmem>>, vector<1x16xf32>,
      %parallel_loop3A_284 = vector.shape_cast %parallel_loop3A_283 : vector<1x16xf32> to vector<16xf32>
      %parallel_loop3A_285 = vector.broadcast %parallel_loop3A_279 : i32 to vector<16x1xi32>
      %parallel_loop3A_286 = vector.shape_cast %parallel_loop3A_285 : vector<16x1xi32> to vector<16xi32>
      %parallel_loop3A_287 = tpu.dynamic_gather %parallel_loop3A_284[%parallel_loop3A_286] in [0] : vector<16xf32>, vector<16xi32> -> vector<16xf32>
      %parallel_loop3A_288 = arith.index_cast %parallel_loop3A_252 : i32 to index
      %parallel_loop3A_289 = arith.constant 0 : index
      %parallel_loop3A_290 = tpu.vector_load %arg10[%parallel_loop3A_288, %parallel_loop3A_289] {strides = array<i32>} : memref<128x64xf32, #tpu.memory_space<vmem>>, vector<1x16xf32>,
      %parallel_loop3A_291 = vector.shape_cast %parallel_loop3A_290 : vector<1x16xf32> to vector<16xf32>
      %parallel_loop3A_292 = arith.mulf %parallel_loop3A_291, %parallel_loop3A_287 : vector<16xf32>
      %parallel_loop3A_293 = arith.index_cast %parallel_loop3A_252 : i32 to index
      %parallel_loop3A_294 = arith.constant 0 : index
      %parallel_loop3A_295 = tpu.vector_load %arg10[%parallel_loop3A_293, %parallel_loop3A_294] {strides = array<i32>} : memref<128x64xf32, #tpu.memory_space<vmem>>, vector<1x16xf32>,
      %parallel_loop3A_296 = vector.shape_cast %parallel_loop3A_295 : vector<1x16xf32> to vector<16xf32>
      %parallel_loop3A_297 = vector.shape_cast %parallel_loop3A_292 : vector<16xf32> to vector<1x16xf32>
      tpu.vector_store %arg10[%parallel_loop3A_293, %parallel_loop3A_294], %parallel_loop3A_297 {strides = array<i32>} : memref<128x64xf32, #tpu.memory_space<vmem>>, vector<1x16xf32>,
      %parallel_loop3A_298 = arith.index_cast %parallel_loop3A_252 : i32 to index
      %parallel_loop3A_299 = arith.constant 16 : index
      %parallel_loop3A_300 = tpu.vector_load %arg10[%parallel_loop3A_298, %parallel_loop3A_299] {strides = array<i32>} : memref<128x64xf32, #tpu.memory_space<vmem>>, vector<1x16xf32>,
      %parallel_loop3A_301 = vector.shape_cast %parallel_loop3A_300 : vector<1x16xf32> to vector<16xf32>
      %parallel_loop3A_302 = arith.mulf %parallel_loop3A_301, %parallel_loop3A_287 : vector<16xf32>
      %parallel_loop3A_303 = arith.index_cast %parallel_loop3A_252 : i32 to index
      %parallel_loop3A_304 = arith.constant 16 : index
      %parallel_loop3A_305 = tpu.vector_load %arg10[%parallel_loop3A_303, %parallel_loop3A_304] {strides = array<i32>} : memref<128x64xf32, #tpu.memory_space<vmem>>, vector<1x16xf32>,
      %parallel_loop3A_306 = vector.shape_cast %parallel_loop3A_305 : vector<1x16xf32> to vector<16xf32>
      %parallel_loop3A_307 = vector.shape_cast %parallel_loop3A_302 : vector<16xf32> to vector<1x16xf32>
      tpu.vector_store %arg10[%parallel_loop3A_303, %parallel_loop3A_304], %parallel_loop3A_307 {strides = array<i32>} : memref<128x64xf32, #tpu.memory_space<vmem>>, vector<1x16xf32>,
      %parallel_loop3A_308 = arith.index_cast %parallel_loop3A_252 : i32 to index
      %parallel_loop3A_309 = arith.constant 32 : index
      %parallel_loop3A_310 = tpu.vector_load %arg10[%parallel_loop3A_308, %parallel_loop3A_309] {strides = array<i32>} : memref<128x64xf32, #tpu.memory_space<vmem>>, vector<1x16xf32>,
      %parallel_loop3A_311 = vector.shape_cast %parallel_loop3A_310 : vector<1x16xf32> to vector<16xf32>
      %parallel_loop3A_312 = arith.mulf %parallel_loop3A_311, %parallel_loop3A_287 : vector<16xf32>
      %parallel_loop3A_313 = arith.index_cast %parallel_loop3A_252 : i32 to index
      %parallel_loop3A_314 = arith.constant 32 : index
      %parallel_loop3A_315 = tpu.vector_load %arg10[%parallel_loop3A_313, %parallel_loop3A_314] {strides = array<i32>} : memref<128x64xf32, #tpu.memory_space<vmem>>, vector<1x16xf32>,
      %parallel_loop3A_316 = vector.shape_cast %parallel_loop3A_315 : vector<1x16xf32> to vector<16xf32>
      %parallel_loop3A_317 = vector.shape_cast %parallel_loop3A_312 : vector<16xf32> to vector<1x16xf32>
      tpu.vector_store %arg10[%parallel_loop3A_313, %parallel_loop3A_314], %parallel_loop3A_317 {strides = array<i32>} : memref<128x64xf32, #tpu.memory_space<vmem>>, vector<1x16xf32>,
      %parallel_loop3A_318 = arith.index_cast %parallel_loop3A_252 : i32 to index
      %parallel_loop3A_319 = arith.constant 48 : index
      %parallel_loop3A_320 = tpu.vector_load %arg10[%parallel_loop3A_318, %parallel_loop3A_319] {strides = array<i32>} : memref<128x64xf32, #tpu.memory_space<vmem>>, vector<1x16xf32>,
      %parallel_loop3A_321 = vector.shape_cast %parallel_loop3A_320 : vector<1x16xf32> to vector<16xf32>
      %parallel_loop3A_322 = arith.mulf %parallel_loop3A_321, %parallel_loop3A_287 : vector<16xf32>
      %parallel_loop3A_323 = arith.index_cast %parallel_loop3A_252 : i32 to index
      %parallel_loop3A_324 = arith.constant 48 : index
      %parallel_loop3A_325 = tpu.vector_load %arg10[%parallel_loop3A_323, %parallel_loop3A_324] {strides = array<i32>} : memref<128x64xf32, #tpu.memory_space<vmem>>, vector<1x16xf32>,
      %parallel_loop3A_326 = vector.shape_cast %parallel_loop3A_325 : vector<1x16xf32> to vector<16xf32>
      %parallel_loop3A_327 = vector.shape_cast %parallel_loop3A_322 : vector<16xf32> to vector<1x16xf32>
      tpu.vector_store %arg10[%parallel_loop3A_323, %parallel_loop3A_324], %parallel_loop3A_327 {strides = array<i32>} : memref<128x64xf32, #tpu.memory_space<vmem>>, vector<1x16xf32>,
    } {sc.loop_unroll_factor = 8 : i64, sc.parallel_access}
    %dma_start3A_178 = arith.constant 155 : i32
    %dma_start3A_179 = arith.constant 0 : i32
    %dma_start3A_180 = arith.constant 0 : i32
    %dma_start3A_181 = tpu.memref_slice %arg6[%dma_start3A_178, %dma_start3A_179, %dma_start3A_180] : memref<157x2x128xi32, #tpu.memory_space<vmem>> -> memref<1x1x128xi32, #tpu.memory_space<vmem>>
    %dma_start3A_182 = tpu.memref_squeeze %dma_start3A_181 : memref<1x1x128xi32, #tpu.memory_space<vmem>> -> memref<128xi32, #tpu.memory_space<vmem>>
    %dma_start3A_183 = arith.constant 0 : i32
    %dma_start3A_184 = arith.constant 0 : i32
    %dma_start3A_185 = tpu.memref_slice %arg19[%dma_start3A_183, %dma_start3A_184] : memref<10000x64xf32, #tpu.memory_space<vmem_shared>> -> memref<10000x64xf32, #tpu.memory_space<vmem_shared>>
    tpu.enqueue_indirect_dma source(%arg10 : memref<128x64xf32, #tpu.memory_space<vmem>>) target(%dma_start3A_185 : memref<10000x64xf32, #tpu.memory_space<vmem_shared>>) offsets(%dma_start3A_182 : memref<128xi32, #tpu.memory_space<vmem>>) semaphore(%arg16 : memref<!tpu.dma_semaphore, #tpu.memory_space<semaphore_mem>>) {add = true}
    %dma_wait3A_186 = arith.constant 0 : i32
    %dma_wait3A_187 = arith.constant 0 : i32
    %dma_wait3A_188 = tpu.memref_slice %arg2[%arg0, %dma_wait3A_186, %dma_wait3A_187] : memref<2x10000x64xf32, #tpu.memory_space<hbm>> -> memref<1x10000x64xf32, #tpu.memory_space<hbm>>
    %dma_wait3A_189 = tpu.memref_squeeze %dma_wait3A_188 : memref<1x10000x64xf32, #tpu.memory_space<hbm>> -> memref<10000x64xf32, #tpu.memory_space<hbm>>
    %dma_wait3A_190 = arith.constant 0 : i32
    %dma_wait3A_191 = arith.constant 0 : i32
    %dma_wait3A_192 = tpu.memref_slice %dma_wait3A_189[%dma_wait3A_190, %dma_wait3A_191] : memref<10000x64xf32, #tpu.memory_space<hbm>> -> memref<128x64xf32, #tpu.memory_space<hbm>>
    %dma_wait3A_193 = arith.constant 0 : i32
    %dma_wait3A_194 = arith.constant 0 : i32
    %dma_wait3A_195 = tpu.memref_slice %arg2[%arg0, %dma_wait3A_193, %dma_wait3A_194] : memref<2x10000x64xf32, #tpu.memory_space<hbm>> -> memref<1x10000x64xf32, #tpu.memory_space<hbm>>
    %dma_wait3A_196 = tpu.memref_squeeze %dma_wait3A_195 : memref<1x10000x64xf32, #tpu.memory_space<hbm>> -> memref<10000x64xf32, #tpu.memory_space<hbm>>
    %dma_wait3A_197 = arith.constant 0 : i32
    %dma_wait3A_198 = arith.constant 0 : i32
    %dma_wait3A_199 = tpu.memref_slice %dma_wait3A_196[%dma_wait3A_197, %dma_wait3A_198] : memref<10000x64xf32, #tpu.memory_space<hbm>> -> memref<128x64xf32, #tpu.memory_space<hbm>>
    tpu.wait_dma2 semaphore(%arg15 : memref<!tpu.dma_semaphore, #tpu.memory_space<semaphore_mem>>) src(%dma_wait3A_199 : memref<128x64xf32, #tpu.memory_space<hbm>>) dst(%arg9 : memref<128x64xf32, #tpu.memory_space<vmem>>)
    %dma_wait3A_200 = arith.constant 156 : i32
    %dma_wait3A_201 = arith.constant 1 : i32
    %dma_wait3A_202 = arith.constant 0 : i32
    %dma_wait3A_203 = tpu.memref_slice %arg6[%dma_wait3A_200, %dma_wait3A_201, %dma_wait3A_202] : memref<157x2x128xi32, #tpu.memory_space<vmem>> -> memref<1x1x128xi32, #tpu.memory_space<vmem>>
    %dma_wait3A_204 = tpu.memref_squeeze %dma_wait3A_203 : memref<1x1x128xi32, #tpu.memory_space<vmem>> -> memref<128xi32, #tpu.memory_space<vmem>>
    %dma_wait3A_205 = arith.constant 0 : i32
    %dma_wait3A_206 = arith.constant 0 : i32
    %dma_wait3A_207 = tpu.memref_slice %arg2[%arg0, %dma_wait3A_205, %dma_wait3A_206] : memref<2x10000x64xf32, #tpu.memory_space<hbm>> -> memref<1x10000x64xf32, #tpu.memory_space<hbm>>
    %dma_wait3A_208 = tpu.memref_squeeze %dma_wait3A_207 : memref<1x10000x64xf32, #tpu.memory_space<hbm>> -> memref<10000x64xf32, #tpu.memory_space<hbm>>
    %dma_wait3A_209 = arith.constant 0 : i32
    %dma_wait3A_210 = arith.constant 0 : i32
    %dma_wait3A_211 = tpu.memref_slice %dma_wait3A_208[%dma_wait3A_209, %dma_wait3A_210] : memref<10000x64xf32, #tpu.memory_space<hbm>> -> memref<10000x64xf32, #tpu.memory_space<hbm>>
    tpu.wait_indirect_dma semaphore(%arg11 : memref<!tpu.dma_semaphore, #tpu.memory_space<semaphore_mem>>) src(%dma_wait3A_211 : memref<10000x64xf32, #tpu.memory_space<hbm>>) dst(%arg8 : memref<128x64xf32, #tpu.memory_space<vmem>>)
    %parallel_loop3A_212 = arith.constant 0 : i32
    %parallel_loop3A_213 = arith.constant 128 : i32
    %parallel_loop3A_214 = arith.constant 1 : i32
    scf.for %parallel_loop3A_252 = %parallel_loop3A_212 to %parallel_loop3A_213 step %parallel_loop3A_214  : i32 {
      %parallel_loop3A_253 = arith.constant 16 : i32
      %parallel_loop3A_254 = arith.divsi %parallel_loop3A_252, %parallel_loop3A_253 : i32
      %parallel_loop3A_255 = arith.constant 0 : i32
      %parallel_loop3A_256 = arith.cmpi sgt, %parallel_loop3A_252, %parallel_loop3A_255 : i32
      %parallel_loop3A_257 = arith.extui %parallel_loop3A_256 : i1 to i32
      %parallel_loop3A_258 = arith.constant 0 : i32
      %parallel_loop3A_259 = arith.cmpi slt, %parallel_loop3A_252, %parallel_loop3A_258 : i32
      %parallel_loop3A_260 = arith.extui %parallel_loop3A_259 : i1 to i32
      %parallel_loop3A_261 = arith.subi %parallel_loop3A_257, %parallel_loop3A_260 : i32
      %parallel_loop3A_262 = arith.constant 0 : i32
      %parallel_loop3A_263 = arith.cmpi sgt, %parallel_loop3A_253, %parallel_loop3A_262 : i32
      %parallel_loop3A_264 = arith.extui %parallel_loop3A_263 : i1 to i32
      %parallel_loop3A_265 = arith.constant 0 : i32
      %parallel_loop3A_266 = arith.cmpi slt, %parallel_loop3A_253, %parallel_loop3A_265 : i32
      %parallel_loop3A_267 = arith.extui %parallel_loop3A_266 : i1 to i32
      %parallel_loop3A_268 = arith.subi %parallel_loop3A_264, %parallel_loop3A_267 : i32
      %parallel_loop3A_269 = arith.cmpi ne, %parallel_loop3A_261, %parallel_loop3A_268 : i32
      %parallel_loop3A_270 = arith.remsi %parallel_loop3A_252, %parallel_loop3A_253 : i32
      %parallel_loop3A_271 = arith.constant 0 : i32
      %parallel_loop3A_272 = arith.cmpi ne, %parallel_loop3A_270, %parallel_loop3A_271 : i32
      %parallel_loop3A_273 = arith.andi %parallel_loop3A_269, %parallel_loop3A_272 : i1
      %parallel_loop3A_274 = arith.constant 1 : i32
      %parallel_loop3A_275 = arith.subi %parallel_loop3A_254, %parallel_loop3A_274 : i32
      %parallel_loop3A_276 = arith.select %parallel_loop3A_273, %parallel_loop3A_275, %parallel_loop3A_254 : i32
      %parallel_loop3A_277 = arith.constant 16 : i32
      %parallel_loop3A_278 = arith.muli %parallel_loop3A_276, %parallel_loop3A_277 : i32
      %parallel_loop3A_279 = arith.subi %parallel_loop3A_252, %parallel_loop3A_278 : i32
      %parallel_loop3A_280 = arith.constant 156 : i32
      %parallel_loop3A_281 = arith.index_cast %parallel_loop3A_280 : i32 to index
      %parallel_loop3A_282 = arith.index_cast %parallel_loop3A_278 : i32 to index
      %parallel_loop3A_283 = tpu.vector_load %arg7[%parallel_loop3A_281, %parallel_loop3A_282] {strides = array<i32>} : memref<157x128xf32, #tpu.memory_space<vmem>>, vector<1x16xf32>,
      %parallel_loop3A_284 = vector.shape_cast %parallel_loop3A_283 : vector<1x16xf32> to vector<16xf32>
      %parallel_loop3A_285 = vector.broadcast %parallel_loop3A_279 : i32 to vector<16x1xi32>
      %parallel_loop3A_286 = vector.shape_cast %parallel_loop3A_285 : vector<16x1xi32> to vector<16xi32>
      %parallel_loop3A_287 = tpu.dynamic_gather %parallel_loop3A_284[%parallel_loop3A_286] in [0] : vector<16xf32>, vector<16xi32> -> vector<16xf32>
      %parallel_loop3A_288 = arith.index_cast %parallel_loop3A_252 : i32 to index
      %parallel_loop3A_289 = arith.constant 0 : index
      %parallel_loop3A_290 = tpu.vector_load %arg8[%parallel_loop3A_288, %parallel_loop3A_289] {strides = array<i32>} : memref<128x64xf32, #tpu.memory_space<vmem>>, vector<1x16xf32>,
      %parallel_loop3A_291 = vector.shape_cast %parallel_loop3A_290 : vector<1x16xf32> to vector<16xf32>
      %parallel_loop3A_292 = arith.mulf %parallel_loop3A_291, %parallel_loop3A_287 : vector<16xf32>
      %parallel_loop3A_293 = arith.index_cast %parallel_loop3A_252 : i32 to index
      %parallel_loop3A_294 = arith.constant 0 : index
      %parallel_loop3A_295 = tpu.vector_load %arg8[%parallel_loop3A_293, %parallel_loop3A_294] {strides = array<i32>} : memref<128x64xf32, #tpu.memory_space<vmem>>, vector<1x16xf32>,
      %parallel_loop3A_296 = vector.shape_cast %parallel_loop3A_295 : vector<1x16xf32> to vector<16xf32>
      %parallel_loop3A_297 = vector.shape_cast %parallel_loop3A_292 : vector<16xf32> to vector<1x16xf32>
      tpu.vector_store %arg8[%parallel_loop3A_293, %parallel_loop3A_294], %parallel_loop3A_297 {strides = array<i32>} : memref<128x64xf32, #tpu.memory_space<vmem>>, vector<1x16xf32>,
      %parallel_loop3A_298 = arith.index_cast %parallel_loop3A_252 : i32 to index
      %parallel_loop3A_299 = arith.constant 16 : index
      %parallel_loop3A_300 = tpu.vector_load %arg8[%parallel_loop3A_298, %parallel_loop3A_299] {strides = array<i32>} : memref<128x64xf32, #tpu.memory_space<vmem>>, vector<1x16xf32>,
      %parallel_loop3A_301 = vector.shape_cast %parallel_loop3A_300 : vector<1x16xf32> to vector<16xf32>
      %parallel_loop3A_302 = arith.mulf %parallel_loop3A_301, %parallel_loop3A_287 : vector<16xf32>
      %parallel_loop3A_303 = arith.index_cast %parallel_loop3A_252 : i32 to index
      %parallel_loop3A_304 = arith.constant 16 : index
      %parallel_loop3A_305 = tpu.vector_load %arg8[%parallel_loop3A_303, %parallel_loop3A_304] {strides = array<i32>} : memref<128x64xf32, #tpu.memory_space<vmem>>, vector<1x16xf32>,
      %parallel_loop3A_306 = vector.shape_cast %parallel_loop3A_305 : vector<1x16xf32> to vector<16xf32>
      %parallel_loop3A_307 = vector.shape_cast %parallel_loop3A_302 : vector<16xf32> to vector<1x16xf32>
      tpu.vector_store %arg8[%parallel_loop3A_303, %parallel_loop3A_304], %parallel_loop3A_307 {strides = array<i32>} : memref<128x64xf32, #tpu.memory_space<vmem>>, vector<1x16xf32>,
      %parallel_loop3A_308 = arith.index_cast %parallel_loop3A_252 : i32 to index
      %parallel_loop3A_309 = arith.constant 32 : index
      %parallel_loop3A_310 = tpu.vector_load %arg8[%parallel_loop3A_308, %parallel_loop3A_309] {strides = array<i32>} : memref<128x64xf32, #tpu.memory_space<vmem>>, vector<1x16xf32>,
      %parallel_loop3A_311 = vector.shape_cast %parallel_loop3A_310 : vector<1x16xf32> to vector<16xf32>
      %parallel_loop3A_312 = arith.mulf %parallel_loop3A_311, %parallel_loop3A_287 : vector<16xf32>
      %parallel_loop3A_313 = arith.index_cast %parallel_loop3A_252 : i32 to index
      %parallel_loop3A_314 = arith.constant 32 : index
      %parallel_loop3A_315 = tpu.vector_load %arg8[%parallel_loop3A_313, %parallel_loop3A_314] {strides = array<i32>} : memref<128x64xf32, #tpu.memory_space<vmem>>, vector<1x16xf32>,
      %parallel_loop3A_316 = vector.shape_cast %parallel_loop3A_315 : vector<1x16xf32> to vector<16xf32>
      %parallel_loop3A_317 = vector.shape_cast %parallel_loop3A_312 : vector<16xf32> to vector<1x16xf32>
      tpu.vector_store %arg8[%parallel_loop3A_313, %parallel_loop3A_314], %parallel_loop3A_317 {strides = array<i32>} : memref<128x64xf32, #tpu.memory_space<vmem>>, vector<1x16xf32>,
      %parallel_loop3A_318 = arith.index_cast %parallel_loop3A_252 : i32 to index
      %parallel_loop3A_319 = arith.constant 48 : index
      %parallel_loop3A_320 = tpu.vector_load %arg8[%parallel_loop3A_318, %parallel_loop3A_319] {strides = array<i32>} : memref<128x64xf32, #tpu.memory_space<vmem>>, vector<1x16xf32>,
      %parallel_loop3A_321 = vector.shape_cast %parallel_loop3A_320 : vector<1x16xf32> to vector<16xf32>
      %parallel_loop3A_322 = arith.mulf %parallel_loop3A_321, %parallel_loop3A_287 : vector<16xf32>
      %parallel_loop3A_323 = arith.index_cast %parallel_loop3A_252 : i32 to index
      %parallel_loop3A_324 = arith.constant 48 : index
      %parallel_loop3A_325 = tpu.vector_load %arg8[%parallel_loop3A_323, %parallel_loop3A_324] {strides = array<i32>} : memref<128x64xf32, #tpu.memory_space<vmem>>, vector<1x16xf32>,
      %parallel_loop3A_326 = vector.shape_cast %parallel_loop3A_325 : vector<1x16xf32> to vector<16xf32>
      %parallel_loop3A_327 = vector.shape_cast %parallel_loop3A_322 : vector<16xf32> to vector<1x16xf32>
      tpu.vector_store %arg8[%parallel_loop3A_323, %parallel_loop3A_324], %parallel_loop3A_327 {strides = array<i32>} : memref<128x64xf32, #tpu.memory_space<vmem>>, vector<1x16xf32>,
    } {sc.loop_unroll_factor = 8 : i64, sc.parallel_access}
    %dma_start3A_215 = arith.constant 156 : i32
    %dma_start3A_216 = arith.constant 0 : i32
    %dma_start3A_217 = arith.constant 0 : i32
    %dma_start3A_218 = tpu.memref_slice %arg6[%dma_start3A_215, %dma_start3A_216, %dma_start3A_217] : memref<157x2x128xi32, #tpu.memory_space<vmem>> -> memref<1x1x128xi32, #tpu.memory_space<vmem>>
    %dma_start3A_219 = tpu.memref_squeeze %dma_start3A_218 : memref<1x1x128xi32, #tpu.memory_space<vmem>> -> memref<128xi32, #tpu.memory_space<vmem>>
    %dma_start3A_220 = arith.constant 0 : i32
    %dma_start3A_221 = arith.constant 0 : i32
    %dma_start3A_222 = tpu.memref_slice %arg19[%dma_start3A_220, %dma_start3A_221] : memref<10000x64xf32, #tpu.memory_space<vmem_shared>> -> memref<10000x64xf32, #tpu.memory_space<vmem_shared>>
    tpu.enqueue_indirect_dma source(%arg8 : memref<128x64xf32, #tpu.memory_space<vmem>>) target(%dma_start3A_222 : memref<10000x64xf32, #tpu.memory_space<vmem_shared>>) offsets(%dma_start3A_219 : memref<128xi32, #tpu.memory_space<vmem>>) semaphore(%arg14 : memref<!tpu.dma_semaphore, #tpu.memory_space<semaphore_mem>>) {add = true}
    %dma_wait3A_223 = arith.constant 0 : i32
    %dma_wait3A_224 = arith.constant 0 : i32
    %dma_wait3A_225 = tpu.memref_slice %arg2[%arg0, %dma_wait3A_223, %dma_wait3A_224] : memref<2x10000x64xf32, #tpu.memory_space<hbm>> -> memref<1x10000x64xf32, #tpu.memory_space<hbm>>
    %dma_wait3A_226 = tpu.memref_squeeze %dma_wait3A_225 : memref<1x10000x64xf32, #tpu.memory_space<hbm>> -> memref<10000x64xf32, #tpu.memory_space<hbm>>
    %dma_wait3A_227 = arith.constant 0 : i32
    %dma_wait3A_228 = arith.constant 0 : i32
    %dma_wait3A_229 = tpu.memref_slice %dma_wait3A_226[%dma_wait3A_227, %dma_wait3A_228] : memref<10000x64xf32, #tpu.memory_space<hbm>> -> memref<128x64xf32, #tpu.memory_space<hbm>>
    %dma_wait3A_230 = arith.constant 0 : i32
    %dma_wait3A_231 = arith.constant 0 : i32
    %dma_wait3A_232 = tpu.memref_slice %arg2[%arg0, %dma_wait3A_230, %dma_wait3A_231] : memref<2x10000x64xf32, #tpu.memory_space<hbm>> -> memref<1x10000x64xf32, #tpu.memory_space<hbm>>
    %dma_wait3A_233 = tpu.memref_squeeze %dma_wait3A_232 : memref<1x10000x64xf32, #tpu.memory_space<hbm>> -> memref<10000x64xf32, #tpu.memory_space<hbm>>
    %dma_wait3A_234 = arith.constant 0 : i32
    %dma_wait3A_235 = arith.constant 0 : i32
    %dma_wait3A_236 = tpu.memref_slice %dma_wait3A_233[%dma_wait3A_234, %dma_wait3A_235] : memref<10000x64xf32, #tpu.memory_space<hbm>> -> memref<128x64xf32, #tpu.memory_space<hbm>>
    tpu.wait_dma2 semaphore(%arg16 : memref<!tpu.dma_semaphore, #tpu.memory_space<semaphore_mem>>) src(%dma_wait3A_236 : memref<128x64xf32, #tpu.memory_space<hbm>>) dst(%arg10 : memref<128x64xf32, #tpu.memory_space<vmem>>)
    %dma_wait3A_237 = arith.constant 0 : i32
    %dma_wait3A_238 = arith.constant 0 : i32
    %dma_wait3A_239 = tpu.memref_slice %arg2[%arg0, %dma_wait3A_237, %dma_wait3A_238] : memref<2x10000x64xf32, #tpu.memory_space<hbm>> -> memref<1x10000x64xf32, #tpu.memory_space<hbm>>
    %dma_wait3A_240 = tpu.memref_squeeze %dma_wait3A_239 : memref<1x10000x64xf32, #tpu.memory_space<hbm>> -> memref<10000x64xf32, #tpu.memory_space<hbm>>
    %dma_wait3A_241 = arith.constant 0 : i32
    %dma_wait3A_242 = arith.constant 0 : i32
    %dma_wait3A_243 = tpu.memref_slice %dma_wait3A_240[%dma_wait3A_241, %dma_wait3A_242] : memref<10000x64xf32, #tpu.memory_space<hbm>> -> memref<128x64xf32, #tpu.memory_space<hbm>>
    %dma_wait3A_244 = arith.constant 0 : i32
    %dma_wait3A_245 = arith.constant 0 : i32
    %dma_wait3A_246 = tpu.memref_slice %arg2[%arg0, %dma_wait3A_244, %dma_wait3A_245] : memref<2x10000x64xf32, #tpu.memory_space<hbm>> -> memref<1x10000x64xf32, #tpu.memory_space<hbm>>
    %dma_wait3A_247 = tpu.memref_squeeze %dma_wait3A_246 : memref<1x10000x64xf32, #tpu.memory_space<hbm>> -> memref<10000x64xf32, #tpu.memory_space<hbm>>
    %dma_wait3A_248 = arith.constant 0 : i32
    %dma_wait3A_249 = arith.constant 0 : i32
    %dma_wait3A_250 = tpu.memref_slice %dma_wait3A_247[%dma_wait3A_248, %dma_wait3A_249] : memref<10000x64xf32, #tpu.memory_space<hbm>> -> memref<128x64xf32, #tpu.memory_space<hbm>>
    tpu.wait_dma2 semaphore(%arg14 : memref<!tpu.dma_semaphore, #tpu.memory_space<semaphore_mem>>) src(%dma_wait3A_250 : memref<128x64xf32, #tpu.memory_space<hbm>>) dst(%arg8 : memref<128x64xf32, #tpu.memory_space<vmem>>)
    %barrier3A_251 = arith.constant 0 : index
    tpu.barrier barrier_id(%barrier3A_251)
    "tpu.region"() ({
      %run_scoped3A = tpu.sem_alloc : memref<!tpu.dma_semaphore, #tpu.memory_space<semaphore_mem>>
      %dma_start3A_252 = arith.constant 0 : i32
      %dma_start3A_253 = arith.constant 0 : i32
      %dma_start3A_254 = tpu.memref_slice %arg5[%arg0, %arg1, %dma_start3A_252, %dma_start3A_253] : memref<2x16x625x64xf32, #tpu.memory_space<hbm>> -> memref<1x1x625x64xf32, #tpu.memory_space<hbm>>
      %dma_start3A_255 = tpu.memref_squeeze %dma_start3A_254 : memref<1x1x625x64xf32, #tpu.memory_space<hbm>> -> memref<625x64xf32, #tpu.memory_space<hbm>>
      %dma_start3A_256 = arith.constant 0 : i32
      %dma_start3A_257 = tpu.memref_slice %arg19[%mul3A_23, %dma_start3A_256] : memref<10000x64xf32, #tpu.memory_space<vmem_shared>> -> memref<625x64xf32, #tpu.memory_space<vmem_shared>>
      tpu.enqueue_dma source(%dma_start3A_257 : memref<625x64xf32, #tpu.memory_space<vmem_shared>>) target(%dma_start3A_255 : memref<625x64xf32, #tpu.memory_space<hbm>>) target_semaphore(%run_scoped3A : memref<!tpu.dma_semaphore, #tpu.memory_space<semaphore_mem>>)
      %dma_wait3A_258 = arith.constant 0 : i32
      %dma_wait3A_259 = arith.constant 0 : i32
      %dma_wait3A_260 = tpu.memref_slice %arg5[%arg0, %arg1, %dma_wait3A_258, %dma_wait3A_259] : memref<2x16x625x64xf32, #tpu.memory_space<hbm>> -> memref<1x1x625x64xf32, #tpu.memory_space<hbm>>
      %dma_wait3A_261 = tpu.memref_squeeze %dma_wait3A_260 : memref<1x1x625x64xf32, #tpu.memory_space<hbm>> -> memref<625x64xf32, #tpu.memory_space<hbm>>
      %dma_wait3A_262 = arith.constant 0 : i32
      %dma_wait3A_263 = tpu.memref_slice %arg19[%mul3A_23, %dma_wait3A_262] : memref<10000x64xf32, #tpu.memory_space<vmem_shared>> -> memref<625x64xf32, #tpu.memory_space<vmem_shared>>
      tpu.wait_dma2 semaphore(%run_scoped3A : memref<!tpu.dma_semaphore, #tpu.memory_space<semaphore_mem>>) src(%dma_wait3A_263 : memref<625x64xf32, #tpu.memory_space<vmem_shared>>) dst(%dma_wait3A_261 : memref<625x64xf32, #tpu.memory_space<hbm>>)
      tpu.yield
    }) : () -> ()
    return
  }
}

</mosaic_0001>

<sc_bundles>
// kernel: _sc_scatter.3.cloned.1.call-start
scs
__scs_entry_jumppad:
0x0: {  	(pc) =	sbr.rel $0x88, $3  }
0x1: {  	(tag) =	ssettag $0x0;
	lr =	simm.s32 $0x1  }
0x2: {  	[smem:$0x3F9E] =	sst lr;
	_ =	strace $0xD0000000  }
0x3: {  	_ = 	snop  }
0x4: {  	_ = 	snop  }
0x5: {  	_ = 	snop  }
0x6: {  	_ = 	snop  }
0x7: {  	_ = 	snop  }
__scs_overlays_trampoline_lowered:
0x8: {  	[smem:$0x3FAD] =	sst s0  }
0x9: {  	[smem:$0x3FAE] =	sst s1  }
0xa: {  	[smem:$0x3FAF] =	sst s2  }
0xb: {  	[smem:$0x3FB0] =	sst s3  }
0xc: {  	[smem:$0x3FB1] =	sst s4  }
0xd: {  	[smem:$0x3FB2] =	sst s5  }
0xe: {  	[smem:$0x3FB3] =	sst s6  }
0xf: {  	[smem:$0x3FB4] =	sst s7  }
0x10: {  	[smem:$0x3FB5] =	sst s8  }
0x11: {  	[smem:$0x3FB6] =	sst s9;
	s0 =	simm.s32 @!p0 $0x0  }
0x12: {  	s1 =	sld [smem:$0x3F9C];
	s0 =	simm.s32 @p0 $0x1  }
0x13: {  	[smem:$0x3FB7] =	sst s0;
	s0 =	simm.s32 @!p1 $0x0  }
0x14: {  	s2 =	sld [smem:$0x3F9B];
	s0 =	simm.s32 @p1 $0x1  }
0x15: {  	[smem:$0x3FB8] =	sst s0;
	s0 =	simm.s32 @!p2 $0x0  }
0x16: {  	s3 =	sld [smem:$0x3FDB];
	s0 =	simm.s32 @p2 $0x1  }
0x17: {  	s4 =	simm.s32 $0x1BF5;
	[smem:$0x3FBA] =	sst s0  }
0x18: {  	s0 =	sld [smem:$0x3F9D];
	_ =	swait.ge [sflag:s4], $0x0  }
0x19: {  	s7 =	sld [smem:$0x3F9E]  }
0x1a: {  	s8 =	sadd.s32 $0xFFFFE003, lr  }
0x1b: {  	s9 =	sadd.s32 $0xFFFFFEF7, lr;
	s5 =	simm.s32 $0xFFFFFFFF;
	p2 =	slt.u32 s8, $0xFFFFF086  }
0x1c: {  	p1 =	slt.u32 s9, $0xF7A;
	s5 =	simm.s32 @!p2 $0x0  }
0x1d: {  	s5 =	simm.s32 @p1 $0x1;
	p0 =	seq.s32 s7, s2  }
0x1e: {  	s7 =	smul.u32 @!p0 $0xF7A, s2;
	p2 =	seq.s32 @!p0 s5, $0x0  }
0x1f: {  	s9 =	smul.u32 $0xF7A, s1;
	s8 =	simm.s32 @!p0 $0x1BF5;
	p2 =	por !p2, p0  }
0x20: {  	[sflag:s8] =	ssyncset.s32 @!p0 $0xFFFFF086;
	s6 =	sadd.s32 @!p0 s3, s7;
	s7 =	simm.s32 @!p0 $0x108  }
0x21: {  	s3 =	sadd.s32 s3, s9;
	s6 =	sadd.s32 @!p0 $0x88, s6;
	s7 =	simm.s32 @p2 $0x1082  }
0x22: {  	[simem:s7], [sflag:s8] =	dma.local @!p0 [hbm:s6], $0xF7A  }
0x23: {  	s9 =	sor.u32 $0xD0000000, s2;
	s6 =	simm.s32 $0x108;
	_ =	swait.ge @!p0 [sflag:s8], $0x0  }
0x24: {  	s3 =	sadd.s32 $0x88, s3;
	s6 =	simm.s32 @!p1 $0x1082;
	[sflag:s4] =	ssyncset.s32 $0xFFFFF086  }
0x25: {  	[simem:s6], [sflag:s4] =	dma.local [hbm:s3], $0xF7A  }
0x26: {  	[smem:$0x3F9E] =	sst s1;
	(tag) =	ssettag s2;
	_ =	strace s9  }
0x27: {  	s1 =	sld [smem:$0x3FAE]  }
0x28: {  	s2 =	sld [smem:$0x3FAF]  }
0x29: {  	s4 =	sld [smem:$0x3FB1]  }
0x2a: {  	p0 =	seq.s32 s5, $0x0;
	s5 =	sld [smem:$0x3FB2]  }
0x2b: {  	s6 =	sld [smem:$0x3FB3]  }
0x2c: {  	s7 =	sld [smem:$0x3FB4]  }
0x2d: {  	s3 =	simm.s32 $0x108;
	s8 =	sld [smem:$0x3FB5]  }
0x2e: {  	s3 =	simm.s32 @!p0 $0x1082;
	s9 =	sld [smem:$0x3FB6]  }
0x2f: {  	lr =	sadd.s32 s0, s3;
	s0 =	sld [smem:$0x3FAD]  }
0x30: {  	s3 =	sld [smem:$0x3FB0]  }
0x31: {  	[smem:$0x3FB9] =	sst s10  }
0x32: {  	s10 =	sld [smem:$0x3FB7];
	_ =	sdelay $0x3  }
0x33: {  	p0 =	seq.s32 s10, $0x1;
	s10 =	sld [smem:$0x3FB9];
	_ =	sdelay $0x3  }
0x34: {  	[smem:$0x3FB9] =	sst s10  }
0x35: {  	s10 =	sld [smem:$0x3FB8];
	_ =	sdelay $0x3  }
0x36: {  	p1 =	seq.s32 s10, $0x1;
	s10 =	sld [smem:$0x3FB9];
	_ =	sdelay $0x3  }
0x37: {  	[smem:$0x3FB9] =	sst s10  }
0x38: {  	s10 =	sld [smem:$0x3FBA]  }
0x39: {  	_ = 	snop;
	(pc) =	sbr.ind lr, $3  }
0x3a: {  	_ = 	snop  }
0x3b: {  	_ = 	snop  }
0x3c: {  	p2 =	seq.s32 s10, $0x1;
	s10 =	sld [smem:$0x3FB9]  }
0x3d: {  	_ =	shalt  }
0x3e: {  	_ =	shalt  }
0x3f: {  	_ =	shalt  }
0x40: {  	_ =	shalt  }
0x41: {  	_ =	shalt  }
0x42: {  	_ =	shalt  }
0x43: {  	_ =	shalt  }
0x44: {  	_ =	shalt  }
0x45: {  	_ =	shalt  }
0x46: {  	_ =	shalt  }
0x47: {  	_ =	shalt  }
0x48: {  	_ =	shalt  }
0x49: {  	_ =	shalt  }
0x4a: {  	_ =	shalt  }
0x4b: {  	_ =	shalt  }
0x4c: {  	_ =	shalt  }
0x4d: {  	_ =	shalt  }
0x4e: {  	_ =	shalt  }
0x4f: {  	_ =	shalt  }
0x50: {  	_ =	shalt  }
0x51: {  	_ =	shalt  }
0x52: {  	_ =	shalt  }
0x53: {  	_ =	shalt  }
0x54: {  	_ =	shalt  }
0x55: {  	_ =	shalt  }
0x56: {  	_ =	shalt  }
0x57: {  	_ =	shalt  }
0x58: {  	_ =	shalt  }
0x59: {  	_ =	shalt  }
0x5a: {  	_ =	shalt  }
0x5b: {  	_ =	shalt  }
0x5c: {  	_ =	shalt  }
0x5d: {  	_ =	shalt  }
0x5e: {  	_ =	shalt  }
0x5f: {  	_ =	shalt  }
0x60: {  	_ =	shalt  }
0x61: {  	_ =	shalt  }
0x62: {  	_ =	shalt  }
0x63: {  	_ =	shalt  }
0x64: {  	_ =	shalt  }
0x65: {  	_ =	shalt  }
0x66: {  	_ =	shalt  }
0x67: {  	_ =	shalt  }
0x68: {  	_ =	shalt  }
0x69: {  	_ =	shalt  }
0x6a: {  	_ =	shalt  }
0x6b: {  	_ =	shalt  }
0x6c: {  	_ =	shalt  }
0x6d: {  	_ =	shalt  }
0x6e: {  	_ =	shalt  }
0x6f: {  	_ =	shalt  }
0x70: {  	_ =	shalt  }
0x71: {  	_ =	shalt  }
0x72: {  	_ =	shalt  }
0x73: {  	_ =	shalt  }
0x74: {  	_ =	shalt  }
0x75: {  	_ =	shalt  }
0x76: {  	_ =	shalt  }
0x77: {  	_ =	shalt  }
0x78: {  	_ =	shalt  }
0x79: {  	_ =	shalt  }
0x7a: {  	_ =	shalt  }
0x7b: {  	_ =	shalt  }
0x7c: {  	_ =	shalt  }
0x7d: {  	_ =	shalt  }
0x7e: {  	_ =	shalt  }
0x7f: {  	_ =	shalt  }
0x80: {  	_ =	shalt  }
0x81: {  	_ =	shalt  }
0x82: {  	_ =	shalt  }
0x83: {  	_ =	shalt  }
0x84: {  	_ =	shalt  }
0x85: {  	_ =	shalt  }
0x86: {  	_ =	shalt  }
0x87: {  	_ =	shalt  }
.Lfunc_end0:
.L_simem_size_0:
called_computation_lowered:
.L_overlay_start_0:
0x88: {  	s2 =	sld [smem:$0x3FD9]  }
0x89: {  	s3 =	sld [smem:$0x3FFE];
	_ =	sdelay $0x1  }
0x8a: {  	s1 =	srdreg.scid  }
0x8b: {  	s0 =	sand.u32 $0x1, s1  }
0x8c: {  	s17 =	sshll.u32 s0, $0xA;
	s2 =	sadd.s32 s3, s2  }
0x8d: {  	s2 =	sadd.s32 s2, s17  }
0x8e: {  	[smem:$0x3FC5] =	sst s2  }
0x8f: {  	_ = 	snop  }
0x90: {  	s2 =	sld [smem:$0x3FC8]  }
0x91: {  	s18 =	sld [smem:$0x3FD0];
	(tm) =	ssettm $0x1  }
0x92: {  	s4 =	sld [smem:$0x3FFB];
	_ =	sdelay $0x3  }
0x93: {  	_ =	strace s4  }
0x94: {  	s4 =	sld [smem:$0x3FFC];
	_ =	sdelay $0x3  }
0x95: {  	_ =	strace s4  }
0x96: {  	s4 =	sld [smem:$0x3FFD];
	_ =	sdelay $0x3  }
0x97: {  	_ =	strace s4  }
0x98: {  	_ =	strace $0x8FFFFFFF  }
0x99: {  	s19 =	sld [smem:$0x3FDB];
	_ =	sdelay $0x1  }
0x9a: {  	s5 =	simm.s32 $_scs_section_size  }
0x9b: {  	s6 =	simm.s32 $_size__tile_overlayer_lowered;
	s7 =	simm.s32 $_tile_overlayer_lowered  }
0x9c: {  	s22 =	simm.s32 $0x1BFF;
	s21 =	sshll.u32 s7, $0x1;
	s4 =	sadd.s32 s5, s19  }
0x9d: {  	s8 =	simm.s32 $0x0;
	s20 =	sshll.u32 s6, $0x1;
	s6 =	sadd.s32 s21, s4  }
0x9e: {  	[timem:s8], [sflag:s22] =	dma.local [hbm:s6], s20  }
0x9f: {  	_ =	swait.ge [sflag:s22], s20  }
0xa0: {  	s5 =	ssub.s32 $0x0, s20;
	[sflag:s22] =	ssyncset.done $0x0  }
0xa1: {  	[sflag:s22] =	ssyncadd.s32 s5;
	_ =	sdelay $0x1  }
0xa2: {  	s23 =	simm.s32 $0x1B8B  }
0xa3: {  	_ =	swait.ge [sflag:s23], $0x1  }
0xa4: {  	[sflag:s23] =	ssyncset.done $0x0  }
0xa5: {  	s25 =	simm.s32 $0x1B8E;
	s24 =	sld [smem:$0x3FFE];
	[sflag:s23] =	ssyncadd.s32 $0xFFFFFFFF  }
0xa6: {  	s26 =	simm.s32 $execute0_lowered;
	[smem:$0x3FD2] =	sst s25  }
0xa7: {  	s6 =	sshll.u32 s26, $0x1;
	_ =	strace $0x80000046;
	[dreg:$0x1] =	wrdreg $0xFFFFFFFF  }
0xa8: {  	s28 =	simm.s32 $_size_execute0_lowered;
	s4 =	sadd.s32 s4, s6;
	[dreg:$0x0] =	wrdreg $0x0  }
0xa9: {  	s6 =	sshll.u32 s28, $0x1;
	[dreg:$0x2] =	wrdreg s4  }
0xaa: {  	[dreg:$0x3] =	wrdreg s6  }
0xab: {  	[dreg:$0x4] =	wrdreg $0xC0  }
0xac: {  	_ =	task [dreg:s8], $0x5FFFF  }
0xad: {  	[dreg:$0x1] =	wrdreg $0xFFFFFFFF  }
0xae: {  	[dreg:$0x0] =	wrdreg $0x60  }
0xaf: {  	[dreg:$0x2] =	wrdreg s18  }
0xb0: {  	[dreg:$0x3] =	wrdreg s2  }
0xb1: {  	[dreg:$0x4] =	wrdreg s24  }
0xb2: {  	[dreg:$0x5] =	wrdreg $0x14B800  }
0xb3: {  	[dreg:$0x6] =	wrdreg $0x9  }
0xb4: {  	_ =	task.clear_ibuf [dreg:s8], $0x7FFFF;
	_ =	strace $0x90000046  }
0xb5: {  	s29 =	simm.s32 $0x9;
	_ =	strace $0x80000048  }
0xb6: {  	_ =	swait.ge [sflag:s29], $0x1  }
0xb7: {  	[sflag:s29] =	ssyncadd.s32 $0xFFFFFFFF  }
0xb8: {  	_ =	strace $0x90000048  }
0xb9: {  	_ =	sfence  }
0xba: {  	s30 =	sld [smem:$0x0];
	_ =	sdelay $0x2  }
0xbb: {  	s31 =	sshll.u32 s1, $0xD;
	s1 =	sshrl.u32 s1, $0x2  }
0xbc: {  	s3 =	sand.u32 $0x4000, s31;
	s1 =	sadd.s32 s1, s30  }
0xbd: {  	s0 =	sor.u32 s3, s0;
	s1 =	sshll.u32 s1, $0x11  }
0xbe: {  	s0 =	sor.u32 s1, s0  }
0xbf: {  	s0 =	sadd.s32 $0x8F2B, s0  }
0xc0: {  	[sflag:s0] =	ssyncadd.remote.s32 $0x1  }
0xc1: {  	_ =	sfence.sel $0xFFFF  }
0xc2: {  	[dreg:$0x0] =	wrdreg $0xFFFFFFFF;
	(pc) =	sbr.abs _section_cstart, $3  }
0xc3: {  	[dreg:$0x1] =	wrdreg $0xFFFFFFFF  }
0xc4: {  	_ =	task.clear_ibuf [dreg:s8], $0x2FFFF;
	_ =	strace $0x9FFFFFFF  }
0xc5: {  	(tm) =	ssettm $0x7FFFFFFF  }
tec
execute0_lowered:
.L_overlay_start_1:
0x0: {  	(tag) =	ssettag $0x1  }
0x1: {  	s0 =	rddreg [dreg:$0x0]  }
0x2: {  	s1 =	rddreg [dreg:$0x1]  }
0x3: {  	s3 =	rddreg [dreg:$0x2]  }
0x4: {  	s9 =	stileid.u32;
	s4 =	srdreg.scid  }
0x5: {  	s2 =	rddreg [dreg:$0x3];
	s5 =	smul.u32 $0x9D0, s9  }
0x6: {  	s7 =	simm.s32 $0x0;
	s28 =	simm.s32 $0x4;
	s15 =	smul.u32 $0x9C40, s9  }
0x7: {  	s29 =	simm.s32 $0x3;
	s30 =	simm.s32 $0x5;
	s17 =	smul.u32 $0x27100, s9  }
0x8: {  	s31 =	simm.s32 $0x6;
	s4 =	sand.u32 $0x1, s4;
	s9 =	smul.u32 $0x13A0, s9  }
0x9: {  	[smem:$0x7FF] =	sst s7;
	s6 =	smul.u32 $0x9C400, s4;
	s4 =	ssub.s32 $0x2, s4  }
0xa: {  	_ =	strace $0x80000047;
	s8 =	sadd.s32 s5, s3;
	s18 =	sshrl.u32 s4, $0x1  }
0xb: {  	s7 =	sshrl.u32 s17, $0x2;
	s1 =	sadd.s32 s1, s9;
	s16 =	sadd.s32 s15, s6  }
0xc: {  	s4 =	ssub.s32 s4, s18;
	[dreg:$0x5] =	wrdreg s1;
	s19 =	sadd.s32 $0x600, s8  }
0xd: {  	s24 =	sshrl.u32 s6, $0x3;
	s5 =	sshrl.u32 s16, $0x3;
	[dreg:$0x6] =	wrdreg s19  }
0xe: {  	s26 =	smax.u32 s4, $0x1;
	s3 =	sadd.s32 s5, s3;
	s5 =	sadd.s32 s7, s2  }
0xf: {  	s15 =	simm.s32 $0xEB80;
	[dreg:$0xc] =	wrdreg s26;
	s20 =	sadd.s32 $0x2000, s5  }
0x10: {  	s11 =	sadd.s32 s0, s24;
	s21 =	sadd.s32 $0x4000, s5;
	[dreg:$0x7] =	wrdreg s20  }
0x11: {  	s16 =	simm.s32 $0x9;
	s22 =	sadd.s32 $0x6000, s5;
	[dreg:$0x8] =	wrdreg s21  }
0x12: {  	s19 =	simm.s32 $0x80;
	s23 =	sadd.s32 $0x8000, s5;
	[dreg:$0x9] =	wrdreg s22  }
0x13: {  	s24 =	simm.s32 $0x1;
	s25 =	sadd.s32 $0xA400, s3;
	[dreg:$0xa] =	wrdreg s23  }
0x14: {  	s26 =	simm.s32 $0x0;
	[dreg:$0xb] =	wrdreg s25;
	s21 =	simm.s32 $0x10B80  }
0x15: {  	v0 =	vimm.f32 $0.0e+00;
	s23 =	simm.s32 $0x12B80;
	s25 =	simm.s32 $0x2;
	s22 =	simm.s32 $0x0  }
.LBB2_1:
0x16: {  	s0 =	simm.s32 $0x0;
	s1 =	rddreg [dreg:$0x5]  }
0x17: {  	[tilespmem:s0], [sflag:$0x7] =	stream.linear.gather [hbm4b:s1+s0], $0x9D00, $0x38;
	[tilespmem:$0x1E7C0] =	vst v63  }
0x18: {  	s20 =	rddreg [dreg:$0x6];
	s3 =	simm.s32 $0x9D00  }
0x19: {  	[tilespmem:s3], [sflag:$0x8] =	stream.linear.gather [hbm4b:s20+s0], $0x4E80, $0x38;
	[tilespmem:$0x1E7C0] =	vst v63  }
0x1a: {  	s1 =	simm.s32 $0x100;
	s0 =	simm.s32 $0x0  }
.LBB2_2:
0x1b: {  	p0 =	sne.s32 s1, $0x7F00;
	[tilespmem:s0+$0xEBB0] =	vst v0;
	s3 =	smov.u32 s1;
	s1 =	sadd.s32 $0x100, s1  }
.Ltmp0:
0x1c: {  	[tilespmem:s0+$0xEBA0] =	vst v0;
	(pc) =	sbr.rel @p0 .LBB2_2-.Ltmp0, $3  }
0x1d: {  	[tilespmem:s0+$0xEB80] =	vst v0  }
0x1e: {  	[tilespmem:s0+$0xEB90] =	vst v0;
	_ =	sdelay $0x1  }
0x1f: {  	s0 =	sshra.s32 s3, $0x2  }
0x20: {  	[tilespmem:s0+$0xEBB0] =	vst v0  }
0x21: {  	[tilespmem:s0+$0xEBA0] =	vst v0  }
0x22: {  	[tilespmem:s0+$0xEB80] =	vst v0  }
0x23: {  	[tilespmem:s0+$0xEB90] =	vst v0  }
0x24: {  	[spmem:s5] =	stream.linear.scatter [tilespmem:s15], [sflag:$0x9], $0x2000, $0x38;
	[tilespmem:$0x1E7C0] =	vst v63  }
0x25: {  	_ =	swait.ge [sflag:s16], $0x2000  }
0x26: {  	[sflag:s16] =	ssyncset.done $0x0  }
0x27: {  	s7 =	rddreg [dreg:$0x7];
	[sflag:s16] =	ssyncadd.s32 $0xFFFFE000  }
0x28: {  	[spmem:s7] =	stream.linear.scatter [tilespmem:s15], [sflag:$0x9], $0x2000, $0x38;
	[tilespmem:$0x1E7C0] =	vst v63  }
0x29: {  	_ =	swait.ge [sflag:s16], $0x2000  }
0x2a: {  	[sflag:s16] =	ssyncset.done $0x0  }
0x2b: {  	s8 =	rddreg [dreg:$0x8];
	[sflag:s16] =	ssyncadd.s32 $0xFFFFE000  }
0x2c: {  	[spmem:s8] =	stream.linear.scatter [tilespmem:s15], [sflag:$0x9], $0x2000, $0x38;
	[tilespmem:$0x1E7C0] =	vst v63  }
0x2d: {  	_ =	swait.ge [sflag:s16], $0x2000  }
0x2e: {  	[sflag:s16] =	ssyncset.done $0x0  }
0x2f: {  	s9 =	rddreg [dreg:$0x9];
	[sflag:s16] =	ssyncadd.s32 $0xFFFFE000  }
0x30: {  	[spmem:s9] =	stream.linear.scatter [tilespmem:s15], [sflag:$0x9], $0x2000, $0x38;
	[tilespmem:$0x1E7C0] =	vst v63  }
0x31: {  	_ =	swait.ge [sflag:s16], $0x2000  }
0x32: {  	[sflag:s16] =	ssyncset.done $0x0  }
0x33: {  	s10 =	rddreg [dreg:$0xa];
	[sflag:s16] =	ssyncadd.s32 $0xFFFFE000  }
0x34: {  	[spmem:s10] =	stream.linear.scatter [tilespmem:s15], [sflag:$0x9], $0x1C40, $0x38;
	[tilespmem:$0x1E7C0] =	vst v63  }
0x35: {  	_ =	swait.ge [sflag:s16], $0x1C40  }
0x36: {  	[sflag:s16] =	ssyncset.done $0x0  }
0x37: {  	s12 =	simm.s32 $0x7;
	[sflag:s16] =	ssyncadd.s32 $0xFFFFE3C0  }
0x38: {  	_ =	swait.ge [sflag:s12], $0x9D00  }
0x39: {  	[sflag:s12] =	ssyncset.done $0x0  }
0x3a: {  	s13 =	simm.s32 $0x8;
	[sflag:s12] =	ssyncadd.s32 $0xFFFF6300  }
0x3b: {  	_ =	swait.ge [sflag:s13], $0x4E80  }
0x3c: {  	[sflag:s13] =	ssyncset.done $0x0  }
0x3d: {  	[sflag:s13] =	ssyncadd.s32 $0xFFFFB180  }
0x3e: {  	[tilespmem:s15], [sflag:$0x1] =	stream.indirect.gather [hbm4b:s11+s19], $0x40, s19, s19, $0xb8;
	[tilespmem:$0x1E7C0] =	vst v63  }
0x3f: {  	s14 =	simm.s32 $0x180  }
0x40: {  	[tilespmem:s21], [sflag:$0x2] =	stream.indirect.gather [hbm4b:s11+s19], $0x40, s14, s19, $0xb8;
	[tilespmem:$0x1E7C0] =	vst v63  }
0x41: {  	s17 =	simm.s32 $0x280  }
0x42: {  	[tilespmem:s23], [sflag:$0x3] =	stream.indirect.gather [hbm4b:s11+s19], $0x40, s17, s19, $0xb8;
	[tilespmem:$0x1E7C0] =	vst v63  }
0x43: {  	[bflag:$0x0] =	sbarrier.arrive $0xFFFF  }
0x44: {  	_ =	swait.ge [sflag:s24], $0x2000  }
0x45: {  	s1 =	simm.s32 $0x0;
	[sflag:s24] =	ssyncset.done $0x0  }
0x46: {  	s3 =	sand.u32 $0x70, s1;
	[sflag:s24] =	ssyncadd.s32 $0xFFFFE000  }
0x47: {  	s0 =	simm.s32 $0xEC80;
	v1 =	vld [tilespmem:s3+$0x9D00]  }
0x48: {  	v3 =	vld [tilespmem:s0+$0xF0]  }
0x49: {  	v4 =	vld [tilespmem:s0+$0xFFFFFF00]  }
0x4a: {  	v5 =	vld [tilespmem:s0+$0xFFFFFF10]  }
0x4b: {  	s18 =	simm.s32 $0x0;
	v6 =	vld [tilespmem:s0+$0xFFFFFF20]  }
0x4c: {  	s3 =	sand.u32 $0xFFFFFFF0, s18;
	v7 =	vld [tilespmem:s0+$0xFFFFFF30]  }
0x4d: {  	v8 =	vld [tilespmem:s0+$0xFFFFFF40];
	s4 =	ssub.s32 $0xFFFFFFF8, s3  }
0x4e: {  	v9 =	vld [tilespmem:s0+$0xFFFFFF50];
	s6 =	sadd.s32 $0xF, s4  }
0x4f: {  	s1 =	sand.u32 $0x8, s1;
	v10 =	vld [tilespmem:s0+$0xFFFFFF60];
	v2 =	vmov s6  }
0x50: {  	v11 =	vmov s1;
	v12 =	vld [tilespmem:s0+$0xFFFFFF70];
	s3 =	ssub.s32 $0x0, s3;
	v2 =	vperm.xlane v1, v2  }
0x51: {  	v13 =	vld [tilespmem:s0+$0xFFFFFF80];
	s20 =	sadd.s32 $0x1, s3;
	v11 =	vperm.xlane v1, v11  }
0x52: {  	v14 =	vld [tilespmem:s0+$0xFFFFFF90];
	v16 =	vmov s20;
	v3 =	vmul.f32 v3, v2  }
0x53: {  	v15 =	vld [tilespmem:s0+$0xFFFFFFA0];
	v16 =	vperm.xlane v1, v16;
	v4 =	vmul.f32 v4, v11  }
0x54: {  	v6 =	vmul.f32 v6, v11;
	[tilespmem:s0+$0xF0] =	vst v3;
	v3 =	vmul.f32 v5, v11;
	v5 =	vld [tilespmem:s0+$0xFFFFFFB0]  }
0x55: {  	v7 =	vmul.f32 v7, v11;
	[tilespmem:s0+$0xFFFFFF00] =	vst v4;
	v4 =	vld [tilespmem:s0+$0xFFFFFFC0]  }
0x56: {  	v8 =	vmul.f32 v8, v16;
	[tilespmem:s0+$0xFFFFFF20] =	vst v6;
	v6 =	vld [tilespmem:s0+$0xFFFFFFE0]  }
0x57: {  	s6 =	sadd.s32 $0x2, s3;
	v9 =	vmul.f32 v9, v16;
	[tilespmem:s0+$0xFFFFFF30] =	vst v7;
	v7 =	vld [tilespmem:s0+$0xFFFFFFF0]  }
0x58: {  	v10 =	vmul.f32 v10, v16;
	v11 =	vmov s6;
	[tilespmem:s0+$0xFFFFFF40] =	vst v8;
	v8 =	vld [tilespmem:s0+$0x0]  }
0x59: {  	v12 =	vmul.f32 v12, v16;
	[tilespmem:s0+$0xFFFFFF50] =	vst v9;
	v9 =	vld [tilespmem:s0+$0x10];
	v11 =	vperm.xlane v1, v11  }
0x5a: {  	[tilespmem:s0+$0xFFFFFF60] =	vst v10;
	v10 =	vld [tilespmem:s0+$0x20]  }
0x5b: {  	s7 =	sadd.s32 $0xB, s4;
	[tilespmem:s0+$0xFFFFFF70] =	vst v12;
	v12 =	vld [tilespmem:s0+$0x30];
	v13 =	vmul.f32 v13, v11  }
0x5c: {  	v58 =	vmov s7;
	[tilespmem:s0+$0xFFFFFF10] =	vst v3;
	v3 =	vld [tilespmem:s0+$0xFFFFFFD0];
	v14 =	vmul.f32 v14, v11  }
0x5d: {  	v16 =	vperm.xlane v1, v58;
	v15 =	vmul.f32 v15, v11;
	[tilespmem:s0+$0xFFFFFF80] =	vst v13;
	v13 =	vld [tilespmem:s0+$0x40]  }
0x5e: {  	v5 =	vmul.f32 v5, v11;
	[tilespmem:s0+$0xFFFFFF90] =	vst v14;
	v11 =	vld [tilespmem:s0+$0x50]  }
0x5f: {  	s8 =	sadd.s32 $0xC, s4;
	v4 =	vmul.f32 v4, v16;
	[tilespmem:s0+$0xFFFFFFA0] =	vst v15;
	v14 =	vld [tilespmem:s0+$0x60]  }
0x60: {  	v15 =	vmov s8;
	v6 =	vmul.f32 v6, v16;
	[tilespmem:s0+$0xFFFFFFB0] =	vst v5;
	v5 =	vld [tilespmem:s0+$0x70]  }
0x61: {  	v7 =	vmul.f32 v7, v16;
	v15 =	vperm.xlane v1, v15;
	[tilespmem:s0+$0xFFFFFFC0] =	vst v4;
	v4 =	vld [tilespmem:s0+$0x80]  }
0x62: {  	s9 =	sadd.s32 $0x5, s3;
	v3 =	vmul.f32 v3, v16;
	[tilespmem:s0+$0xFFFFFFE0] =	vst v6;
	v6 =	vld [tilespmem:s0+$0xA0]  }
0x63: {  	v59 =	vmov s9;
	s3 =	sadd.s32 $0x6, s3;
	[tilespmem:s0+$0xFFFFFFF0] =	vst v7;
	v7 =	vld [tilespmem:s0+$0xB0];
	v8 =	vmul.f32 v8, v15;
	v9 =	vmul.f32 v9, v15  }
0x64: {  	v10 =	vmul.f32 v10, v15;
	v12 =	vmul.f32 v12, v15;
	v15 =	vmov s3;
	s3 =	simm.s32 $0xEE80;
	[tilespmem:s0+$0xFFFFFFD0] =	vst v3;
	v3 =	vld [tilespmem:s0+$0x90]  }
0x65: {  	v16 =	vperm.xlane v1, v59;
	v1 =	vperm.xlane v1, v15;
	v15 =	vld [tilespmem:s3+$0xFFFFFF30];
	[tilespmem:s0+$0x0] =	vst v8  }
0x66: {  	v17 =	vld [tilespmem:s3+$0x40];
	[tilespmem:s0+$0x10] =	vst v9  }
0x67: {  	s1 =	simm.s32 $0x8;
	v19 =	vld [tilespmem:s3+$0x50];
	v13 =	vmul.f32 v13, v16;
	[tilespmem:s0+$0x20] =	vst v10  }
0x68: {  	s10 =	sand.u32 $0x70, s1;
	v8 =	vld [tilespmem:s0+$0xC0];
	v11 =	vmul.f32 v11, v16;
	[tilespmem:s0+$0x30] =	vst v12  }
0x69: {  	s4 =	simm.s32 $0x8;
	v10 =	vld [tilespmem:s10+$0x9D00];
	v14 =	vmul.f32 v14, v16;
	[tilespmem:s0+$0x40] =	vst v13  }
0x6a: {  	s7 =	sand.u32 $0xFFFFFFF0, s4;
	v9 =	vld [tilespmem:s0+$0xD0];
	v5 =	vmul.f32 v5, v16;
	[tilespmem:s0+$0x50] =	vst v11  }
0x6b: {  	s12 =	ssub.s32 $0x0, s7;
	v13 =	vld [tilespmem:s3+$0xF0];
	v4 =	vmul.f32 v4, v1;
	[tilespmem:s0+$0x60] =	vst v14  }
0x6c: {  	s8 =	sadd.s32 $0xF, s12;
	v11 =	vld [tilespmem:s3+$0xFFFFFF00];
	v6 =	vmul.f32 v6, v1;
	[tilespmem:s0+$0x70] =	vst v5  }
0x6d: {  	s9 =	sand.u32 $0x8, s1;
	v14 =	vld [tilespmem:s3+$0xFFFFFF10];
	v7 =	vmul.f32 v7, v1;
	[tilespmem:s0+$0x80] =	vst v4;
	v4 =	vmov s8  }
0x6e: {  	v60 =	vmov s9;
	v3 =	vmul.f32 v3, v1;
	v5 =	vld [tilespmem:s3+$0xFFFFFF20];
	[tilespmem:s0+$0xA0] =	vst v6;
	v1 =	vperm.xlane v10, v4  }
0x6f: {  	v12 =	vld [tilespmem:s0+$0xE0];
	[tilespmem:s0+$0xB0] =	vst v7;
	v4 =	vmul.f32 v8, v2;
	v6 =	vperm.xlane v10, v60  }
0x70: {  	s7 =	ssub.s32 $0x8, s7;
	v8 =	vld [tilespmem:s3+$0xFFFFFF50];
	[tilespmem:s0+$0x90] =	vst v3;
	v7 =	vmul.f32 v13, v1  }
0x71: {  	s13 =	sadd.s32 $0x1, s7;
	v3 =	vld [tilespmem:s3+$0xFFFFFF40];
	[tilespmem:s0+$0xC0] =	vst v4;
	v4 =	vmul.f32 v11, v6  }
0x72: {  	v61 =	vmov s13;
	v13 =	vld [tilespmem:s3+$0xFFFFFF60];
	[tilespmem:s3+$0xF0] =	vst v7;
	v7 =	vmul.f32 v14, v6  }
0x73: {  	v16 =	vperm.xlane v10, v61;
	v11 =	vld [tilespmem:s3+$0xFFFFFF70];
	v5 =	vmul.f32 v5, v6;
	[tilespmem:s3+$0xFFFFFF00] =	vst v4  }
0x74: {  	v14 =	vld [tilespmem:s3+$0xFFFFFF80];
	v6 =	vmul.f32 v15, v6;
	[tilespmem:s3+$0xFFFFFF10] =	vst v7  }
0x75: {  	s14 =	sadd.s32 $0x2, s7;
	v4 =	vld [tilespmem:s3+$0xFFFFFF90];
	v8 =	vmul.f32 v8, v16;
	[tilespmem:s3+$0xFFFFFF20] =	vst v5  }
0x76: {  	v15 =	vmov s14;
	v7 =	vld [tilespmem:s3+$0xFFFFFFA0];
	v3 =	vmul.f32 v3, v16;
	[tilespmem:s3+$0xFFFFFF30] =	vst v6  }
0x77: {  	v15 =	vperm.xlane v10, v15;
	v5 =	vld [tilespmem:s3+$0xFFFFFFB0];
	v13 =	vmul.f32 v13, v16;
	[tilespmem:s3+$0xFFFFFF50] =	vst v8  }
0x78: {  	v6 =	vld [tilespmem:s3+$0xFFFFFFC0];
	v11 =	vmul.f32 v11, v16;
	[tilespmem:s3+$0xFFFFFF40] =	vst v3  }
0x79: {  	s17 =	sadd.s32 $0xB, s12;
	v3 =	vld [tilespmem:s3+$0xFFFFFFD0];
	v14 =	vmul.f32 v14, v15;
	[tilespmem:s3+$0xFFFFFF60] =	vst v13  }
0x7a: {  	v62 =	vmov s17;
	v8 =	vld [tilespmem:s3+$0xFFFFFFE0];
	v4 =	vmul.f32 v4, v15;
	[tilespmem:s3+$0xFFFFFF70] =	vst v11  }
0x7b: {  	v16 =	vperm.xlane v10, v62;
	v13 =	vld [tilespmem:s3+$0xFFFFFFF0];
	v7 =	vmul.f32 v7, v15;
	[tilespmem:s3+$0xFFFFFF80] =	vst v14  }
0x7c: {  	v11 =	vld [tilespmem:s3+$0x0];
	v5 =	vmul.f32 v5, v15;
	[tilespmem:s3+$0xFFFFFF90] =	vst v4  }
0x7d: {  	s6 =	sadd.s32 $0xC, s12;
	v14 =	vld [tilespmem:s3+$0x10];
	v4 =	vmul.f32 v6, v16;
	[tilespmem:s3+$0xFFFFFFA0] =	vst v7  }
0x7e: {  	s18 =	sadd.s32 $0x5, s7;
	v15 =	vld [tilespmem:s3+$0x20];
	v7 =	vmov s6;
	v3 =	vmul.f32 v3, v16;
	[tilespmem:s3+$0xFFFFFFB0] =	vst v5  }
0x7f: {  	s20 =	sadd.s32 $0x6, s7;
	v6 =	vld [tilespmem:s3+$0x30];
	v5 =	vmov s18;
	[tilespmem:s3+$0xFFFFFFC0] =	vst v4;
	v18 =	vperm.xlane v10, v7;
	v7 =	vmul.f32 v8, v16  }
0x80: {  	v63 =	vld [tilespmem:s3+$0x60];
	v4 =	vmov s20;
	v5 =	vperm.xlane v10, v5;
	v8 =	vmul.f32 v13, v16;
	[tilespmem:s3+$0xFFFFFFD0] =	vst v3  }
0x81: {  	v4 =	vperm.xlane v10, v4;
	v10 =	vld [tilespmem:s3+$0x70];
	v11 =	vmul.f32 v11, v18;
	[tilespmem:s3+$0xFFFFFFE0] =	vst v7  }
0x82: {  	v3 =	vmul.f32 v9, v2;
	v9 =	vmul.f32 v14, v18;
	[tilespmem:s3+$0xFFFFFFF0] =	vst v8;
	v7 =	vld [tilespmem:s3+$0x80]  }
0x83: {  	v2 =	vmul.f32 v12, v2;
	v15 =	vmul.f32 v15, v18;
	v8 =	vld [tilespmem:s3+$0x90];
	[tilespmem:s3+$0x0] =	vst v11  }
0x84: {  	v14 =	vmul.f32 v6, v18;
	v13 =	vmul.f32 v17, v5;
	[tilespmem:s3+$0x10] =	vst v9;
	v9 =	vld [tilespmem:s3+$0xA0]  }
0x85: {  	s6 =	simm.s32 $0xEE80;
	v12 =	vmul.f32 v19, v5;
	v6 =	vld [tilespmem:s3+$0xB0];
	[tilespmem:s3+$0x20] =	vst v15;
	v11 =	vmul.f32 v63, v5  }
.LBB2_4:
0x86: {  	[tilespmem:s3+$0x30] =	vst v14;
	v5 =	vmul.f32 v10, v5;
	v10 =	vld [tilespmem:s3+$0xC0];
	s7 =	smov.u32 s1;
	s1 =	sadd.s32 $0x8, s1;
	s4 =	sadd.s32 $0x8, s4  }
0x87: {  	s8 =	sand.u32 $0x70, s1;
	s9 =	sand.u32 $0x8, s1;
	p0 =	slt.u32 s1, $0x78;
	[tilespmem:s3+$0x40] =	vst v13;
	v7 =	vmul.f32 v7, v4;
	v13 =	vld [tilespmem:s3+$0xD0]  }
0x88: {  	v14 =	vld [tilespmem:s8+$0x9D00];
	v15 =	vmov s9;
	[tilespmem:s3+$0x50] =	vst v12;
	v8 =	vmul.f32 v8, v4;
	s8 =	sand.u32 $0xFFFFFFF0, s4  }
0x89: {  	s3 =	sadd.s32 $0x200, s3;
	[tilespmem:s6+$0x60] =	vst v11;
	v9 =	vmul.f32 v9, v4;
	v11 =	vld [tilespmem:s6+$0xE0];
	s9 =	ssub.s32 s1, s8  }
0x8a: {  	s7 =	ssub.s32 s7, s8;
	v12 =	vld [tilespmem:s3+$0xF0];
	[tilespmem:s6+$0x70] =	vst v5;
	v4 =	vmul.f32 v6, v4;
	s8 =	sadd.s32 $0x1, s9  }
0x8b: {  	s14 =	sadd.s32 $0x2, s9;
	s20 =	sadd.s32 $0xF, s7;
	v6 =	vld [tilespmem:s3+$0xFFFFFF00];
	[tilespmem:s6+$0x80] =	vst v7;
	v5 =	vmul.f32 v10, v1;
	v10 =	vmov s8  }
0x8c: {  	v16 =	vmov s14;
	s8 =	sadd.s32 $0xB, s7;
	s7 =	sadd.s32 $0xC, s7;
	s14 =	sadd.s32 $0x5, s9;
	v17 =	vmov s20;
	v7 =	vld [tilespmem:s3+$0xFFFFFF10];
	[tilespmem:s6+$0x90] =	vst v8  }
0x8d: {  	v18 =	vmov s8;
	v19 =	vmov s7;
	s7 =	sadd.s32 $0x6, s9;
	v8 =	vld [tilespmem:s3+$0xFFFFFF20];
	v17 =	vperm.xlane v14, v17;
	[tilespmem:s6+$0xA0] =	vst v9  }
0x8e: {  	v20 =	vmov s14;
	v9 =	vperm.xlane v14, v15;
	v21 =	vmov s7;
	v15 =	vld [tilespmem:s3+$0xFFFFFF30];
	[tilespmem:s6+$0xB0] =	vst v4  }
0x8f: {  	v10 =	vperm.xlane v14, v10;
	v22 =	vld [tilespmem:s3+$0xFFFFFF40];
	v4 =	vmul.f32 v12, v17;
	[tilespmem:s6+$0xC0] =	vst v5  }
0x90: {  	v16 =	vperm.xlane v14, v16;
	v18 =	vperm.xlane v14, v18;
	v12 =	vld [tilespmem:s3+$0xFFFFFF50];
	[tilespmem:s0+$0xD0] =	vst v3  }
0x91: {  	v19 =	vperm.xlane v14, v19;
	v5 =	vperm.xlane v14, v20;
	v23 =	vld [tilespmem:s3+$0xFFFFFF60];
	[tilespmem:s3+$0xF0] =	vst v4  }
0x92: {  	v3 =	vmul.f32 v6, v9;
	v4 =	vperm.xlane v14, v21;
	v6 =	vld [tilespmem:s3+$0xFFFFFF70];
	[tilespmem:s0+$0xE0] =	vst v2;
	s0 =	smov.u32 s6;
	s6 =	smov.u32 s3  }
0x93: {  	v2 =	vmul.f32 v7, v9;
	v7 =	vmul.f32 v8, v9;
	v8 =	vld [tilespmem:s3+$0xFFFFFF80]  }
0x94: {  	v9 =	vmul.f32 v15, v9;
	[tilespmem:s3+$0xFFFFFF00] =	vst v3;
	v14 =	vmul.f32 v22, v10;
	v15 =	vld [tilespmem:s3+$0xFFFFFF90]  }
0x95: {  	v3 =	vmul.f32 v13, v1;
	[tilespmem:s3+$0xFFFFFF10] =	vst v2;
	v12 =	vmul.f32 v12, v10;
	v20 =	vld [tilespmem:s3+$0xFFFFFFA0]  }
0x96: {  	v2 =	vmul.f32 v11, v1;
	v1 =	vmov v17;
	[tilespmem:s3+$0xFFFFFF20] =	vst v7;
	v7 =	vmul.f32 v23, v10;
	v13 =	vld [tilespmem:s3+$0xFFFFFFB0]  }
0x97: {  	[tilespmem:s3+$0xFFFFFF30] =	vst v9;
	v6 =	vmul.f32 v6, v10;
	v9 =	vld [tilespmem:s3+$0xFFFFFFC0]  }
0x98: {  	[tilespmem:s3+$0xFFFFFF40] =	vst v14;
	v8 =	vmul.f32 v8, v16;
	v10 =	vld [tilespmem:s3+$0xFFFFFFD0]  }
0x99: {  	[tilespmem:s3+$0xFFFFFF50] =	vst v12;
	v11 =	vmul.f32 v15, v16;
	v12 =	vld [tilespmem:s3+$0xFFFFFFE0]  }
0x9a: {  	[tilespmem:s3+$0xFFFFFF60] =	vst v7;
	v7 =	vmul.f32 v20, v16;
	v14 =	vld [tilespmem:s3+$0xFFFFFFF0]  }
0x9b: {  	[tilespmem:s3+$0xFFFFFF70] =	vst v6;
	v6 =	vmul.f32 v13, v16;
	v13 =	vld [tilespmem:s3+$0x0]  }
0x9c: {  	[tilespmem:s3+$0xFFFFFF80] =	vst v8;
	v8 =	vmul.f32 v9, v18;
	v9 =	vld [tilespmem:s3+$0x10]  }
0x9d: {  	[tilespmem:s3+$0xFFFFFF90] =	vst v11;
	v10 =	vmul.f32 v10, v18;
	v11 =	vld [tilespmem:s3+$0x20]  }
0x9e: {  	[tilespmem:s3+$0xFFFFFFA0] =	vst v7;
	v7 =	vmul.f32 v12, v18;
	v12 =	vld [tilespmem:s3+$0x30]  }
0x9f: {  	[tilespmem:s3+$0xFFFFFFB0] =	vst v6;
	v6 =	vmul.f32 v14, v18;
	v15 =	vld [tilespmem:s3+$0x40]  }
0xa0: {  	[tilespmem:s3+$0xFFFFFFC0] =	vst v8;
	v8 =	vmul.f32 v13, v19;
	v16 =	vld [tilespmem:s3+$0x50]  }
0xa1: {  	[tilespmem:s3+$0xFFFFFFD0] =	vst v10;
	v9 =	vmul.f32 v9, v19;
	v17 =	vld [tilespmem:s3+$0x60]  }
.Ltmp1:
0xa2: {  	[tilespmem:s3+$0xFFFFFFE0] =	vst v7;
	v11 =	vmul.f32 v11, v19;
	v10 =	vld [tilespmem:s3+$0x70];
	(pc) =	sbr.rel @p0 .LBB2_4-.Ltmp1, $4  }
0xa3: {  	[tilespmem:s3+$0xFFFFFFF0] =	vst v6;
	v14 =	vmul.f32 v12, v19;
	v7 =	vld [tilespmem:s3+$0x80]  }
0xa4: {  	[tilespmem:s3+$0x0] =	vst v8;
	v13 =	vmul.f32 v15, v5;
	v8 =	vld [tilespmem:s3+$0x90]  }
0xa5: {  	[tilespmem:s3+$0x10] =	vst v9;
	v12 =	vmul.f32 v16, v5;
	v9 =	vld [tilespmem:s3+$0xA0]  }
0xa6: {  	[tilespmem:s3+$0x20] =	vst v11;
	v11 =	vmul.f32 v17, v5;
	v6 =	vld [tilespmem:s3+$0xB0]  }
0xa7: {  	[tilespmem:s3+$0x30] =	vst v14  }
0xa8: {  	[tilespmem:s3+$0x40] =	vst v13  }
0xa9: {  	[tilespmem:s3+$0x50] =	vst v12  }
0xaa: {  	v5 =	vmul.f32 v10, v5;
	[tilespmem:s0+$0xD0] =	vst v3  }
0xab: {  	v10 =	vld [tilespmem:s3+$0xC0];
	[tilespmem:s0+$0xE0] =	vst v2;
	v7 =	vmul.f32 v7, v4  }
0xac: {  	[tilespmem:s6+$0x70] =	vst v5;
	v5 =	vld [tilespmem:s3+$0xD0]  }
0xad: {  	v8 =	vmul.f32 v8, v4;
	[tilespmem:s6+$0x80] =	vst v7;
	v7 =	vld [tilespmem:s6+$0xE0]  }
0xae: {  	[tilespmem:s6+$0x60] =	vst v11;
	v9 =	vmul.f32 v9, v4  }
0xaf: {  	v4 =	vmul.f32 v6, v4;
	[tilespmem:s6+$0x90] =	vst v8  }
0xb0: {  	v6 =	vmul.f32 v10, v1;
	[tilespmem:s6+$0xA0] =	vst v9  }
0xb1: {  	[tilespmem:s6+$0xB0] =	vst v4;
	v3 =	vmul.f32 v5, v1  }
0xb2: {  	[tilespmem:s6+$0xC0] =	vst v6;
	v1 =	vmul.f32 v7, v1  }
0xb3: {  	[tilespmem:s6+$0xD0] =	vst v3  }
0xb4: {  	s1 =	simm.s32 $0x0;
	[tilespmem:s6+$0xE0] =	vst v1  }
0xb5: {  	[spmem:s2] =	stream.indirect.scatter.add.f32 [tilespmem:s15], [sflag:$0x4], $0x40, s1, s19, $0xb8;
	[tilespmem:$0x1E7C0] =	vst v63  }
0xb6: {  	_ =	swait.ge [sflag:s25], $0x2000  }
0xb7: {  	s14 =	simm.s32 $0x0;
	[sflag:s25] =	ssyncset.done $0x0  }
0xb8: {  	s4 =	sand.u32 $0x70, s14;
	[sflag:s25] =	ssyncadd.s32 $0xFFFFE000  }
0xb9: {  	s0 =	simm.s32 $0x10C80;
	v1 =	vld [tilespmem:s4+$0x9D80]  }
0xba: {  	v3 =	vld [tilespmem:s0+$0xF0]  }
0xbb: {  	v4 =	vld [tilespmem:s0+$0xFFFFFF00]  }
0xbc: {  	v5 =	vld [tilespmem:s0+$0xFFFFFF10]  }
0xbd: {  	v6 =	vld [tilespmem:s0+$0xFFFFFF20]  }
0xbe: {  	s1 =	sand.u32 $0xFFFFFFF0, s1;
	v7 =	vld [tilespmem:s0+$0xFFFFFF30]  }
0xbf: {  	s17 =	ssub.s32 $0xFFFFFFF8, s1;
	v8 =	vld [tilespmem:s0+$0xFFFFFF40]  }
0xc0: {  	s18 =	sadd.s32 $0xF, s17;
	v9 =	vld [tilespmem:s0+$0xFFFFFF50]  }
0xc1: {  	s3 =	sand.u32 $0x8, s14;
	v2 =	vmov s18;
	v10 =	vld [tilespmem:s0+$0xFFFFFF60]  }
0xc2: {  	v11 =	vmov s3;
	s20 =	ssub.s32 $0x0, s1;
	v12 =	vld [tilespmem:s0+$0xFFFFFF70];
	v2 =	vperm.xlane v1, v2  }
0xc3: {  	s1 =	sadd.s32 $0x1, s20;
	v13 =	vld [tilespmem:s0+$0xFFFFFF80];
	v11 =	vperm.xlane v1, v11  }
0xc4: {  	v16 =	vmov s1;
	v14 =	vld [tilespmem:s0+$0xFFFFFF90];
	v3 =	vmul.f32 v3, v2  }
0xc5: {  	v15 =	vld [tilespmem:s0+$0xFFFFFFA0];
	v16 =	vperm.xlane v1, v16;
	v4 =	vmul.f32 v4, v11  }
0xc6: {  	v6 =	vmul.f32 v6, v11;
	[tilespmem:s0+$0xF0] =	vst v3;
	v3 =	vmul.f32 v5, v11;
	v5 =	vld [tilespmem:s0+$0xFFFFFFB0]  }
0xc7: {  	v7 =	vmul.f32 v7, v11;
	[tilespmem:s0+$0xFFFFFF00] =	vst v4;
	v4 =	vld [tilespmem:s0+$0xFFFFFFC0]  }
0xc8: {  	v8 =	vmul.f32 v8, v16;
	[tilespmem:s0+$0xFFFFFF20] =	vst v6;
	v6 =	vld [tilespmem:s0+$0xFFFFFFE0]  }
0xc9: {  	s6 =	sadd.s32 $0x2, s20;
	v9 =	vmul.f32 v9, v16;
	[tilespmem:s0+$0xFFFFFF30] =	vst v7;
	v7 =	vld [tilespmem:s0+$0xFFFFFFF0]  }
0xca: {  	v10 =	vmul.f32 v10, v16;
	v11 =	vmov s6;
	[tilespmem:s0+$0xFFFFFF40] =	vst v8;
	v8 =	vld [tilespmem:s0+$0x0]  }
0xcb: {  	v12 =	vmul.f32 v12, v16;
	[tilespmem:s0+$0xFFFFFF50] =	vst v9;
	v9 =	vld [tilespmem:s0+$0x10];
	v11 =	vperm.xlane v1, v11  }
0xcc: {  	[tilespmem:s0+$0xFFFFFF60] =	vst v10;
	v10 =	vld [tilespmem:s0+$0x20]  }
0xcd: {  	s7 =	sadd.s32 $0xB, s17;
	[tilespmem:s0+$0xFFFFFF70] =	vst v12;
	v12 =	vld [tilespmem:s0+$0x30];
	v13 =	vmul.f32 v13, v11  }
0xce: {  	v58 =	vmov s7;
	[tilespmem:s0+$0xFFFFFF10] =	vst v3;
	v3 =	vld [tilespmem:s0+$0xFFFFFFD0];
	v14 =	vmul.f32 v14, v11  }
0xcf: {  	v16 =	vperm.xlane v1, v58;
	v15 =	vmul.f32 v15, v11;
	[tilespmem:s0+$0xFFFFFF80] =	vst v13;
	v13 =	vld [tilespmem:s0+$0x40]  }
0xd0: {  	v5 =	vmul.f32 v5, v11;
	[tilespmem:s0+$0xFFFFFF90] =	vst v14;
	v11 =	vld [tilespmem:s0+$0x50]  }
0xd1: {  	s8 =	sadd.s32 $0xC, s17;
	v4 =	vmul.f32 v4, v16;
	[tilespmem:s0+$0xFFFFFFA0] =	vst v15;
	v14 =	vld [tilespmem:s0+$0x60]  }
0xd2: {  	v15 =	vmov s8;
	v6 =	vmul.f32 v6, v16;
	[tilespmem:s0+$0xFFFFFFB0] =	vst v5;
	v5 =	vld [tilespmem:s0+$0x70]  }
0xd3: {  	v7 =	vmul.f32 v7, v16;
	v15 =	vperm.xlane v1, v15;
	[tilespmem:s0+$0xFFFFFFC0] =	vst v4;
	v4 =	vld [tilespmem:s0+$0x80]  }
0xd4: {  	s9 =	sadd.s32 $0x5, s20;
	v3 =	vmul.f32 v3, v16;
	[tilespmem:s0+$0xFFFFFFE0] =	vst v6;
	v6 =	vld [tilespmem:s0+$0xA0]  }
0xd5: {  	s3 =	sadd.s32 $0x6, s20;
	v59 =	vmov s9;
	[tilespmem:s0+$0xFFFFFFF0] =	vst v7;
	v7 =	vld [tilespmem:s0+$0xB0];
	v8 =	vmul.f32 v8, v15;
	v9 =	vmul.f32 v9, v15  }
0xd6: {  	v10 =	vmul.f32 v10, v15;
	v12 =	vmul.f32 v12, v15;
	v15 =	vmov s3;
	s3 =	simm.s32 $0x10E80;
	[tilespmem:s0+$0xFFFFFFD0] =	vst v3;
	v3 =	vld [tilespmem:s0+$0x90]  }
0xd7: {  	v16 =	vperm.xlane v1, v59;
	v1 =	vperm.xlane v1, v15;
	v15 =	vld [tilespmem:s3+$0xFFFFFF30];
	[tilespmem:s0+$0x0] =	vst v8  }
0xd8: {  	v17 =	vld [tilespmem:s3+$0x40];
	[tilespmem:s0+$0x10] =	vst v9  }
0xd9: {  	s1 =	simm.s32 $0x8;
	v19 =	vld [tilespmem:s3+$0x50];
	v13 =	vmul.f32 v13, v16;
	[tilespmem:s0+$0x20] =	vst v10  }
0xda: {  	s10 =	sand.u32 $0x70, s1;
	v8 =	vld [tilespmem:s0+$0xC0];
	v11 =	vmul.f32 v11, v16;
	[tilespmem:s0+$0x30] =	vst v12  }
0xdb: {  	s4 =	simm.s32 $0x8;
	v10 =	vld [tilespmem:s10+$0x9D80];
	v14 =	vmul.f32 v14, v16;
	[tilespmem:s0+$0x40] =	vst v13  }
0xdc: {  	s7 =	sand.u32 $0xFFFFFFF0, s4;
	v9 =	vld [tilespmem:s0+$0xD0];
	v5 =	vmul.f32 v5, v16;
	[tilespmem:s0+$0x50] =	vst v11  }
0xdd: {  	s12 =	ssub.s32 $0x0, s7;
	v13 =	vld [tilespmem:s3+$0xF0];
	v4 =	vmul.f32 v4, v1;
	[tilespmem:s0+$0x60] =	vst v14  }
0xde: {  	s8 =	sadd.s32 $0xF, s12;
	v11 =	vld [tilespmem:s3+$0xFFFFFF00];
	v6 =	vmul.f32 v6, v1;
	[tilespmem:s0+$0x70] =	vst v5  }
0xdf: {  	s9 =	sand.u32 $0x8, s1;
	v14 =	vld [tilespmem:s3+$0xFFFFFF10];
	v7 =	vmul.f32 v7, v1;
	[tilespmem:s0+$0x80] =	vst v4;
	v4 =	vmov s8  }
0xe0: {  	v60 =	vmov s9;
	v3 =	vmul.f32 v3, v1;
	v5 =	vld [tilespmem:s3+$0xFFFFFF20];
	[tilespmem:s0+$0xA0] =	vst v6;
	v1 =	vperm.xlane v10, v4  }
0xe1: {  	v12 =	vld [tilespmem:s0+$0xE0];
	[tilespmem:s0+$0xB0] =	vst v7;
	v4 =	vmul.f32 v8, v2;
	v6 =	vperm.xlane v10, v60  }
0xe2: {  	s7 =	ssub.s32 $0x8, s7;
	v8 =	vld [tilespmem:s3+$0xFFFFFF50];
	[tilespmem:s0+$0x90] =	vst v3;
	v7 =	vmul.f32 v13, v1  }
0xe3: {  	s13 =	sadd.s32 $0x1, s7;
	v3 =	vld [tilespmem:s3+$0xFFFFFF40];
	[tilespmem:s0+$0xC0] =	vst v4;
	v4 =	vmul.f32 v11, v6  }
0xe4: {  	v61 =	vmov s13;
	v13 =	vld [tilespmem:s3+$0xFFFFFF60];
	[tilespmem:s3+$0xF0] =	vst v7;
	v7 =	vmul.f32 v14, v6  }
0xe5: {  	v16 =	vperm.xlane v10, v61;
	v11 =	vld [tilespmem:s3+$0xFFFFFF70];
	v5 =	vmul.f32 v5, v6;
	[tilespmem:s3+$0xFFFFFF00] =	vst v4  }
0xe6: {  	v14 =	vld [tilespmem:s3+$0xFFFFFF80];
	v6 =	vmul.f32 v15, v6;
	[tilespmem:s3+$0xFFFFFF10] =	vst v7  }
0xe7: {  	s14 =	sadd.s32 $0x2, s7;
	v4 =	vld [tilespmem:s3+$0xFFFFFF90];
	v8 =	vmul.f32 v8, v16;
	[tilespmem:s3+$0xFFFFFF20] =	vst v5  }
0xe8: {  	v15 =	vmov s14;
	v7 =	vld [tilespmem:s3+$0xFFFFFFA0];
	v3 =	vmul.f32 v3, v16;
	[tilespmem:s3+$0xFFFFFF30] =	vst v6  }
0xe9: {  	v15 =	vperm.xlane v10, v15;
	v5 =	vld [tilespmem:s3+$0xFFFFFFB0];
	v13 =	vmul.f32 v13, v16;
	[tilespmem:s3+$0xFFFFFF50] =	vst v8  }
0xea: {  	v6 =	vld [tilespmem:s3+$0xFFFFFFC0];
	v11 =	vmul.f32 v11, v16;
	[tilespmem:s3+$0xFFFFFF40] =	vst v3  }
0xeb: {  	s17 =	sadd.s32 $0xB, s12;
	v3 =	vld [tilespmem:s3+$0xFFFFFFD0];
	v14 =	vmul.f32 v14, v15;
	[tilespmem:s3+$0xFFFFFF60] =	vst v13  }
0xec: {  	v62 =	vmov s17;
	v8 =	vld [tilespmem:s3+$0xFFFFFFE0];
	v4 =	vmul.f32 v4, v15;
	[tilespmem:s3+$0xFFFFFF70] =	vst v11  }
0xed: {  	v16 =	vperm.xlane v10, v62;
	v13 =	vld [tilespmem:s3+$0xFFFFFFF0];
	v7 =	vmul.f32 v7, v15;
	[tilespmem:s3+$0xFFFFFF80] =	vst v14  }
0xee: {  	v11 =	vld [tilespmem:s3+$0x0];
	v5 =	vmul.f32 v5, v15;
	[tilespmem:s3+$0xFFFFFF90] =	vst v4  }
0xef: {  	s6 =	sadd.s32 $0xC, s12;
	v14 =	vld [tilespmem:s3+$0x10];
	v4 =	vmul.f32 v6, v16;
	[tilespmem:s3+$0xFFFFFFA0] =	vst v7  }
0xf0: {  	s18 =	sadd.s32 $0x5, s7;
	v15 =	vld [tilespmem:s3+$0x20];
	v7 =	vmov s6;
	v3 =	vmul.f32 v3, v16;
	[tilespmem:s3+$0xFFFFFFB0] =	vst v5  }
0xf1: {  	s20 =	sadd.s32 $0x6, s7;
	v6 =	vld [tilespmem:s3+$0x30];
	v5 =	vmov s18;
	[tilespmem:s3+$0xFFFFFFC0] =	vst v4;
	v18 =	vperm.xlane v10, v7;
	v7 =	vmul.f32 v8, v16  }
0xf2: {  	v63 =	vld [tilespmem:s3+$0x60];
	v4 =	vmov s20;
	v5 =	vperm.xlane v10, v5;
	v8 =	vmul.f32 v13, v16;
	[tilespmem:s3+$0xFFFFFFD0] =	vst v3  }
0xf3: {  	v4 =	vperm.xlane v10, v4;
	v10 =	vld [tilespmem:s3+$0x70];
	v11 =	vmul.f32 v11, v18;
	[tilespmem:s3+$0xFFFFFFE0] =	vst v7  }
0xf4: {  	v3 =	vmul.f32 v9, v2;
	v9 =	vmul.f32 v14, v18;
	[tilespmem:s3+$0xFFFFFFF0] =	vst v8;
	v7 =	vld [tilespmem:s3+$0x80]  }
0xf5: {  	v2 =	vmul.f32 v12, v2;
	v15 =	vmul.f32 v15, v18;
	v8 =	vld [tilespmem:s3+$0x90];
	[tilespmem:s3+$0x0] =	vst v11  }
0xf6: {  	v14 =	vmul.f32 v6, v18;
	v13 =	vmul.f32 v17, v5;
	[tilespmem:s3+$0x10] =	vst v9;
	v9 =	vld [tilespmem:s3+$0xA0]  }
0xf7: {  	s6 =	simm.s32 $0x10E80;
	v12 =	vmul.f32 v19, v5;
	v6 =	vld [tilespmem:s3+$0xB0];
	[tilespmem:s3+$0x20] =	vst v15;
	v11 =	vmul.f32 v63, v5  }
.LBB2_6:
0xf8: {  	[tilespmem:s3+$0x30] =	vst v14;
	v5 =	vmul.f32 v10, v5;
	v10 =	vld [tilespmem:s3+$0xC0];
	s7 =	smov.u32 s1;
	s1 =	sadd.s32 $0x8, s1;
	s4 =	sadd.s32 $0x8, s4  }
0xf9: {  	s8 =	sand.u32 $0x70, s1;
	s9 =	sand.u32 $0x8, s1;
	p0 =	slt.u32 s1, $0x78;
	[tilespmem:s3+$0x40] =	vst v13;
	v7 =	vmul.f32 v7, v4;
	v13 =	vld [tilespmem:s3+$0xD0]  }
0xfa: {  	v14 =	vld [tilespmem:s8+$0x9D80];
	v15 =	vmov s9;
	[tilespmem:s3+$0x50] =	vst v12;
	v8 =	vmul.f32 v8, v4;
	s8 =	sand.u32 $0xFFFFFFF0, s4  }
0xfb: {  	s3 =	sadd.s32 $0x200, s3;
	[tilespmem:s6+$0x60] =	vst v11;
	v9 =	vmul.f32 v9, v4;
	v11 =	vld [tilespmem:s6+$0xE0];
	s9 =	ssub.s32 s1, s8  }
0xfc: {  	s7 =	ssub.s32 s7, s8;
	v12 =	vld [tilespmem:s3+$0xF0];
	[tilespmem:s6+$0x70] =	vst v5;
	v4 =	vmul.f32 v6, v4;
	s8 =	sadd.s32 $0x1, s9  }
0xfd: {  	s14 =	sadd.s32 $0x2, s9;
	s20 =	sadd.s32 $0xF, s7;
	v6 =	vld [tilespmem:s3+$0xFFFFFF00];
	[tilespmem:s6+$0x80] =	vst v7;
	v5 =	vmul.f32 v10, v1;
	v10 =	vmov s8  }
0xfe: {  	v16 =	vmov s14;
	s8 =	sadd.s32 $0xB, s7;
	s7 =	sadd.s32 $0xC, s7;
	s14 =	sadd.s32 $0x5, s9;
	v17 =	vmov s20;
	v7 =	vld [tilespmem:s3+$0xFFFFFF10];
	[tilespmem:s6+$0x90] =	vst v8  }
0xff: {  	v18 =	vmov s8;
	v19 =	vmov s7;
	s7 =	sadd.s32 $0x6, s9;
	v8 =	vld [tilespmem:s3+$0xFFFFFF20];
	v17 =	vperm.xlane v14, v17;
	[tilespmem:s6+$0xA0] =	vst v9  }
0x100: {  	v20 =	vmov s14;
	v9 =	vperm.xlane v14, v15;
	v21 =	vmov s7;
	v15 =	vld [tilespmem:s3+$0xFFFFFF30];
	[tilespmem:s6+$0xB0] =	vst v4  }
0x101: {  	v10 =	vperm.xlane v14, v10;
	v22 =	vld [tilespmem:s3+$0xFFFFFF40];
	v4 =	vmul.f32 v12, v17;
	[tilespmem:s6+$0xC0] =	vst v5  }
0x102: {  	v16 =	vperm.xlane v14, v16;
	v18 =	vperm.xlane v14, v18;
	v12 =	vld [tilespmem:s3+$0xFFFFFF50];
	[tilespmem:s0+$0xD0] =	vst v3  }
0x103: {  	v19 =	vperm.xlane v14, v19;
	v5 =	vperm.xlane v14, v20;
	v23 =	vld [tilespmem:s3+$0xFFFFFF60];
	[tilespmem:s3+$0xF0] =	vst v4  }
0x104: {  	v3 =	vmul.f32 v6, v9;
	v4 =	vperm.xlane v14, v21;
	v6 =	vld [tilespmem:s3+$0xFFFFFF70];
	[tilespmem:s0+$0xE0] =	vst v2;
	s0 =	smov.u32 s6;
	s6 =	smov.u32 s3  }
0x105: {  	v2 =	vmul.f32 v7, v9;
	v7 =	vmul.f32 v8, v9;
	v8 =	vld [tilespmem:s3+$0xFFFFFF80]  }
0x106: {  	v9 =	vmul.f32 v15, v9;
	[tilespmem:s3+$0xFFFFFF00] =	vst v3;
	v14 =	vmul.f32 v22, v10;
	v15 =	vld [tilespmem:s3+$0xFFFFFF90]  }
0x107: {  	v3 =	vmul.f32 v13, v1;
	[tilespmem:s3+$0xFFFFFF10] =	vst v2;
	v12 =	vmul.f32 v12, v10;
	v20 =	vld [tilespmem:s3+$0xFFFFFFA0]  }
0x108: {  	v2 =	vmul.f32 v11, v1;
	v1 =	vmov v17;
	[tilespmem:s3+$0xFFFFFF20] =	vst v7;
	v7 =	vmul.f32 v23, v10;
	v13 =	vld [tilespmem:s3+$0xFFFFFFB0]  }
0x109: {  	[tilespmem:s3+$0xFFFFFF30] =	vst v9;
	v6 =	vmul.f32 v6, v10;
	v9 =	vld [tilespmem:s3+$0xFFFFFFC0]  }
0x10a: {  	[tilespmem:s3+$0xFFFFFF40] =	vst v14;
	v8 =	vmul.f32 v8, v16;
	v10 =	vld [tilespmem:s3+$0xFFFFFFD0]  }
0x10b: {  	[tilespmem:s3+$0xFFFFFF50] =	vst v12;
	v11 =	vmul.f32 v15, v16;
	v12 =	vld [tilespmem:s3+$0xFFFFFFE0]  }
0x10c: {  	[tilespmem:s3+$0xFFFFFF60] =	vst v7;
	v7 =	vmul.f32 v20, v16;
	v14 =	vld [tilespmem:s3+$0xFFFFFFF0]  }
0x10d: {  	[tilespmem:s3+$0xFFFFFF70] =	vst v6;
	v6 =	vmul.f32 v13, v16;
	v13 =	vld [tilespmem:s3+$0x0]  }
0x10e: {  	[tilespmem:s3+$0xFFFFFF80] =	vst v8;
	v8 =	vmul.f32 v9, v18;
	v9 =	vld [tilespmem:s3+$0x10]  }
0x10f: {  	[tilespmem:s3+$0xFFFFFF90] =	vst v11;
	v10 =	vmul.f32 v10, v18;
	v11 =	vld [tilespmem:s3+$0x20]  }
0x110: {  	[tilespmem:s3+$0xFFFFFFA0] =	vst v7;
	v7 =	vmul.f32 v12, v18;
	v12 =	vld [tilespmem:s3+$0x30]  }
0x111: {  	[tilespmem:s3+$0xFFFFFFB0] =	vst v6;
	v6 =	vmul.f32 v14, v18;
	v15 =	vld [tilespmem:s3+$0x40]  }
0x112: {  	[tilespmem:s3+$0xFFFFFFC0] =	vst v8;
	v8 =	vmul.f32 v13, v19;
	v16 =	vld [tilespmem:s3+$0x50]  }
0x113: {  	[tilespmem:s3+$0xFFFFFFD0] =	vst v10;
	v9 =	vmul.f32 v9, v19;
	v17 =	vld [tilespmem:s3+$0x60]  }
.Ltmp2:
0x114: {  	[tilespmem:s3+$0xFFFFFFE0] =	vst v7;
	v11 =	vmul.f32 v11, v19;
	v10 =	vld [tilespmem:s3+$0x70];
	(pc) =	sbr.rel @p0 .LBB2_6-.Ltmp2, $4  }
0x115: {  	[tilespmem:s3+$0xFFFFFFF0] =	vst v6;
	v14 =	vmul.f32 v12, v19;
	v7 =	vld [tilespmem:s3+$0x80]  }
0x116: {  	[tilespmem:s3+$0x0] =	vst v8;
	v13 =	vmul.f32 v15, v5;
	v8 =	vld [tilespmem:s3+$0x90]  }
0x117: {  	[tilespmem:s3+$0x10] =	vst v9;
	v12 =	vmul.f32 v16, v5;
	v9 =	vld [tilespmem:s3+$0xA0]  }
0x118: {  	[tilespmem:s3+$0x20] =	vst v11;
	v11 =	vmul.f32 v17, v5;
	v6 =	vld [tilespmem:s3+$0xB0]  }
0x119: {  	[tilespmem:s3+$0x30] =	vst v14  }
0x11a: {  	[tilespmem:s3+$0x40] =	vst v13  }
0x11b: {  	[tilespmem:s3+$0x50] =	vst v12  }
0x11c: {  	[tilespmem:s0+$0xD0] =	vst v3  }
0x11d: {  	v5 =	vmul.f32 v10, v5;
	v59 =	vld [tilespmem:s3+$0xC0];
	[tilespmem:s0+$0xE0] =	vst v2  }
0x11e: {  	v60 =	vld [tilespmem:s3+$0xD0];
	v7 =	vmul.f32 v7, v4;
	[tilespmem:s6+$0x60] =	vst v11  }
0x11f: {  	v61 =	vld [tilespmem:s6+$0xE0];
	v8 =	vmul.f32 v8, v4;
	[tilespmem:s6+$0x70] =	vst v5  }
0x120: {  	v9 =	vmul.f32 v9, v4;
	[tilespmem:s6+$0x80] =	vst v7  }
0x121: {  	v62 =	vmul.f32 v6, v4;
	[tilespmem:s6+$0x90] =	vst v8  }
0x122: {  	v63 =	vmul.f32 v59, v1;
	[tilespmem:s6+$0xA0] =	vst v9  }
0x123: {  	v3 =	vmul.f32 v60, v1;
	[tilespmem:s6+$0xB0] =	vst v62  }
0x124: {  	v1 =	vmul.f32 v61, v1;
	[tilespmem:s6+$0xC0] =	vst v63  }
0x125: {  	[tilespmem:s6+$0xD0] =	vst v3  }
0x126: {  	s20 =	simm.s32 $0x100;
	s1 =	simm.s32 $0x0;
	[tilespmem:s6+$0xE0] =	vst v1  }
0x127: {  	[spmem:s2] =	stream.indirect.scatter.add.f32 [tilespmem:s21], [sflag:$0x5], $0x40, s20, s19, $0xb8;
	[tilespmem:$0x1E7C0] =	vst v63  }
.LBB2_8:
0x128: {  	s20 =	smul.u32 $0x3, s1;
	_ =	sdelay $0x1  }
0x129: {  	s0 =	sadd.s32 $0x3, s20  }
0x12a: {  	_ =	swait.ge [sflag:s28], $0x2000;
	s6 =	sshll.u32 s0, $0x8  }
0x12b: {  	[sflag:s28] =	ssyncset.done $0x0;
	s3 =	sadd.s32 $0x2, s20;
	s14 =	sand.u32 $0x3FFFFF00, s6  }
0x12c: {  	[sflag:s28] =	ssyncadd.s32 $0xFFFFE000;
	s4 =	sshll.u32 s3, $0x7;
	s6 =	sor.u32 $0x80, s14  }
0x12d: {  	[tilespmem:s15], [sflag:$0x1] =	stream.indirect.gather [hbm4b:s11+s19], $0x40, s6, s19, $0xb8;
	[tilespmem:$0x1E7C0] =	vst v63  }
0x12e: {  	s4 =	sand.u32 $0x3FFFFF80, s4;
	_ =	swait.ge [sflag:s29], $0x2000  }
0x12f: {  	s4 =	sadd.s32 $0x9D00, s4;
	[sflag:s29] =	ssyncset.done $0x0  }
0x130: {  	v1 =	vmov s4;
	s4 =	simm.s32 $0x12C80;
	[sflag:s29] =	ssyncadd.s32 $0xFFFFE000  }
0x131: {  	v4 =	vld [tilespmem:s4+$0xF0]  }
0x132: {  	v5 =	vld [tilespmem:s4+$0xFFFFFF00]  }
0x133: {  	s12 =	simm.s32 $0x0;
	v6 =	vld [tilespmem:s4+$0xFFFFFF10]  }
0x134: {  	s7 =	sand.u32 $0x70, s12;
	v7 =	vld [tilespmem:s4+$0xFFFFFF20]  }
0x135: {  	v2 =	vld.idx.msk [tilespmem:v1+s7+$0x0 ss:$0x1], $0xffff  }
0x136: {  	s13 =	sand.u32 $0xFFFFFFF0, s26;
	v8 =	vld [tilespmem:s4+$0xFFFFFF30]  }
0x137: {  	s8 =	ssub.s32 $0xFFFFFFF8, s13;
	v9 =	vld [tilespmem:s4+$0xFFFFFF40]  }
0x138: {  	s9 =	sadd.s32 $0xF, s8;
	v10 =	vld [tilespmem:s4+$0xFFFFFF50]  }
0x139: {  	v3 =	vmov s9;
	s6 =	sand.u32 $0x8, s12;
	v11 =	vld [tilespmem:s4+$0xFFFFFF60]  }
0x13a: {  	v12 =	vmov s6;
	v13 =	vld [tilespmem:s4+$0xFFFFFF70];
	s7 =	ssub.s32 $0x0, s13;
	v3 =	vperm.xlane v2, v3  }
0x13b: {  	v14 =	vld [tilespmem:s4+$0xFFFFFF80];
	s17 =	sadd.s32 $0x1, s7;
	v12 =	vperm.xlane v2, v12  }
0x13c: {  	v15 =	vld [tilespmem:s4+$0xFFFFFF90];
	v17 =	vmov s17;
	v4 =	vmul.f32 v4, v3  }
0x13d: {  	v16 =	vld [tilespmem:s4+$0xFFFFFFA0];
	v17 =	vperm.xlane v2, v17;
	v5 =	vmul.f32 v5, v12  }
0x13e: {  	v7 =	vmul.f32 v7, v12;
	[tilespmem:s4+$0xF0] =	vst v4;
	v4 =	vmul.f32 v6, v12;
	v6 =	vld [tilespmem:s4+$0xFFFFFFB0]  }
0x13f: {  	v8 =	vmul.f32 v8, v12;
	[tilespmem:s4+$0xFFFFFF00] =	vst v5;
	v5 =	vld [tilespmem:s4+$0xFFFFFFC0]  }
0x140: {  	v9 =	vmul.f32 v9, v17;
	[tilespmem:s4+$0xFFFFFF20] =	vst v7;
	v7 =	vld [tilespmem:s4+$0xFFFFFFE0]  }
0x141: {  	s18 =	sadd.s32 $0x2, s7;
	v10 =	vmul.f32 v10, v17;
	[tilespmem:s4+$0xFFFFFF30] =	vst v8;
	v8 =	vld [tilespmem:s4+$0xFFFFFFF0]  }
0x142: {  	v11 =	vmul.f32 v11, v17;
	v12 =	vmov s18;
	[tilespmem:s4+$0xFFFFFF40] =	vst v9;
	v9 =	vld [tilespmem:s4+$0x0]  }
0x143: {  	v13 =	vmul.f32 v13, v17;
	[tilespmem:s4+$0xFFFFFF50] =	vst v10;
	v10 =	vld [tilespmem:s4+$0x10];
	v12 =	vperm.xlane v2, v12  }
0x144: {  	[tilespmem:s4+$0xFFFFFF60] =	vst v11;
	v11 =	vld [tilespmem:s4+$0x20]  }
0x145: {  	s9 =	sadd.s32 $0xB, s8;
	[tilespmem:s4+$0xFFFFFF70] =	vst v13;
	v13 =	vld [tilespmem:s4+$0x30];
	v14 =	vmul.f32 v14, v12  }
0x146: {  	v17 =	vmov s9;
	[tilespmem:s4+$0xFFFFFF10] =	vst v4;
	v4 =	vld [tilespmem:s4+$0xFFFFFFD0];
	v15 =	vmul.f32 v15, v12  }
0x147: {  	v17 =	vperm.xlane v2, v17;
	v16 =	vmul.f32 v16, v12;
	[tilespmem:s4+$0xFFFFFF80] =	vst v14;
	v14 =	vld [tilespmem:s4+$0x40]  }
0x148: {  	v6 =	vmul.f32 v6, v12;
	[tilespmem:s4+$0xFFFFFF90] =	vst v15;
	v12 =	vld [tilespmem:s4+$0x50]  }
0x149: {  	s10 =	sadd.s32 $0xC, s8;
	v5 =	vmul.f32 v5, v17;
	[tilespmem:s4+$0xFFFFFFA0] =	vst v16;
	v15 =	vld [tilespmem:s4+$0x60]  }
0x14a: {  	v16 =	vmov s10;
	v7 =	vmul.f32 v7, v17;
	[tilespmem:s4+$0xFFFFFFB0] =	vst v6;
	v6 =	vld [tilespmem:s4+$0x70]  }
0x14b: {  	v8 =	vmul.f32 v8, v17;
	v16 =	vperm.xlane v2, v16;
	[tilespmem:s4+$0xFFFFFFC0] =	vst v5;
	v5 =	vld [tilespmem:s4+$0x80]  }
0x14c: {  	v4 =	vmul.f32 v4, v17;
	[tilespmem:s4+$0xFFFFFFE0] =	vst v7;
	v7 =	vld [tilespmem:s4+$0xA0]  }
0x14d: {  	s12 =	sadd.s32 $0x5, s7;
	[tilespmem:s4+$0xFFFFFFF0] =	vst v8;
	v8 =	vld [tilespmem:s4+$0xB0];
	v9 =	vmul.f32 v9, v16;
	v10 =	vmul.f32 v10, v16  }
0x14e: {  	v17 =	vmov s12;
	v11 =	vmul.f32 v11, v16;
	v13 =	vmul.f32 v13, v16;
	v16 =	vld [tilespmem:s4+$0xD0];
	[tilespmem:s4+$0xFFFFFFD0] =	vst v4  }
0x14f: {  	s6 =	simm.s32 $0x8;
	v17 =	vperm.xlane v2, v17;
	v4 =	vld [tilespmem:s4+$0x90];
	[tilespmem:s4+$0x0] =	vst v9  }
0x150: {  	s13 =	sand.u32 $0x70, s6;
	v9 =	vld [tilespmem:s4+$0xC0];
	[tilespmem:s4+$0x10] =	vst v10  }
0x151: {  	s7 =	sadd.s32 $0x6, s7;
	v10 =	vld.idx.msk [tilespmem:v1+s13+$0x0 ss:$0x1], $0xffff;
	v14 =	vmul.f32 v14, v17;
	[tilespmem:s4+$0x20] =	vst v11  }
0x152: {  	v11 =	vmov s7;
	v12 =	vmul.f32 v12, v17;
	[tilespmem:s4+$0x30] =	vst v13;
	v13 =	vld [tilespmem:s4+$0xE0];
	s7 =	simm.s32 $0x12E80  }
0x153: {  	s8 =	simm.s32 $0x8;
	v2 =	vperm.xlane v2, v11;
	v11 =	vmul.f32 v15, v17;
	v15 =	vld [tilespmem:s7+$0xFFFFFF30];
	[tilespmem:s4+$0x40] =	vst v14  }
0x154: {  	s10 =	sand.u32 $0xFFFFFFF0, s8;
	v18 =	vld [tilespmem:s7+$0x10];
	v6 =	vmul.f32 v6, v17;
	[tilespmem:s4+$0x50] =	vst v12  }
0x155: {  	s9 =	ssub.s32 $0x0, s10;
	v14 =	vld [tilespmem:s7+$0xF0];
	v5 =	vmul.f32 v5, v2;
	[tilespmem:s4+$0x60] =	vst v11  }
0x156: {  	s12 =	sadd.s32 $0xF, s9;
	v12 =	vld [tilespmem:s7+$0xFFFFFF00];
	v7 =	vmul.f32 v7, v2;
	[tilespmem:s4+$0x70] =	vst v6  }
0x157: {  	s13 =	sand.u32 $0x8, s6;
	v8 =	vmul.f32 v8, v2;
	v6 =	vld [tilespmem:s7+$0xFFFFFF20];
	[tilespmem:s4+$0x80] =	vst v5;
	v5 =	vmov s12  }
0x158: {  	v17 =	vmov s13;
	v11 =	vld [tilespmem:s7+$0xFFFFFF10];
	v4 =	vmul.f32 v4, v2;
	[tilespmem:s4+$0xA0] =	vst v7;
	v2 =	vperm.xlane v10, v5  }
0x159: {  	v19 =	vld [tilespmem:s7+$0x30];
	v7 =	vperm.xlane v10, v17;
	[tilespmem:s4+$0xB0] =	vst v8;
	v5 =	vmul.f32 v9, v3  }
0x15a: {  	s10 =	ssub.s32 $0x8, s10;
	[tilespmem:s4+$0x90] =	vst v4;
	v4 =	vld [tilespmem:s7+$0xFFFFFF40];
	v8 =	vmul.f32 v14, v2  }
0x15b: {  	s17 =	sadd.s32 $0x1, s10;
	v9 =	vld [tilespmem:s7+$0xFFFFFF50];
	[tilespmem:s4+$0xC0] =	vst v5;
	v5 =	vmul.f32 v12, v7  }
0x15c: {  	v17 =	vmov s17;
	v14 =	vld [tilespmem:s7+$0xFFFFFF60];
	v6 =	vmul.f32 v6, v7;
	[tilespmem:s7+$0xF0] =	vst v8  }
0x15d: {  	v17 =	vperm.xlane v10, v17;
	v12 =	vld [tilespmem:s7+$0xFFFFFF70];
	v8 =	vmul.f32 v11, v7;
	[tilespmem:s7+$0xFFFFFF00] =	vst v5  }
0x15e: {  	v11 =	vld [tilespmem:s7+$0xFFFFFF80];
	v7 =	vmul.f32 v15, v7;
	[tilespmem:s7+$0xFFFFFF20] =	vst v6  }
0x15f: {  	s18 =	sadd.s32 $0x2, s10;
	v5 =	vld [tilespmem:s7+$0xFFFFFF90];
	v4 =	vmul.f32 v4, v17;
	[tilespmem:s7+$0xFFFFFF10] =	vst v8  }
0x160: {  	v15 =	vmov s18;
	v6 =	vld [tilespmem:s7+$0xFFFFFFB0];
	v9 =	vmul.f32 v9, v17;
	[tilespmem:s7+$0xFFFFFF30] =	vst v7  }
0x161: {  	v15 =	vperm.xlane v10, v15;
	v8 =	vld [tilespmem:s7+$0xFFFFFFA0];
	v14 =	vmul.f32 v14, v17;
	[tilespmem:s7+$0xFFFFFF40] =	vst v4  }
0x162: {  	v7 =	vld [tilespmem:s7+$0xFFFFFFC0];
	v12 =	vmul.f32 v12, v17;
	[tilespmem:s7+$0xFFFFFF50] =	vst v9  }
0x163: {  	s13 =	sadd.s32 $0xB, s9;
	v4 =	vld [tilespmem:s7+$0xFFFFFFD0];
	v11 =	vmul.f32 v11, v15;
	[tilespmem:s7+$0xFFFFFF60] =	vst v14  }
0x164: {  	v9 =	vld [tilespmem:s7+$0xFFFFFFE0];
	v17 =	vmov s13;
	v5 =	vmul.f32 v5, v15;
	[tilespmem:s7+$0xFFFFFF70] =	vst v12  }
0x165: {  	v17 =	vperm.xlane v10, v17;
	v14 =	vld [tilespmem:s7+$0xFFFFFFF0];
	v6 =	vmul.f32 v6, v15;
	[tilespmem:s7+$0xFFFFFF80] =	vst v11  }
0x166: {  	s9 =	sadd.s32 $0xC, s9;
	v12 =	vld [tilespmem:s7+$0x0];
	v8 =	vmul.f32 v8, v15;
	[tilespmem:s7+$0xFFFFFF90] =	vst v5  }
0x167: {  	v21 =	vld [tilespmem:s7+$0x40];
	s17 =	sadd.s32 $0x5, s10;
	v5 =	vmov s9;
	v7 =	vmul.f32 v7, v17;
	[tilespmem:s7+$0xFFFFFFB0] =	vst v6  }
0x168: {  	s18 =	sadd.s32 $0x6, s10;
	v15 =	vld [tilespmem:s7+$0x20];
	v20 =	vperm.xlane v10, v5;
	v4 =	vmul.f32 v4, v17;
	[tilespmem:s7+$0xFFFFFFA0] =	vst v8;
	v8 =	vmov s17  }
0x169: {  	v5 =	vmov s18;
	[tilespmem:s7+$0xFFFFFFC0] =	vst v7;
	v6 =	vperm.xlane v10, v8;
	v8 =	vmul.f32 v9, v17;
	v9 =	vld [tilespmem:s7+$0x50]  }
0x16a: {  	v11 =	vld [tilespmem:s7+$0x60];
	v5 =	vperm.xlane v10, v5;
	v7 =	vmul.f32 v14, v17;
	[tilespmem:s7+$0xFFFFFFD0] =	vst v4  }
0x16b: {  	v4 =	vmul.f32 v16, v3;
	v10 =	vmul.f32 v12, v20;
	[tilespmem:s7+$0xFFFFFFE0] =	vst v8;
	v8 =	vld [tilespmem:s7+$0x70]  }
0x16c: {  	v3 =	vmul.f32 v13, v3;
	v13 =	vmul.f32 v18, v20;
	[tilespmem:s7+$0xFFFFFFF0] =	vst v7;
	v7 =	vld [tilespmem:s7+$0x80]  }
0x16d: {  	v14 =	vmul.f32 v19, v20;
	v15 =	vmul.f32 v15, v20;
	[tilespmem:s7+$0x0] =	vst v10;
	v10 =	vld [tilespmem:s7+$0x90]  }
0x16e: {  	s9 =	simm.s32 $0x12E80;
	v12 =	vmul.f32 v21, v6;
	[tilespmem:s7+$0x10] =	vst v13;
	v13 =	vmul.f32 v9, v6;
	v9 =	vld [tilespmem:s7+$0xA0]  }
.LBB2_9:
0x16f: {  	[tilespmem:s7+$0x20] =	vst v15;
	v11 =	vmul.f32 v11, v6;
	v15 =	vld [tilespmem:s7+$0xB0];
	s10 =	smov.u32 s6;
	s6 =	sadd.s32 $0x8, s6  }
0x170: {  	s12 =	sand.u32 $0x70, s6;
	s13 =	sand.u32 $0x8, s6;
	p0 =	slt.u32 s6, $0x78;
	[tilespmem:s7+$0x30] =	vst v14;
	v6 =	vmul.f32 v8, v6;
	v8 =	vld [tilespmem:s7+$0xC0]  }
0x171: {  	s8 =	sadd.s32 $0x8, s8;
	v14 =	vld.idx.msk [tilespmem:v1+s12+$0x0 ss:$0x1], $0xffff;
	v16 =	vmov s13;
	[tilespmem:s7+$0x40] =	vst v12;
	v7 =	vmul.f32 v7, v5  }
0x172: {  	s12 =	sand.u32 $0xFFFFFFF0, s8;
	[tilespmem:s7+$0x50] =	vst v13;
	v10 =	vmul.f32 v10, v5;
	v12 =	vld [tilespmem:s7+$0xD0]  }
0x173: {  	s7 =	sadd.s32 $0x200, s7;
	s13 =	ssub.s32 s6, s12;
	[tilespmem:s9+$0x60] =	vst v11;
	v9 =	vmul.f32 v9, v5;
	v11 =	vld [tilespmem:s9+$0xE0]  }
0x174: {  	s10 =	ssub.s32 s10, s12;
	s17 =	sadd.s32 $0x2, s13;
	v13 =	vld [tilespmem:s7+$0xF0];
	[tilespmem:s9+$0x70] =	vst v6;
	v5 =	vmul.f32 v15, v5  }
0x175: {  	s12 =	sadd.s32 $0x1, s13;
	s18 =	sadd.s32 $0xF, s10;
	v17 =	vmov s17;
	v15 =	vld [tilespmem:s7+$0xFFFFFF00];
	[tilespmem:s9+$0x80] =	vst v7;
	v6 =	vmul.f32 v8, v2  }
0x176: {  	s17 =	sadd.s32 $0x5, s13;
	v18 =	vmov s18;
	v8 =	vmov s12;
	s12 =	sadd.s32 $0xB, s10;
	s10 =	sadd.s32 $0xC, s10;
	v7 =	vld [tilespmem:s7+$0xFFFFFF10];
	[tilespmem:s9+$0x90] =	vst v10  }
0x177: {  	v19 =	vmov s12;
	v20 =	vmov s10;
	s10 =	sadd.s32 $0x6, s13;
	v18 =	vperm.xlane v14, v18;
	v10 =	vld [tilespmem:s7+$0xFFFFFF20];
	[tilespmem:s9+$0xA0] =	vst v9  }
0x178: {  	v21 =	vmov s17;
	v9 =	vperm.xlane v14, v16;
	v22 =	vmov s10;
	v16 =	vld [tilespmem:s7+$0xFFFFFF30];
	[tilespmem:s9+$0xB0] =	vst v5  }
0x179: {  	v8 =	vperm.xlane v14, v8;
	v23 =	vld [tilespmem:s7+$0xFFFFFF40];
	v5 =	vmul.f32 v13, v18;
	[tilespmem:s9+$0xC0] =	vst v6  }
0x17a: {  	v17 =	vperm.xlane v14, v17;
	v19 =	vperm.xlane v14, v19;
	v13 =	vld [tilespmem:s7+$0xFFFFFF50];
	[tilespmem:s4+$0xD0] =	vst v4  }
0x17b: {  	v20 =	vperm.xlane v14, v20;
	v6 =	vperm.xlane v14, v21;
	v24 =	vld [tilespmem:s7+$0xFFFFFF60];
	[tilespmem:s7+$0xF0] =	vst v5  }
0x17c: {  	v4 =	vmul.f32 v15, v9;
	v5 =	vperm.xlane v14, v22;
	v15 =	vld [tilespmem:s7+$0xFFFFFF70];
	[tilespmem:s4+$0xE0] =	vst v3;
	s4 =	smov.u32 s9;
	s9 =	smov.u32 s7  }
0x17d: {  	v3 =	vmul.f32 v7, v9;
	v7 =	vmul.f32 v10, v9;
	v10 =	vld [tilespmem:s7+$0xFFFFFF80]  }
0x17e: {  	v9 =	vmul.f32 v16, v9;
	[tilespmem:s7+$0xFFFFFF00] =	vst v4;
	v14 =	vmul.f32 v23, v8;
	v16 =	vld [tilespmem:s7+$0xFFFFFF90]  }
0x17f: {  	v4 =	vmul.f32 v12, v2;
	[tilespmem:s7+$0xFFFFFF10] =	vst v3;
	v13 =	vmul.f32 v13, v8;
	v21 =	vld [tilespmem:s7+$0xFFFFFFA0]  }
0x180: {  	v3 =	vmul.f32 v11, v2;
	v2 =	vmov v18;
	[tilespmem:s7+$0xFFFFFF20] =	vst v7;
	v7 =	vmul.f32 v24, v8;
	v12 =	vld [tilespmem:s7+$0xFFFFFFB0]  }
0x181: {  	[tilespmem:s7+$0xFFFFFF30] =	vst v9;
	v8 =	vmul.f32 v15, v8;
	v9 =	vld [tilespmem:s7+$0xFFFFFFC0]  }
0x182: {  	[tilespmem:s7+$0xFFFFFF40] =	vst v14;
	v10 =	vmul.f32 v10, v17;
	v11 =	vld [tilespmem:s7+$0xFFFFFFD0]  }
0x183: {  	[tilespmem:s7+$0xFFFFFF50] =	vst v13;
	v13 =	vmul.f32 v16, v17;
	v14 =	vld [tilespmem:s7+$0xFFFFFFE0]  }
0x184: {  	[tilespmem:s7+$0xFFFFFF60] =	vst v7;
	v7 =	vmul.f32 v21, v17;
	v15 =	vld [tilespmem:s7+$0xFFFFFFF0]  }
0x185: {  	[tilespmem:s7+$0xFFFFFF70] =	vst v8;
	v8 =	vmul.f32 v12, v17;
	v12 =	vld [tilespmem:s7+$0x0]  }
0x186: {  	[tilespmem:s7+$0xFFFFFF80] =	vst v10;
	v9 =	vmul.f32 v9, v19;
	v10 =	vld [tilespmem:s7+$0x10]  }
0x187: {  	[tilespmem:s7+$0xFFFFFF90] =	vst v13;
	v11 =	vmul.f32 v11, v19;
	v13 =	vld [tilespmem:s7+$0x20]  }
0x188: {  	[tilespmem:s7+$0xFFFFFFA0] =	vst v7;
	v7 =	vmul.f32 v14, v19;
	v14 =	vld [tilespmem:s7+$0x30]  }
0x189: {  	[tilespmem:s7+$0xFFFFFFB0] =	vst v8;
	v16 =	vmul.f32 v15, v19;
	v17 =	vld [tilespmem:s7+$0x40]  }
0x18a: {  	[tilespmem:s7+$0xFFFFFFC0] =	vst v9;
	v9 =	vmul.f32 v12, v20;
	v18 =	vld [tilespmem:s7+$0x50]  }
.Ltmp3:
0x18b: {  	[tilespmem:s7+$0xFFFFFFD0] =	vst v11;
	v19 =	vmul.f32 v10, v20;
	v11 =	vld [tilespmem:s7+$0x60];
	(pc) =	sbr.rel @p0 .LBB2_9-.Ltmp3, $4  }
0x18c: {  	[tilespmem:s7+$0xFFFFFFE0] =	vst v7;
	v15 =	vmul.f32 v13, v20;
	v8 =	vld [tilespmem:s7+$0x70]  }
0x18d: {  	[tilespmem:s7+$0xFFFFFFF0] =	vst v16;
	v14 =	vmul.f32 v14, v20;
	v7 =	vld [tilespmem:s7+$0x80]  }
0x18e: {  	[tilespmem:s7+$0x0] =	vst v9;
	v12 =	vmul.f32 v17, v6;
	v10 =	vld [tilespmem:s7+$0x90]  }
0x18f: {  	[tilespmem:s7+$0x10] =	vst v19;
	v13 =	vmul.f32 v18, v6;
	v9 =	vld [tilespmem:s7+$0xA0]  }
0x190: {  	[tilespmem:s7+$0x20] =	vst v15  }
0x191: {  	[tilespmem:s7+$0x30] =	vst v14  }
0x192: {  	[tilespmem:s7+$0x40] =	vst v12  }
0x193: {  	v1 =	vmul.f32 v11, v6;
	[tilespmem:s4+$0xD0] =	vst v4  }
0x194: {  	v6 =	vmul.f32 v8, v6;
	v8 =	vld [tilespmem:s7+$0xC0];
	[tilespmem:s7+$0x50] =	vst v13  }
0x195: {  	v11 =	vld [tilespmem:s7+$0xB0];
	v7 =	vmul.f32 v7, v5;
	[tilespmem:s9+$0x60] =	vst v1  }
0x196: {  	[tilespmem:s9+$0x70] =	vst v6;
	v6 =	vld [tilespmem:s7+$0xD0]  }
0x197: {  	v1 =	vmul.f32 v10, v5;
	[tilespmem:s9+$0x80] =	vst v7;
	v7 =	vld [tilespmem:s9+$0xE0]  }
0x198: {  	[tilespmem:s4+$0xE0] =	vst v3;
	v9 =	vmul.f32 v9, v5  }
0x199: {  	[tilespmem:s9+$0x90] =	vst v1;
	v1 =	vmul.f32 v8, v2  }
0x19a: {  	v5 =	vmul.f32 v11, v5;
	[tilespmem:s9+$0xA0] =	vst v9  }
0x19b: {  	[tilespmem:s9+$0xC0] =	vst v1;
	v1 =	vmul.f32 v6, v2  }
0x19c: {  	[tilespmem:s9+$0xB0] =	vst v5;
	v2 =	vmul.f32 v7, v2  }
0x19d: {  	s3 =	sshll.u32 s3, $0x8;
	[tilespmem:s9+$0xD0] =	vst v1  }
0x19e: {  	s3 =	sand.u32 $0x3FFFFF00, s3;
	[tilespmem:s9+$0xE0] =	vst v2  }
0x19f: {  	[spmem:s2] =	stream.indirect.scatter.add.f32 [tilespmem:s23], [sflag:$0x6], $0x40, s3, s19, $0xb8;
	[tilespmem:$0x1E7C0] =	vst v63  }
0x1a0: {  	s0 =	sshll.u32 s0, $0x7;
	s3 =	sadd.s32 $0x4, s20  }
0x1a1: {  	s0 =	sand.u32 $0x3FFFFF80, s0;
	_ =	swait.ge [sflag:s30], $0x2000;
	s9 =	sshll.u32 s3, $0x8  }
0x1a2: {  	s0 =	sadd.s32 $0x9D00, s0;
	[sflag:s30] =	ssyncset.done $0x0;
	s20 =	sand.u32 $0x3FFFFF00, s9  }
0x1a3: {  	v1 =	vmov s0;
	[sflag:s30] =	ssyncadd.s32 $0xFFFFE000;
	s4 =	sor.u32 $0x80, s20  }
0x1a4: {  	[tilespmem:s21], [sflag:$0x2] =	stream.indirect.gather [hbm4b:s11+s19], $0x40, s4, s19, $0xb8;
	[tilespmem:$0x1E7C0] =	vst v63  }
0x1a5: {  	_ =	swait.ge [sflag:s24], $0x2000  }
0x1a6: {  	s10 =	simm.s32 $0x0;
	[sflag:s24] =	ssyncset.done $0x0  }
0x1a7: {  	s6 =	sand.u32 $0x70, s10;
	[sflag:s24] =	ssyncadd.s32 $0xFFFFE000  }
0x1a8: {  	s0 =	simm.s32 $0xEC80;
	v2 =	vld.idx.msk [tilespmem:v1+s6+$0x0 ss:$0x1], $0xffff  }
0x1a9: {  	v4 =	vld [tilespmem:s0+$0xF0]  }
0x1aa: {  	v5 =	vld [tilespmem:s0+$0xFFFFFF00]  }
0x1ab: {  	v6 =	vld [tilespmem:s0+$0xFFFFFF10]  }
0x1ac: {  	s12 =	simm.s32 $0x0;
	v7 =	vld [tilespmem:s0+$0xFFFFFF20]  }
0x1ad: {  	s6 =	sand.u32 $0xFFFFFFF0, s12;
	v8 =	vld [tilespmem:s0+$0xFFFFFF30]  }
0x1ae: {  	v9 =	vld [tilespmem:s0+$0xFFFFFF40];
	s13 =	ssub.s32 $0xFFFFFFF8, s6  }
0x1af: {  	v10 =	vld [tilespmem:s0+$0xFFFFFF50];
	s8 =	sadd.s32 $0xF, s13  }
0x1b0: {  	s4 =	sand.u32 $0x8, s10;
	v11 =	vld [tilespmem:s0+$0xFFFFFF60];
	v3 =	vmov s8  }
0x1b1: {  	v12 =	vmov s4;
	v13 =	vld [tilespmem:s0+$0xFFFFFF70];
	s6 =	ssub.s32 $0x0, s6;
	v3 =	vperm.xlane v2, v3  }
0x1b2: {  	v14 =	vld [tilespmem:s0+$0xFFFFFF80];
	s17 =	sadd.s32 $0x1, s6;
	v12 =	vperm.xlane v2, v12  }
0x1b3: {  	v15 =	vld [tilespmem:s0+$0xFFFFFF90];
	v17 =	vmov s17;
	v4 =	vmul.f32 v4, v3  }
0x1b4: {  	v16 =	vld [tilespmem:s0+$0xFFFFFFA0];
	v17 =	vperm.xlane v2, v17;
	v5 =	vmul.f32 v5, v12  }
0x1b5: {  	v7 =	vmul.f32 v7, v12;
	[tilespmem:s0+$0xF0] =	vst v4;
	v4 =	vmul.f32 v6, v12;
	v6 =	vld [tilespmem:s0+$0xFFFFFFB0]  }
0x1b6: {  	v8 =	vmul.f32 v8, v12;
	[tilespmem:s0+$0xFFFFFF00] =	vst v5;
	v5 =	vld [tilespmem:s0+$0xFFFFFFC0]  }
0x1b7: {  	v9 =	vmul.f32 v9, v17;
	[tilespmem:s0+$0xFFFFFF20] =	vst v7;
	v7 =	vld [tilespmem:s0+$0xFFFFFFE0]  }
0x1b8: {  	s18 =	sadd.s32 $0x2, s6;
	v10 =	vmul.f32 v10, v17;
	[tilespmem:s0+$0xFFFFFF30] =	vst v8;
	v8 =	vld [tilespmem:s0+$0xFFFFFFF0]  }
0x1b9: {  	v11 =	vmul.f32 v11, v17;
	v12 =	vmov s18;
	[tilespmem:s0+$0xFFFFFF40] =	vst v9;
	v9 =	vld [tilespmem:s0+$0x0]  }
0x1ba: {  	v13 =	vmul.f32 v13, v17;
	[tilespmem:s0+$0xFFFFFF50] =	vst v10;
	v10 =	vld [tilespmem:s0+$0x10];
	v12 =	vperm.xlane v2, v12  }
0x1bb: {  	[tilespmem:s0+$0xFFFFFF60] =	vst v11;
	v11 =	vld [tilespmem:s0+$0x20]  }
0x1bc: {  	s8 =	sadd.s32 $0xB, s13;
	[tilespmem:s0+$0xFFFFFF70] =	vst v13;
	v13 =	vld [tilespmem:s0+$0x30];
	v14 =	vmul.f32 v14, v12  }
0x1bd: {  	v17 =	vmov s8;
	[tilespmem:s0+$0xFFFFFF10] =	vst v4;
	v4 =	vld [tilespmem:s0+$0xFFFFFFD0];
	v15 =	vmul.f32 v15, v12  }
0x1be: {  	v17 =	vperm.xlane v2, v17;
	v16 =	vmul.f32 v16, v12;
	[tilespmem:s0+$0xFFFFFF80] =	vst v14;
	v14 =	vld [tilespmem:s0+$0x40]  }
0x1bf: {  	v6 =	vmul.f32 v6, v12;
	[tilespmem:s0+$0xFFFFFF90] =	vst v15;
	v12 =	vld [tilespmem:s0+$0x50]  }
0x1c0: {  	s9 =	sadd.s32 $0xC, s13;
	v5 =	vmul.f32 v5, v17;
	[tilespmem:s0+$0xFFFFFFA0] =	vst v16;
	v15 =	vld [tilespmem:s0+$0x60]  }
0x1c1: {  	v16 =	vmov s9;
	v7 =	vmul.f32 v7, v17;
	[tilespmem:s0+$0xFFFFFFB0] =	vst v6;
	v6 =	vld [tilespmem:s0+$0x70]  }
0x1c2: {  	v8 =	vmul.f32 v8, v17;
	v16 =	vperm.xlane v2, v16;
	[tilespmem:s0+$0xFFFFFFC0] =	vst v5;
	v5 =	vld [tilespmem:s0+$0x80]  }
0x1c3: {  	v4 =	vmul.f32 v4, v17;
	[tilespmem:s0+$0xFFFFFFE0] =	vst v7;
	v7 =	vld [tilespmem:s0+$0xA0]  }
0x1c4: {  	s10 =	sadd.s32 $0x5, s6;
	[tilespmem:s0+$0xFFFFFFF0] =	vst v8;
	v8 =	vld [tilespmem:s0+$0xB0];
	v9 =	vmul.f32 v9, v16;
	v10 =	vmul.f32 v10, v16  }
0x1c5: {  	v17 =	vmov s10;
	v11 =	vmul.f32 v11, v16;
	v13 =	vmul.f32 v13, v16;
	v16 =	vld [tilespmem:s0+$0xD0];
	[tilespmem:s0+$0xFFFFFFD0] =	vst v4  }
0x1c6: {  	s4 =	simm.s32 $0x8;
	v17 =	vperm.xlane v2, v17;
	v4 =	vld [tilespmem:s0+$0x90];
	[tilespmem:s0+$0x0] =	vst v9  }
0x1c7: {  	s12 =	sand.u32 $0x70, s4;
	v9 =	vld [tilespmem:s0+$0xC0];
	[tilespmem:s0+$0x10] =	vst v10  }
0x1c8: {  	s6 =	sadd.s32 $0x6, s6;
	v10 =	vld.idx.msk [tilespmem:v1+s12+$0x0 ss:$0x1], $0xffff;
	v14 =	vmul.f32 v14, v17;
	[tilespmem:s0+$0x20] =	vst v11  }
0x1c9: {  	v11 =	vmov s6;
	v12 =	vmul.f32 v12, v17;
	[tilespmem:s0+$0x30] =	vst v13;
	v13 =	vld [tilespmem:s0+$0xE0];
	s6 =	simm.s32 $0xEE80  }
0x1ca: {  	s7 =	simm.s32 $0x8;
	v2 =	vperm.xlane v2, v11;
	v11 =	vmul.f32 v15, v17;
	v15 =	vld [tilespmem:s6+$0xFFFFFF30];
	[tilespmem:s0+$0x40] =	vst v14  }
0x1cb: {  	s13 =	sand.u32 $0xFFFFFFF0, s7;
	v18 =	vld [tilespmem:s6+$0x10];
	v6 =	vmul.f32 v6, v17;
	[tilespmem:s0+$0x50] =	vst v12  }
0x1cc: {  	s17 =	ssub.s32 $0x0, s13;
	v14 =	vld [tilespmem:s6+$0xF0];
	v5 =	vmul.f32 v5, v2;
	[tilespmem:s0+$0x60] =	vst v11  }
0x1cd: {  	s10 =	sadd.s32 $0xF, s17;
	v12 =	vld [tilespmem:s6+$0xFFFFFF00];
	v7 =	vmul.f32 v7, v2;
	[tilespmem:s0+$0x70] =	vst v6  }
0x1ce: {  	s12 =	sand.u32 $0x8, s4;
	v8 =	vmul.f32 v8, v2;
	v6 =	vld [tilespmem:s6+$0xFFFFFF20];
	[tilespmem:s0+$0x80] =	vst v5;
	v5 =	vmov s10  }
0x1cf: {  	v17 =	vmov s12;
	v11 =	vld [tilespmem:s6+$0xFFFFFF10];
	v4 =	vmul.f32 v4, v2;
	[tilespmem:s0+$0xA0] =	vst v7;
	v2 =	vperm.xlane v10, v5  }
0x1d0: {  	v19 =	vld [tilespmem:s6+$0x30];
	v7 =	vperm.xlane v10, v17;
	[tilespmem:s0+$0xB0] =	vst v8;
	v5 =	vmul.f32 v9, v3  }
0x1d1: {  	s9 =	ssub.s32 $0x8, s13;
	[tilespmem:s0+$0x90] =	vst v4;
	v4 =	vld [tilespmem:s6+$0xFFFFFF40];
	v8 =	vmul.f32 v14, v2  }
0x1d2: {  	s18 =	sadd.s32 $0x1, s9;
	v9 =	vld [tilespmem:s6+$0xFFFFFF50];
	[tilespmem:s0+$0xC0] =	vst v5;
	v5 =	vmul.f32 v12, v7  }
0x1d3: {  	v17 =	vmov s18;
	v14 =	vld [tilespmem:s6+$0xFFFFFF60];
	v6 =	vmul.f32 v6, v7;
	[tilespmem:s6+$0xF0] =	vst v8  }
0x1d4: {  	v17 =	vperm.xlane v10, v17;
	v12 =	vld [tilespmem:s6+$0xFFFFFF70];
	v8 =	vmul.f32 v11, v7;
	[tilespmem:s6+$0xFFFFFF00] =	vst v5  }
0x1d5: {  	v11 =	vld [tilespmem:s6+$0xFFFFFF80];
	v7 =	vmul.f32 v15, v7;
	[tilespmem:s6+$0xFFFFFF20] =	vst v6  }
0x1d6: {  	s12 =	sadd.s32 $0x2, s9;
	v5 =	vld [tilespmem:s6+$0xFFFFFF90];
	v4 =	vmul.f32 v4, v17;
	[tilespmem:s6+$0xFFFFFF10] =	vst v8  }
0x1d7: {  	v15 =	vmov s12;
	v6 =	vld [tilespmem:s6+$0xFFFFFFB0];
	v9 =	vmul.f32 v9, v17;
	[tilespmem:s6+$0xFFFFFF30] =	vst v7  }
0x1d8: {  	v15 =	vperm.xlane v10, v15;
	v8 =	vld [tilespmem:s6+$0xFFFFFFA0];
	v14 =	vmul.f32 v14, v17;
	[tilespmem:s6+$0xFFFFFF40] =	vst v4  }
0x1d9: {  	v7 =	vld [tilespmem:s6+$0xFFFFFFC0];
	v12 =	vmul.f32 v12, v17;
	[tilespmem:s6+$0xFFFFFF50] =	vst v9  }
0x1da: {  	s13 =	sadd.s32 $0xB, s17;
	v4 =	vld [tilespmem:s6+$0xFFFFFFD0];
	v11 =	vmul.f32 v11, v15;
	[tilespmem:s6+$0xFFFFFF60] =	vst v14  }
0x1db: {  	v9 =	vld [tilespmem:s6+$0xFFFFFFE0];
	v17 =	vmov s13;
	v5 =	vmul.f32 v5, v15;
	[tilespmem:s6+$0xFFFFFF70] =	vst v12  }
0x1dc: {  	v17 =	vperm.xlane v10, v17;
	v14 =	vld [tilespmem:s6+$0xFFFFFFF0];
	v6 =	vmul.f32 v6, v15;
	[tilespmem:s6+$0xFFFFFF80] =	vst v11  }
0x1dd: {  	s8 =	sadd.s32 $0xC, s17;
	v12 =	vld [tilespmem:s6+$0x0];
	v8 =	vmul.f32 v8, v15;
	[tilespmem:s6+$0xFFFFFF90] =	vst v5  }
0x1de: {  	s17 =	sadd.s32 $0x5, s9;
	v21 =	vld [tilespmem:s6+$0x40];
	v5 =	vmov s8;
	v7 =	vmul.f32 v7, v17;
	[tilespmem:s6+$0xFFFFFFB0] =	vst v6  }
0x1df: {  	s18 =	sadd.s32 $0x6, s9;
	v15 =	vld [tilespmem:s6+$0x20];
	v20 =	vperm.xlane v10, v5;
	v4 =	vmul.f32 v4, v17;
	[tilespmem:s6+$0xFFFFFFA0] =	vst v8;
	v8 =	vmov s17  }
0x1e0: {  	v5 =	vmov s18;
	[tilespmem:s6+$0xFFFFFFC0] =	vst v7;
	v6 =	vperm.xlane v10, v8;
	v8 =	vmul.f32 v9, v17;
	v9 =	vld [tilespmem:s6+$0x50]  }
0x1e1: {  	v11 =	vld [tilespmem:s6+$0x60];
	v5 =	vperm.xlane v10, v5;
	v7 =	vmul.f32 v14, v17;
	[tilespmem:s6+$0xFFFFFFD0] =	vst v4  }
0x1e2: {  	v4 =	vmul.f32 v16, v3;
	v10 =	vmul.f32 v12, v20;
	[tilespmem:s6+$0xFFFFFFE0] =	vst v8;
	v8 =	vld [tilespmem:s6+$0x70]  }
0x1e3: {  	v3 =	vmul.f32 v13, v3;
	v13 =	vmul.f32 v18, v20;
	[tilespmem:s6+$0xFFFFFFF0] =	vst v7;
	v7 =	vld [tilespmem:s6+$0x80]  }
0x1e4: {  	v14 =	vmul.f32 v19, v20;
	v15 =	vmul.f32 v15, v20;
	[tilespmem:s6+$0x0] =	vst v10;
	v10 =	vld [tilespmem:s6+$0x90]  }
0x1e5: {  	s8 =	simm.s32 $0xEE80;
	v12 =	vmul.f32 v21, v6;
	[tilespmem:s6+$0x10] =	vst v13;
	v13 =	vmul.f32 v9, v6;
	v9 =	vld [tilespmem:s6+$0xA0]  }
.LBB2_11:
0x1e6: {  	[tilespmem:s6+$0x20] =	vst v15;
	v11 =	vmul.f32 v11, v6;
	v15 =	vld [tilespmem:s6+$0xB0];
	s9 =	smov.u32 s4;
	s4 =	sadd.s32 $0x8, s4  }
0x1e7: {  	s10 =	sand.u32 $0x70, s4;
	s12 =	sand.u32 $0x8, s4;
	p0 =	slt.u32 s4, $0x78;
	[tilespmem:s6+$0x30] =	vst v14;
	v6 =	vmul.f32 v8, v6;
	v8 =	vld [tilespmem:s6+$0xC0]  }
0x1e8: {  	s7 =	sadd.s32 $0x8, s7;
	v14 =	vld.idx.msk [tilespmem:v1+s10+$0x0 ss:$0x1], $0xffff;
	v16 =	vmov s12;
	[tilespmem:s6+$0x40] =	vst v12;
	v7 =	vmul.f32 v7, v5  }
0x1e9: {  	s10 =	sand.u32 $0xFFFFFFF0, s7;
	[tilespmem:s6+$0x50] =	vst v13;
	v10 =	vmul.f32 v10, v5;
	v12 =	vld [tilespmem:s6+$0xD0]  }
0x1ea: {  	s6 =	sadd.s32 $0x200, s6;
	s12 =	ssub.s32 s4, s10;
	[tilespmem:s8+$0x60] =	vst v11;
	v9 =	vmul.f32 v9, v5;
	v11 =	vld [tilespmem:s8+$0xE0]  }
0x1eb: {  	s9 =	ssub.s32 s9, s10;
	s13 =	sadd.s32 $0x2, s12;
	v13 =	vld [tilespmem:s6+$0xF0];
	[tilespmem:s8+$0x70] =	vst v6;
	v5 =	vmul.f32 v15, v5  }
0x1ec: {  	s10 =	sadd.s32 $0x1, s12;
	s17 =	sadd.s32 $0xF, s9;
	v17 =	vmov s13;
	v15 =	vld [tilespmem:s6+$0xFFFFFF00];
	[tilespmem:s8+$0x80] =	vst v7;
	v6 =	vmul.f32 v8, v2  }
0x1ed: {  	s13 =	sadd.s32 $0x5, s12;
	v18 =	vmov s17;
	v8 =	vmov s10;
	s10 =	sadd.s32 $0xB, s9;
	s9 =	sadd.s32 $0xC, s9;
	v7 =	vld [tilespmem:s6+$0xFFFFFF10];
	[tilespmem:s8+$0x90] =	vst v10  }
0x1ee: {  	v19 =	vmov s10;
	v20 =	vmov s9;
	s9 =	sadd.s32 $0x6, s12;
	v18 =	vperm.xlane v14, v18;
	v10 =	vld [tilespmem:s6+$0xFFFFFF20];
	[tilespmem:s8+$0xA0] =	vst v9  }
0x1ef: {  	v21 =	vmov s13;
	v9 =	vperm.xlane v14, v16;
	v22 =	vmov s9;
	v16 =	vld [tilespmem:s6+$0xFFFFFF30];
	[tilespmem:s8+$0xB0] =	vst v5  }
0x1f0: {  	v8 =	vperm.xlane v14, v8;
	v23 =	vld [tilespmem:s6+$0xFFFFFF40];
	v5 =	vmul.f32 v13, v18;
	[tilespmem:s8+$0xC0] =	vst v6  }
0x1f1: {  	v17 =	vperm.xlane v14, v17;
	v19 =	vperm.xlane v14, v19;
	v13 =	vld [tilespmem:s6+$0xFFFFFF50];
	[tilespmem:s0+$0xD0] =	vst v4  }
0x1f2: {  	v20 =	vperm.xlane v14, v20;
	v6 =	vperm.xlane v14, v21;
	v24 =	vld [tilespmem:s6+$0xFFFFFF60];
	[tilespmem:s6+$0xF0] =	vst v5  }
0x1f3: {  	v4 =	vmul.f32 v15, v9;
	v5 =	vperm.xlane v14, v22;
	v15 =	vld [tilespmem:s6+$0xFFFFFF70];
	[tilespmem:s0+$0xE0] =	vst v3;
	s0 =	smov.u32 s8;
	s8 =	smov.u32 s6  }
0x1f4: {  	v3 =	vmul.f32 v7, v9;
	v7 =	vmul.f32 v10, v9;
	v10 =	vld [tilespmem:s6+$0xFFFFFF80]  }
0x1f5: {  	v9 =	vmul.f32 v16, v9;
	[tilespmem:s6+$0xFFFFFF00] =	vst v4;
	v14 =	vmul.f32 v23, v8;
	v16 =	vld [tilespmem:s6+$0xFFFFFF90]  }
0x1f6: {  	v4 =	vmul.f32 v12, v2;
	[tilespmem:s6+$0xFFFFFF10] =	vst v3;
	v13 =	vmul.f32 v13, v8;
	v21 =	vld [tilespmem:s6+$0xFFFFFFA0]  }
0x1f7: {  	v3 =	vmul.f32 v11, v2;
	v2 =	vmov v18;
	[tilespmem:s6+$0xFFFFFF20] =	vst v7;
	v7 =	vmul.f32 v24, v8;
	v12 =	vld [tilespmem:s6+$0xFFFFFFB0]  }
0x1f8: {  	[tilespmem:s6+$0xFFFFFF30] =	vst v9;
	v8 =	vmul.f32 v15, v8;
	v9 =	vld [tilespmem:s6+$0xFFFFFFC0]  }
0x1f9: {  	[tilespmem:s6+$0xFFFFFF40] =	vst v14;
	v10 =	vmul.f32 v10, v17;
	v11 =	vld [tilespmem:s6+$0xFFFFFFD0]  }
0x1fa: {  	[tilespmem:s6+$0xFFFFFF50] =	vst v13;
	v13 =	vmul.f32 v16, v17;
	v14 =	vld [tilespmem:s6+$0xFFFFFFE0]  }
0x1fb: {  	[tilespmem:s6+$0xFFFFFF60] =	vst v7;
	v7 =	vmul.f32 v21, v17;
	v15 =	vld [tilespmem:s6+$0xFFFFFFF0]  }
0x1fc: {  	[tilespmem:s6+$0xFFFFFF70] =	vst v8;
	v8 =	vmul.f32 v12, v17;
	v12 =	vld [tilespmem:s6+$0x0]  }
0x1fd: {  	[tilespmem:s6+$0xFFFFFF80] =	vst v10;
	v9 =	vmul.f32 v9, v19;
	v10 =	vld [tilespmem:s6+$0x10]  }
0x1fe: {  	[tilespmem:s6+$0xFFFFFF90] =	vst v13;
	v11 =	vmul.f32 v11, v19;
	v13 =	vld [tilespmem:s6+$0x20]  }
0x1ff: {  	[tilespmem:s6+$0xFFFFFFA0] =	vst v7;
	v7 =	vmul.f32 v14, v19;
	v14 =	vld [tilespmem:s6+$0x30]  }
0x200: {  	[tilespmem:s6+$0xFFFFFFB0] =	vst v8;
	v16 =	vmul.f32 v15, v19;
	v17 =	vld [tilespmem:s6+$0x40]  }
0x201: {  	[tilespmem:s6+$0xFFFFFFC0] =	vst v9;
	v9 =	vmul.f32 v12, v20;
	v18 =	vld [tilespmem:s6+$0x50]  }
.Ltmp4:
0x202: {  	[tilespmem:s6+$0xFFFFFFD0] =	vst v11;
	v19 =	vmul.f32 v10, v20;
	v11 =	vld [tilespmem:s6+$0x60];
	(pc) =	sbr.rel @p0 .LBB2_11-.Ltmp4, $4  }
0x203: {  	[tilespmem:s6+$0xFFFFFFE0] =	vst v7;
	v15 =	vmul.f32 v13, v20;
	v8 =	vld [tilespmem:s6+$0x70]  }
0x204: {  	[tilespmem:s6+$0xFFFFFFF0] =	vst v16;
	v14 =	vmul.f32 v14, v20;
	v7 =	vld [tilespmem:s6+$0x80]  }
0x205: {  	[tilespmem:s6+$0x0] =	vst v9;
	v12 =	vmul.f32 v17, v6;
	v10 =	vld [tilespmem:s6+$0x90]  }
0x206: {  	[tilespmem:s6+$0x10] =	vst v19;
	v13 =	vmul.f32 v18, v6;
	v9 =	vld [tilespmem:s6+$0xA0]  }
0x207: {  	[tilespmem:s6+$0x20] =	vst v15  }
0x208: {  	[tilespmem:s6+$0x30] =	vst v14  }
0x209: {  	[tilespmem:s6+$0x40] =	vst v12  }
0x20a: {  	v1 =	vmul.f32 v11, v6;
	[tilespmem:s0+$0xD0] =	vst v4  }
0x20b: {  	v6 =	vmul.f32 v8, v6;
	v8 =	vld [tilespmem:s6+$0xC0];
	[tilespmem:s6+$0x50] =	vst v13  }
0x20c: {  	v11 =	vld [tilespmem:s6+$0xB0];
	v7 =	vmul.f32 v7, v5;
	[tilespmem:s8+$0x60] =	vst v1  }
0x20d: {  	[tilespmem:s8+$0x70] =	vst v6;
	v6 =	vld [tilespmem:s6+$0xD0]  }
0x20e: {  	v1 =	vmul.f32 v10, v5;
	[tilespmem:s8+$0x80] =	vst v7;
	v7 =	vld [tilespmem:s8+$0xE0]  }
0x20f: {  	[tilespmem:s0+$0xE0] =	vst v3;
	v9 =	vmul.f32 v9, v5  }
0x210: {  	[tilespmem:s8+$0x90] =	vst v1;
	v1 =	vmul.f32 v8, v2  }
0x211: {  	v5 =	vmul.f32 v11, v5;
	[tilespmem:s8+$0xA0] =	vst v9  }
0x212: {  	[tilespmem:s8+$0xC0] =	vst v1;
	v1 =	vmul.f32 v6, v2  }
0x213: {  	[tilespmem:s8+$0xB0] =	vst v5;
	v2 =	vmul.f32 v7, v2  }
0x214: {  	[tilespmem:s8+$0xD0] =	vst v1  }
0x215: {  	s13 =	smul.u32 $0xC00, s1;
	s3 =	sshll.u32 s3, $0x7;
	[tilespmem:s8+$0xE0] =	vst v2  }
0x216: {  	[spmem:s2] =	stream.indirect.scatter.add.f32 [tilespmem:s15], [sflag:$0x4], $0x40, s14, s19, $0xb8;
	[tilespmem:$0x1E7C0] =	vst v63  }
0x217: {  	s3 =	sand.u32 $0x3FFFFF80, s3;
	_ =	swait.ge [sflag:s31], $0x2000  }
0x218: {  	s0 =	sshra.s32 s13, $0x2;
	s3 =	sadd.s32 $0x9D00, s3;
	[sflag:s31] =	ssyncset.done $0x0  }
0x219: {  	s0 =	sadd.s32 $0x580, s0;
	v1 =	vmov s3;
	[sflag:s31] =	ssyncadd.s32 $0xFFFFE000  }
0x21a: {  	[tilespmem:s23], [sflag:$0x3] =	stream.indirect.gather [hbm4b:s11+s19], $0x40, s0, s19, $0xb8;
	[tilespmem:$0x1E7C0] =	vst v63  }
0x21b: {  	_ =	swait.ge [sflag:s25], $0x2000  }
0x21c: {  	s14 =	simm.s32 $0x0;
	[sflag:s25] =	ssyncset.done $0x0  }
0x21d: {  	s4 =	sand.u32 $0x70, s14;
	[sflag:s25] =	ssyncadd.s32 $0xFFFFE000  }
0x21e: {  	s0 =	simm.s32 $0x10C80;
	v2 =	vld.idx.msk [tilespmem:v1+s4+$0x0 ss:$0x1], $0xffff  }
0x21f: {  	v4 =	vld [tilespmem:s0+$0xF0]  }
0x220: {  	v5 =	vld [tilespmem:s0+$0xFFFFFF00]  }
0x221: {  	v6 =	vld [tilespmem:s0+$0xFFFFFF10]  }
0x222: {  	s17 =	simm.s32 $0x0;
	v7 =	vld [tilespmem:s0+$0xFFFFFF20]  }
0x223: {  	s4 =	sand.u32 $0xFFFFFFF0, s17;
	v8 =	vld [tilespmem:s0+$0xFFFFFF30]  }
0x224: {  	v9 =	vld [tilespmem:s0+$0xFFFFFF40];
	s18 =	ssub.s32 $0xFFFFFFF8, s4  }
0x225: {  	v10 =	vld [tilespmem:s0+$0xFFFFFF50];
	s7 =	sadd.s32 $0xF, s18  }
0x226: {  	s3 =	sand.u32 $0x8, s14;
	v11 =	vld [tilespmem:s0+$0xFFFFFF60];
	v3 =	vmov s7  }
0x227: {  	v12 =	vmov s3;
	v13 =	vld [tilespmem:s0+$0xFFFFFF70];
	s4 =	ssub.s32 $0x0, s4;
	v3 =	vperm.xlane v2, v3  }
0x228: {  	v14 =	vld [tilespmem:s0+$0xFFFFFF80];
	s8 =	sadd.s32 $0x1, s4;
	v12 =	vperm.xlane v2, v12  }
0x229: {  	v15 =	vld [tilespmem:s0+$0xFFFFFF90];
	v17 =	vmov s8;
	v4 =	vmul.f32 v4, v3  }
0x22a: {  	v16 =	vld [tilespmem:s0+$0xFFFFFFA0];
	v17 =	vperm.xlane v2, v17;
	v5 =	vmul.f32 v5, v12  }
0x22b: {  	v7 =	vmul.f32 v7, v12;
	[tilespmem:s0+$0xF0] =	vst v4;
	v4 =	vmul.f32 v6, v12;
	v6 =	vld [tilespmem:s0+$0xFFFFFFB0]  }
0x22c: {  	v8 =	vmul.f32 v8, v12;
	[tilespmem:s0+$0xFFFFFF00] =	vst v5;
	v5 =	vld [tilespmem:s0+$0xFFFFFFC0]  }
0x22d: {  	v9 =	vmul.f32 v9, v17;
	[tilespmem:s0+$0xFFFFFF20] =	vst v7;
	v7 =	vld [tilespmem:s0+$0xFFFFFFE0]  }
0x22e: {  	s9 =	sadd.s32 $0x2, s4;
	v10 =	vmul.f32 v10, v17;
	[tilespmem:s0+$0xFFFFFF30] =	vst v8;
	v8 =	vld [tilespmem:s0+$0xFFFFFFF0]  }
0x22f: {  	v11 =	vmul.f32 v11, v17;
	v12 =	vmov s9;
	[tilespmem:s0+$0xFFFFFF40] =	vst v9;
	v9 =	vld [tilespmem:s0+$0x0]  }
0x230: {  	v13 =	vmul.f32 v13, v17;
	[tilespmem:s0+$0xFFFFFF50] =	vst v10;
	v10 =	vld [tilespmem:s0+$0x10];
	v12 =	vperm.xlane v2, v12  }
0x231: {  	[tilespmem:s0+$0xFFFFFF60] =	vst v11;
	v11 =	vld [tilespmem:s0+$0x20]  }
0x232: {  	s10 =	sadd.s32 $0xB, s18;
	[tilespmem:s0+$0xFFFFFF70] =	vst v13;
	v13 =	vld [tilespmem:s0+$0x30];
	v14 =	vmul.f32 v14, v12  }
0x233: {  	v17 =	vmov s10;
	[tilespmem:s0+$0xFFFFFF10] =	vst v4;
	v4 =	vld [tilespmem:s0+$0xFFFFFFD0];
	v15 =	vmul.f32 v15, v12  }
0x234: {  	v17 =	vperm.xlane v2, v17;
	v16 =	vmul.f32 v16, v12;
	[tilespmem:s0+$0xFFFFFF80] =	vst v14;
	v14 =	vld [tilespmem:s0+$0x40]  }
0x235: {  	v6 =	vmul.f32 v6, v12;
	[tilespmem:s0+$0xFFFFFF90] =	vst v15;
	v12 =	vld [tilespmem:s0+$0x50]  }
0x236: {  	s12 =	sadd.s32 $0xC, s18;
	v5 =	vmul.f32 v5, v17;
	[tilespmem:s0+$0xFFFFFFA0] =	vst v16;
	v15 =	vld [tilespmem:s0+$0x60]  }
0x237: {  	v16 =	vmov s12;
	v7 =	vmul.f32 v7, v17;
	[tilespmem:s0+$0xFFFFFFB0] =	vst v6;
	v6 =	vld [tilespmem:s0+$0x70]  }
0x238: {  	v8 =	vmul.f32 v8, v17;
	v16 =	vperm.xlane v2, v16;
	[tilespmem:s0+$0xFFFFFFC0] =	vst v5;
	v5 =	vld [tilespmem:s0+$0x80]  }
0x239: {  	v4 =	vmul.f32 v4, v17;
	[tilespmem:s0+$0xFFFFFFE0] =	vst v7;
	v7 =	vld [tilespmem:s0+$0xA0]  }
0x23a: {  	s13 =	sadd.s32 $0x5, s4;
	[tilespmem:s0+$0xFFFFFFF0] =	vst v8;
	v8 =	vld [tilespmem:s0+$0xB0];
	v9 =	vmul.f32 v9, v16;
	v10 =	vmul.f32 v10, v16  }
0x23b: {  	v17 =	vmov s13;
	v11 =	vmul.f32 v11, v16;
	v13 =	vmul.f32 v13, v16;
	v16 =	vld [tilespmem:s0+$0xD0];
	[tilespmem:s0+$0xFFFFFFD0] =	vst v4  }
0x23c: {  	s3 =	simm.s32 $0x8;
	v17 =	vperm.xlane v2, v17;
	v4 =	vld [tilespmem:s0+$0x90];
	[tilespmem:s0+$0x0] =	vst v9  }
0x23d: {  	s14 =	sand.u32 $0x70, s3;
	v9 =	vld [tilespmem:s0+$0xC0];
	[tilespmem:s0+$0x10] =	vst v10  }
0x23e: {  	s4 =	sadd.s32 $0x6, s4;
	v10 =	vld.idx.msk [tilespmem:v1+s14+$0x0 ss:$0x1], $0xffff;
	v14 =	vmul.f32 v14, v17;
	[tilespmem:s0+$0x20] =	vst v11  }
0x23f: {  	v11 =	vmov s4;
	v12 =	vmul.f32 v12, v17;
	[tilespmem:s0+$0x30] =	vst v13;
	v13 =	vld [tilespmem:s0+$0xE0];
	s4 =	simm.s32 $0x10E80  }
0x240: {  	s6 =	simm.s32 $0x8;
	v2 =	vperm.xlane v2, v11;
	v11 =	vmul.f32 v15, v17;
	v15 =	vld [tilespmem:s4+$0xFFFFFF30];
	[tilespmem:s0+$0x40] =	vst v14  }
0x241: {  	s17 =	sand.u32 $0xFFFFFFF0, s6;
	v18 =	vld [tilespmem:s4+$0x10];
	v6 =	vmul.f32 v6, v17;
	[tilespmem:s0+$0x50] =	vst v12  }
0x242: {  	s18 =	ssub.s32 $0x0, s17;
	v14 =	vld [tilespmem:s4+$0xF0];
	v5 =	vmul.f32 v5, v2;
	[tilespmem:s0+$0x60] =	vst v11  }
0x243: {  	s9 =	sadd.s32 $0xF, s18;
	v12 =	vld [tilespmem:s4+$0xFFFFFF00];
	v7 =	vmul.f32 v7, v2;
	[tilespmem:s0+$0x70] =	vst v6  }
0x244: {  	s10 =	sand.u32 $0x8, s3;
	v8 =	vmul.f32 v8, v2;
	v6 =	vld [tilespmem:s4+$0xFFFFFF20];
	[tilespmem:s0+$0x80] =	vst v5;
	v5 =	vmov s9  }
0x245: {  	v17 =	vmov s10;
	v11 =	vld [tilespmem:s4+$0xFFFFFF10];
	v4 =	vmul.f32 v4, v2;
	[tilespmem:s0+$0xA0] =	vst v7;
	v2 =	vperm.xlane v10, v5  }
0x246: {  	v19 =	vld [tilespmem:s4+$0x30];
	v7 =	vperm.xlane v10, v17;
	[tilespmem:s0+$0xB0] =	vst v8;
	v5 =	vmul.f32 v9, v3  }
0x247: {  	s8 =	ssub.s32 $0x8, s17;
	[tilespmem:s0+$0x90] =	vst v4;
	v4 =	vld [tilespmem:s4+$0xFFFFFF40];
	v8 =	vmul.f32 v14, v2  }
0x248: {  	s12 =	sadd.s32 $0x1, s8;
	v9 =	vld [tilespmem:s4+$0xFFFFFF50];
	[tilespmem:s0+$0xC0] =	vst v5;
	v5 =	vmul.f32 v12, v7  }
0x249: {  	v17 =	vmov s12;
	v14 =	vld [tilespmem:s4+$0xFFFFFF60];
	v6 =	vmul.f32 v6, v7;
	[tilespmem:s4+$0xF0] =	vst v8  }
0x24a: {  	v17 =	vperm.xlane v10, v17;
	v12 =	vld [tilespmem:s4+$0xFFFFFF70];
	v8 =	vmul.f32 v11, v7;
	[tilespmem:s4+$0xFFFFFF00] =	vst v5  }
0x24b: {  	v11 =	vld [tilespmem:s4+$0xFFFFFF80];
	v7 =	vmul.f32 v15, v7;
	[tilespmem:s4+$0xFFFFFF20] =	vst v6  }
0x24c: {  	s13 =	sadd.s32 $0x2, s8;
	v5 =	vld [tilespmem:s4+$0xFFFFFF90];
	v4 =	vmul.f32 v4, v17;
	[tilespmem:s4+$0xFFFFFF10] =	vst v8  }
0x24d: {  	v15 =	vmov s13;
	v6 =	vld [tilespmem:s4+$0xFFFFFFB0];
	v9 =	vmul.f32 v9, v17;
	[tilespmem:s4+$0xFFFFFF30] =	vst v7  }
0x24e: {  	v15 =	vperm.xlane v10, v15;
	v8 =	vld [tilespmem:s4+$0xFFFFFFA0];
	v14 =	vmul.f32 v14, v17;
	[tilespmem:s4+$0xFFFFFF40] =	vst v4  }
0x24f: {  	v7 =	vld [tilespmem:s4+$0xFFFFFFC0];
	v12 =	vmul.f32 v12, v17;
	[tilespmem:s4+$0xFFFFFF50] =	vst v9  }
0x250: {  	s14 =	sadd.s32 $0xB, s18;
	v4 =	vld [tilespmem:s4+$0xFFFFFFD0];
	v11 =	vmul.f32 v11, v15;
	[tilespmem:s4+$0xFFFFFF60] =	vst v14  }
0x251: {  	v9 =	vld [tilespmem:s4+$0xFFFFFFE0];
	v17 =	vmov s14;
	v5 =	vmul.f32 v5, v15;
	[tilespmem:s4+$0xFFFFFF70] =	vst v12  }
0x252: {  	v17 =	vperm.xlane v10, v17;
	v14 =	vld [tilespmem:s4+$0xFFFFFFF0];
	v6 =	vmul.f32 v6, v15;
	[tilespmem:s4+$0xFFFFFF80] =	vst v11  }
0x253: {  	s7 =	sadd.s32 $0xC, s18;
	v12 =	vld [tilespmem:s4+$0x0];
	v8 =	vmul.f32 v8, v15;
	[tilespmem:s4+$0xFFFFFF90] =	vst v5  }
0x254: {  	s17 =	sadd.s32 $0x5, s8;
	v21 =	vld [tilespmem:s4+$0x40];
	v5 =	vmov s7;
	v7 =	vmul.f32 v7, v17;
	[tilespmem:s4+$0xFFFFFFB0] =	vst v6  }
0x255: {  	s18 =	sadd.s32 $0x6, s8;
	v15 =	vld [tilespmem:s4+$0x20];
	v20 =	vperm.xlane v10, v5;
	v4 =	vmul.f32 v4, v17;
	[tilespmem:s4+$0xFFFFFFA0] =	vst v8;
	v8 =	vmov s17  }
0x256: {  	v5 =	vmov s18;
	[tilespmem:s4+$0xFFFFFFC0] =	vst v7;
	v6 =	vperm.xlane v10, v8;
	v8 =	vmul.f32 v9, v17;
	v9 =	vld [tilespmem:s4+$0x50]  }
0x257: {  	v11 =	vld [tilespmem:s4+$0x60];
	v5 =	vperm.xlane v10, v5;
	v7 =	vmul.f32 v14, v17;
	[tilespmem:s4+$0xFFFFFFD0] =	vst v4  }
0x258: {  	v4 =	vmul.f32 v16, v3;
	v10 =	vmul.f32 v12, v20;
	[tilespmem:s4+$0xFFFFFFE0] =	vst v8;
	v8 =	vld [tilespmem:s4+$0x70]  }
0x259: {  	v3 =	vmul.f32 v13, v3;
	v13 =	vmul.f32 v18, v20;
	[tilespmem:s4+$0xFFFFFFF0] =	vst v7;
	v7 =	vld [tilespmem:s4+$0x80]  }
0x25a: {  	v14 =	vmul.f32 v19, v20;
	v15 =	vmul.f32 v15, v20;
	[tilespmem:s4+$0x0] =	vst v10;
	v10 =	vld [tilespmem:s4+$0x90]  }
0x25b: {  	s7 =	simm.s32 $0x10E80;
	v12 =	vmul.f32 v21, v6;
	[tilespmem:s4+$0x10] =	vst v13;
	v13 =	vmul.f32 v9, v6;
	v9 =	vld [tilespmem:s4+$0xA0]  }
.LBB2_13:
0x25c: {  	[tilespmem:s4+$0x20] =	vst v15;
	v11 =	vmul.f32 v11, v6;
	v15 =	vld [tilespmem:s4+$0xB0];
	s8 =	smov.u32 s3;
	s3 =	sadd.s32 $0x8, s3  }
0x25d: {  	s9 =	sand.u32 $0x70, s3;
	s10 =	sand.u32 $0x8, s3;
	p0 =	slt.u32 s3, $0x78;
	[tilespmem:s4+$0x30] =	vst v14;
	v6 =	vmul.f32 v8, v6;
	v8 =	vld [tilespmem:s4+$0xC0]  }
0x25e: {  	s6 =	sadd.s32 $0x8, s6;
	v14 =	vld.idx.msk [tilespmem:v1+s9+$0x0 ss:$0x1], $0xffff;
	v16 =	vmov s10;
	[tilespmem:s4+$0x40] =	vst v12;
	v7 =	vmul.f32 v7, v5  }
0x25f: {  	s9 =	sand.u32 $0xFFFFFFF0, s6;
	[tilespmem:s4+$0x50] =	vst v13;
	v10 =	vmul.f32 v10, v5;
	v12 =	vld [tilespmem:s4+$0xD0]  }
0x260: {  	s4 =	sadd.s32 $0x200, s4;
	s10 =	ssub.s32 s3, s9;
	[tilespmem:s7+$0x60] =	vst v11;
	v9 =	vmul.f32 v9, v5;
	v11 =	vld [tilespmem:s7+$0xE0]  }
0x261: {  	s8 =	ssub.s32 s8, s9;
	s12 =	sadd.s32 $0x2, s10;
	v13 =	vld [tilespmem:s4+$0xF0];
	[tilespmem:s7+$0x70] =	vst v6;
	v5 =	vmul.f32 v15, v5  }
0x262: {  	s9 =	sadd.s32 $0x1, s10;
	s13 =	sadd.s32 $0xF, s8;
	v17 =	vmov s12;
	v15 =	vld [tilespmem:s4+$0xFFFFFF00];
	[tilespmem:s7+$0x80] =	vst v7;
	v6 =	vmul.f32 v8, v2  }
0x263: {  	s12 =	sadd.s32 $0x5, s10;
	v18 =	vmov s13;
	v8 =	vmov s9;
	s9 =	sadd.s32 $0xB, s8;
	s8 =	sadd.s32 $0xC, s8;
	v7 =	vld [tilespmem:s4+$0xFFFFFF10];
	[tilespmem:s7+$0x90] =	vst v10  }
0x264: {  	v19 =	vmov s9;
	v20 =	vmov s8;
	s8 =	sadd.s32 $0x6, s10;
	v18 =	vperm.xlane v14, v18;
	v10 =	vld [tilespmem:s4+$0xFFFFFF20];
	[tilespmem:s7+$0xA0] =	vst v9  }
0x265: {  	v21 =	vmov s12;
	v9 =	vperm.xlane v14, v16;
	v22 =	vmov s8;
	v16 =	vld [tilespmem:s4+$0xFFFFFF30];
	[tilespmem:s7+$0xB0] =	vst v5  }
0x266: {  	v8 =	vperm.xlane v14, v8;
	v23 =	vld [tilespmem:s4+$0xFFFFFF40];
	v5 =	vmul.f32 v13, v18;
	[tilespmem:s7+$0xC0] =	vst v6  }
0x267: {  	v17 =	vperm.xlane v14, v17;
	v19 =	vperm.xlane v14, v19;
	v13 =	vld [tilespmem:s4+$0xFFFFFF50];
	[tilespmem:s0+$0xD0] =	vst v4  }
0x268: {  	v20 =	vperm.xlane v14, v20;
	v6 =	vperm.xlane v14, v21;
	v24 =	vld [tilespmem:s4+$0xFFFFFF60];
	[tilespmem:s4+$0xF0] =	vst v5  }
0x269: {  	v4 =	vmul.f32 v15, v9;
	v5 =	vperm.xlane v14, v22;
	v15 =	vld [tilespmem:s4+$0xFFFFFF70];
	[tilespmem:s0+$0xE0] =	vst v3;
	s0 =	smov.u32 s7;
	s7 =	smov.u32 s4  }
0x26a: {  	v3 =	vmul.f32 v7, v9;
	v7 =	vmul.f32 v10, v9;
	v10 =	vld [tilespmem:s4+$0xFFFFFF80]  }
0x26b: {  	v9 =	vmul.f32 v16, v9;
	[tilespmem:s4+$0xFFFFFF00] =	vst v4;
	v14 =	vmul.f32 v23, v8;
	v16 =	vld [tilespmem:s4+$0xFFFFFF90]  }
0x26c: {  	v4 =	vmul.f32 v12, v2;
	[tilespmem:s4+$0xFFFFFF10] =	vst v3;
	v13 =	vmul.f32 v13, v8;
	v21 =	vld [tilespmem:s4+$0xFFFFFFA0]  }
0x26d: {  	v3 =	vmul.f32 v11, v2;
	v2 =	vmov v18;
	[tilespmem:s4+$0xFFFFFF20] =	vst v7;
	v7 =	vmul.f32 v24, v8;
	v12 =	vld [tilespmem:s4+$0xFFFFFFB0]  }
0x26e: {  	[tilespmem:s4+$0xFFFFFF30] =	vst v9;
	v8 =	vmul.f32 v15, v8;
	v9 =	vld [tilespmem:s4+$0xFFFFFFC0]  }
0x26f: {  	[tilespmem:s4+$0xFFFFFF40] =	vst v14;
	v10 =	vmul.f32 v10, v17;
	v11 =	vld [tilespmem:s4+$0xFFFFFFD0]  }
0x270: {  	[tilespmem:s4+$0xFFFFFF50] =	vst v13;
	v13 =	vmul.f32 v16, v17;
	v14 =	vld [tilespmem:s4+$0xFFFFFFE0]  }
0x271: {  	[tilespmem:s4+$0xFFFFFF60] =	vst v7;
	v7 =	vmul.f32 v21, v17;
	v15 =	vld [tilespmem:s4+$0xFFFFFFF0]  }
0x272: {  	[tilespmem:s4+$0xFFFFFF70] =	vst v8;
	v8 =	vmul.f32 v12, v17;
	v12 =	vld [tilespmem:s4+$0x0]  }
0x273: {  	[tilespmem:s4+$0xFFFFFF80] =	vst v10;
	v9 =	vmul.f32 v9, v19;
	v10 =	vld [tilespmem:s4+$0x10]  }
0x274: {  	[tilespmem:s4+$0xFFFFFF90] =	vst v13;
	v11 =	vmul.f32 v11, v19;
	v13 =	vld [tilespmem:s4+$0x20]  }
0x275: {  	[tilespmem:s4+$0xFFFFFFA0] =	vst v7;
	v7 =	vmul.f32 v14, v19;
	v14 =	vld [tilespmem:s4+$0x30]  }
0x276: {  	[tilespmem:s4+$0xFFFFFFB0] =	vst v8;
	v16 =	vmul.f32 v15, v19;
	v17 =	vld [tilespmem:s4+$0x40]  }
0x277: {  	[tilespmem:s4+$0xFFFFFFC0] =	vst v9;
	v9 =	vmul.f32 v12, v20;
	v18 =	vld [tilespmem:s4+$0x50]  }
.Ltmp5:
0x278: {  	[tilespmem:s4+$0xFFFFFFD0] =	vst v11;
	v19 =	vmul.f32 v10, v20;
	v11 =	vld [tilespmem:s4+$0x60];
	(pc) =	sbr.rel @p0 .LBB2_13-.Ltmp5, $4  }
0x279: {  	[tilespmem:s4+$0xFFFFFFE0] =	vst v7;
	v15 =	vmul.f32 v13, v20;
	v8 =	vld [tilespmem:s4+$0x70]  }
0x27a: {  	[tilespmem:s4+$0xFFFFFFF0] =	vst v16;
	v14 =	vmul.f32 v14, v20;
	v7 =	vld [tilespmem:s4+$0x80]  }
0x27b: {  	[tilespmem:s4+$0x0] =	vst v9;
	v12 =	vmul.f32 v17, v6;
	v10 =	vld [tilespmem:s4+$0x90]  }
0x27c: {  	[tilespmem:s4+$0x10] =	vst v19;
	v13 =	vmul.f32 v18, v6;
	v9 =	vld [tilespmem:s4+$0xA0]  }
0x27d: {  	[tilespmem:s4+$0x20] =	vst v15  }
0x27e: {  	[tilespmem:s4+$0x30] =	vst v14  }
0x27f: {  	[tilespmem:s4+$0x40] =	vst v12  }
0x280: {  	[tilespmem:s0+$0xD0] =	vst v4  }
0x281: {  	v1 =	vmul.f32 v11, v6;
	v60 =	vld [tilespmem:s4+$0xC0];
	[tilespmem:s0+$0xE0] =	vst v3  }
0x282: {  	v58 =	vld [tilespmem:s4+$0xB0];
	v59 =	vmul.f32 v8, v6;
	[tilespmem:s4+$0x50] =	vst v13  }
0x283: {  	v61 =	vld [tilespmem:s4+$0xD0];
	v7 =	vmul.f32 v7, v5;
	[tilespmem:s7+$0x60] =	vst v1  }
0x284: {  	v62 =	vld [tilespmem:s7+$0xE0];
	v1 =	vmul.f32 v10, v5;
	[tilespmem:s7+$0x70] =	vst v59  }
0x285: {  	v9 =	vmul.f32 v9, v5;
	[tilespmem:s7+$0x80] =	vst v7  }
0x286: {  	s1 =	sadd.s32 $0x1, s1;
	[tilespmem:s7+$0x90] =	vst v1;
	v1 =	vmul.f32 v60, v2  }
0x287: {  	p0 =	sne.s32 s1, $0x33;
	v63 =	vmul.f32 v58, v5;
	[tilespmem:s7+$0xA0] =	vst v9  }
.Ltmp6:
0x288: {  	[tilespmem:s7+$0xC0] =	vst v1;
	v1 =	vmul.f32 v61, v2;
	(pc) =	sbr.rel @p0 .LBB2_8-.Ltmp6, $4  }
0x289: {  	[tilespmem:s7+$0xB0] =	vst v63;
	v2 =	vmul.f32 v62, v2  }
0x28a: {  	[tilespmem:s7+$0xD0] =	vst v1  }
0x28b: {  	[tilespmem:s7+$0xE0] =	vst v2  }
0x28c: {  	[spmem:s2] =	stream.indirect.scatter.add.f32 [tilespmem:s21], [sflag:$0x5], $0x40, s20, s19, $0xb8;
	[tilespmem:$0x1E7C0] =	vst v63  }
0x28d: {  	_ =	swait.ge [sflag:s28], $0x2000  }
0x28e: {  	[sflag:s28] =	ssyncset.done $0x0  }
0x28f: {  	s0 =	simm.s32 $0x9C80;
	[sflag:s28] =	ssyncadd.s32 $0xFFFFE000  }
0x290: {  	[tilespmem:s15], [sflag:$0x1] =	stream.indirect.gather [hbm4b:s11+s19], $0x40, s0, s19, $0xb8;
	[tilespmem:$0x1E7C0] =	vst v63  }
0x291: {  	_ =	swait.ge [sflag:s29], $0x2000  }
0x292: {  	s1 =	simm.s32 $0x0;
	[sflag:s29] =	ssyncset.done $0x0  }
0x293: {  	s3 =	sand.u32 $0x70, s1;
	[sflag:s29] =	ssyncadd.s32 $0xFFFFE000  }
0x294: {  	s0 =	simm.s32 $0x12C80;
	v1 =	vld [tilespmem:s3+$0xEA80]  }
0x295: {  	v3 =	vld [tilespmem:s0+$0xF0]  }
0x296: {  	v4 =	vld [tilespmem:s0+$0xFFFFFF00]  }
0x297: {  	v5 =	vld [tilespmem:s0+$0xFFFFFF10]  }
0x298: {  	s18 =	simm.s32 $0x0;
	v6 =	vld [tilespmem:s0+$0xFFFFFF20]  }
0x299: {  	s3 =	sand.u32 $0xFFFFFFF0, s18;
	v7 =	vld [tilespmem:s0+$0xFFFFFF30]  }
0x29a: {  	v8 =	vld [tilespmem:s0+$0xFFFFFF40];
	s4 =	ssub.s32 $0xFFFFFFF8, s3  }
0x29b: {  	v9 =	vld [tilespmem:s0+$0xFFFFFF50];
	s6 =	sadd.s32 $0xF, s4  }
0x29c: {  	s1 =	sand.u32 $0x8, s1;
	v10 =	vld [tilespmem:s0+$0xFFFFFF60];
	v2 =	vmov s6  }
0x29d: {  	v11 =	vmov s1;
	v12 =	vld [tilespmem:s0+$0xFFFFFF70];
	s3 =	ssub.s32 $0x0, s3;
	v2 =	vperm.xlane v1, v2  }
0x29e: {  	v13 =	vld [tilespmem:s0+$0xFFFFFF80];
	s20 =	sadd.s32 $0x1, s3;
	v11 =	vperm.xlane v1, v11  }
0x29f: {  	v14 =	vld [tilespmem:s0+$0xFFFFFF90];
	v16 =	vmov s20;
	v3 =	vmul.f32 v3, v2  }
0x2a0: {  	v15 =	vld [tilespmem:s0+$0xFFFFFFA0];
	v16 =	vperm.xlane v1, v16;
	v4 =	vmul.f32 v4, v11  }
0x2a1: {  	v6 =	vmul.f32 v6, v11;
	[tilespmem:s0+$0xF0] =	vst v3;
	v3 =	vmul.f32 v5, v11;
	v5 =	vld [tilespmem:s0+$0xFFFFFFB0]  }
0x2a2: {  	v7 =	vmul.f32 v7, v11;
	[tilespmem:s0+$0xFFFFFF00] =	vst v4;
	v4 =	vld [tilespmem:s0+$0xFFFFFFC0]  }
0x2a3: {  	v8 =	vmul.f32 v8, v16;
	[tilespmem:s0+$0xFFFFFF20] =	vst v6;
	v6 =	vld [tilespmem:s0+$0xFFFFFFE0]  }
0x2a4: {  	s6 =	sadd.s32 $0x2, s3;
	v9 =	vmul.f32 v9, v16;
	[tilespmem:s0+$0xFFFFFF30] =	vst v7;
	v7 =	vld [tilespmem:s0+$0xFFFFFFF0]  }
0x2a5: {  	v10 =	vmul.f32 v10, v16;
	v11 =	vmov s6;
	[tilespmem:s0+$0xFFFFFF40] =	vst v8;
	v8 =	vld [tilespmem:s0+$0x0]  }
0x2a6: {  	v12 =	vmul.f32 v12, v16;
	[tilespmem:s0+$0xFFFFFF50] =	vst v9;
	v9 =	vld [tilespmem:s0+$0x10];
	v11 =	vperm.xlane v1, v11  }
0x2a7: {  	[tilespmem:s0+$0xFFFFFF60] =	vst v10;
	v10 =	vld [tilespmem:s0+$0x20]  }
0x2a8: {  	s7 =	sadd.s32 $0xB, s4;
	[tilespmem:s0+$0xFFFFFF70] =	vst v12;
	v12 =	vld [tilespmem:s0+$0x30];
	v13 =	vmul.f32 v13, v11  }
0x2a9: {  	v58 =	vmov s7;
	[tilespmem:s0+$0xFFFFFF10] =	vst v3;
	v3 =	vld [tilespmem:s0+$0xFFFFFFD0];
	v14 =	vmul.f32 v14, v11  }
0x2aa: {  	v16 =	vperm.xlane v1, v58;
	v15 =	vmul.f32 v15, v11;
	[tilespmem:s0+$0xFFFFFF80] =	vst v13;
	v13 =	vld [tilespmem:s0+$0x40]  }
0x2ab: {  	v5 =	vmul.f32 v5, v11;
	[tilespmem:s0+$0xFFFFFF90] =	vst v14;
	v11 =	vld [tilespmem:s0+$0x50]  }
0x2ac: {  	s8 =	sadd.s32 $0xC, s4;
	v4 =	vmul.f32 v4, v16;
	[tilespmem:s0+$0xFFFFFFA0] =	vst v15;
	v14 =	vld [tilespmem:s0+$0x60]  }
0x2ad: {  	v15 =	vmov s8;
	v6 =	vmul.f32 v6, v16;
	[tilespmem:s0+$0xFFFFFFB0] =	vst v5;
	v5 =	vld [tilespmem:s0+$0x70]  }
0x2ae: {  	v7 =	vmul.f32 v7, v16;
	v15 =	vperm.xlane v1, v15;
	[tilespmem:s0+$0xFFFFFFC0] =	vst v4;
	v4 =	vld [tilespmem:s0+$0x80]  }
0x2af: {  	s9 =	sadd.s32 $0x5, s3;
	v3 =	vmul.f32 v3, v16;
	[tilespmem:s0+$0xFFFFFFE0] =	vst v6;
	v6 =	vld [tilespmem:s0+$0xA0]  }
0x2b0: {  	v59 =	vmov s9;
	s3 =	sadd.s32 $0x6, s3;
	[tilespmem:s0+$0xFFFFFFF0] =	vst v7;
	v7 =	vld [tilespmem:s0+$0xB0];
	v8 =	vmul.f32 v8, v15;
	v9 =	vmul.f32 v9, v15  }
0x2b1: {  	v10 =	vmul.f32 v10, v15;
	v12 =	vmul.f32 v12, v15;
	v15 =	vmov s3;
	s3 =	simm.s32 $0x12E80;
	[tilespmem:s0+$0xFFFFFFD0] =	vst v3;
	v3 =	vld [tilespmem:s0+$0x90]  }
0x2b2: {  	v16 =	vperm.xlane v1, v59;
	v1 =	vperm.xlane v1, v15;
	v15 =	vld [tilespmem:s3+$0xFFFFFF30];
	[tilespmem:s0+$0x0] =	vst v8  }
0x2b3: {  	v17 =	vld [tilespmem:s3+$0x40];
	[tilespmem:s0+$0x10] =	vst v9  }
0x2b4: {  	s1 =	simm.s32 $0x8;
	v19 =	vld [tilespmem:s3+$0x50];
	v13 =	vmul.f32 v13, v16;
	[tilespmem:s0+$0x20] =	vst v10  }
0x2b5: {  	s10 =	sand.u32 $0x70, s1;
	v8 =	vld [tilespmem:s0+$0xC0];
	v11 =	vmul.f32 v11, v16;
	[tilespmem:s0+$0x30] =	vst v12  }
0x2b6: {  	s4 =	simm.s32 $0x8;
	v10 =	vld [tilespmem:s10+$0xEA80];
	v14 =	vmul.f32 v14, v16;
	[tilespmem:s0+$0x40] =	vst v13  }
0x2b7: {  	s7 =	sand.u32 $0xFFFFFFF0, s4;
	v9 =	vld [tilespmem:s0+$0xD0];
	v5 =	vmul.f32 v5, v16;
	[tilespmem:s0+$0x50] =	vst v11  }
0x2b8: {  	s12 =	ssub.s32 $0x0, s7;
	v13 =	vld [tilespmem:s3+$0xF0];
	v4 =	vmul.f32 v4, v1;
	[tilespmem:s0+$0x60] =	vst v14  }
0x2b9: {  	s8 =	sadd.s32 $0xF, s12;
	v11 =	vld [tilespmem:s3+$0xFFFFFF00];
	v6 =	vmul.f32 v6, v1;
	[tilespmem:s0+$0x70] =	vst v5  }
0x2ba: {  	s9 =	sand.u32 $0x8, s1;
	v14 =	vld [tilespmem:s3+$0xFFFFFF10];
	v7 =	vmul.f32 v7, v1;
	[tilespmem:s0+$0x80] =	vst v4;
	v4 =	vmov s8  }
0x2bb: {  	v60 =	vmov s9;
	v3 =	vmul.f32 v3, v1;
	v5 =	vld [tilespmem:s3+$0xFFFFFF20];
	[tilespmem:s0+$0xA0] =	vst v6;
	v1 =	vperm.xlane v10, v4  }
0x2bc: {  	v12 =	vld [tilespmem:s0+$0xE0];
	[tilespmem:s0+$0xB0] =	vst v7;
	v4 =	vmul.f32 v8, v2;
	v6 =	vperm.xlane v10, v60  }
0x2bd: {  	s7 =	ssub.s32 $0x8, s7;
	v8 =	vld [tilespmem:s3+$0xFFFFFF50];
	[tilespmem:s0+$0x90] =	vst v3;
	v7 =	vmul.f32 v13, v1  }
0x2be: {  	s13 =	sadd.s32 $0x1, s7;
	v3 =	vld [tilespmem:s3+$0xFFFFFF40];
	[tilespmem:s0+$0xC0] =	vst v4;
	v4 =	vmul.f32 v11, v6  }
0x2bf: {  	v61 =	vmov s13;
	v13 =	vld [tilespmem:s3+$0xFFFFFF60];
	[tilespmem:s3+$0xF0] =	vst v7;
	v7 =	vmul.f32 v14, v6  }
0x2c0: {  	v16 =	vperm.xlane v10, v61;
	v11 =	vld [tilespmem:s3+$0xFFFFFF70];
	v5 =	vmul.f32 v5, v6;
	[tilespmem:s3+$0xFFFFFF00] =	vst v4  }
0x2c1: {  	v14 =	vld [tilespmem:s3+$0xFFFFFF80];
	v6 =	vmul.f32 v15, v6;
	[tilespmem:s3+$0xFFFFFF10] =	vst v7  }
0x2c2: {  	s14 =	sadd.s32 $0x2, s7;
	v4 =	vld [tilespmem:s3+$0xFFFFFF90];
	v8 =	vmul.f32 v8, v16;
	[tilespmem:s3+$0xFFFFFF20] =	vst v5  }
0x2c3: {  	v15 =	vmov s14;
	v7 =	vld [tilespmem:s3+$0xFFFFFFA0];
	v3 =	vmul.f32 v3, v16;
	[tilespmem:s3+$0xFFFFFF30] =	vst v6  }
0x2c4: {  	v15 =	vperm.xlane v10, v15;
	v5 =	vld [tilespmem:s3+$0xFFFFFFB0];
	v13 =	vmul.f32 v13, v16;
	[tilespmem:s3+$0xFFFFFF50] =	vst v8  }
0x2c5: {  	v6 =	vld [tilespmem:s3+$0xFFFFFFC0];
	v11 =	vmul.f32 v11, v16;
	[tilespmem:s3+$0xFFFFFF40] =	vst v3  }
0x2c6: {  	s17 =	sadd.s32 $0xB, s12;
	v3 =	vld [tilespmem:s3+$0xFFFFFFD0];
	v14 =	vmul.f32 v14, v15;
	[tilespmem:s3+$0xFFFFFF60] =	vst v13  }
0x2c7: {  	v62 =	vmov s17;
	v8 =	vld [tilespmem:s3+$0xFFFFFFE0];
	v4 =	vmul.f32 v4, v15;
	[tilespmem:s3+$0xFFFFFF70] =	vst v11  }
0x2c8: {  	v16 =	vperm.xlane v10, v62;
	v13 =	vld [tilespmem:s3+$0xFFFFFFF0];
	v7 =	vmul.f32 v7, v15;
	[tilespmem:s3+$0xFFFFFF80] =	vst v14  }
0x2c9: {  	v11 =	vld [tilespmem:s3+$0x0];
	v5 =	vmul.f32 v5, v15;
	[tilespmem:s3+$0xFFFFFF90] =	vst v4  }
0x2ca: {  	s6 =	sadd.s32 $0xC, s12;
	v14 =	vld [tilespmem:s3+$0x10];
	v4 =	vmul.f32 v6, v16;
	[tilespmem:s3+$0xFFFFFFA0] =	vst v7  }
0x2cb: {  	s18 =	sadd.s32 $0x5, s7;
	v15 =	vld [tilespmem:s3+$0x20];
	v7 =	vmov s6;
	v3 =	vmul.f32 v3, v16;
	[tilespmem:s3+$0xFFFFFFB0] =	vst v5  }
0x2cc: {  	s20 =	sadd.s32 $0x6, s7;
	v6 =	vld [tilespmem:s3+$0x30];
	v5 =	vmov s18;
	[tilespmem:s3+$0xFFFFFFC0] =	vst v4;
	v18 =	vperm.xlane v10, v7;
	v7 =	vmul.f32 v8, v16  }
0x2cd: {  	v63 =	vld [tilespmem:s3+$0x60];
	v4 =	vmov s20;
	v5 =	vperm.xlane v10, v5;
	v8 =	vmul.f32 v13, v16;
	[tilespmem:s3+$0xFFFFFFD0] =	vst v3  }
0x2ce: {  	v4 =	vperm.xlane v10, v4;
	v10 =	vld [tilespmem:s3+$0x70];
	v11 =	vmul.f32 v11, v18;
	[tilespmem:s3+$0xFFFFFFE0] =	vst v7  }
0x2cf: {  	v3 =	vmul.f32 v9, v2;
	v9 =	vmul.f32 v14, v18;
	[tilespmem:s3+$0xFFFFFFF0] =	vst v8;
	v7 =	vld [tilespmem:s3+$0x80]  }
0x2d0: {  	v2 =	vmul.f32 v12, v2;
	v15 =	vmul.f32 v15, v18;
	v8 =	vld [tilespmem:s3+$0x90];
	[tilespmem:s3+$0x0] =	vst v11  }
0x2d1: {  	v14 =	vmul.f32 v6, v18;
	v13 =	vmul.f32 v17, v5;
	[tilespmem:s3+$0x10] =	vst v9;
	v9 =	vld [tilespmem:s3+$0xA0]  }
0x2d2: {  	s6 =	simm.s32 $0x12E80;
	v12 =	vmul.f32 v19, v5;
	v6 =	vld [tilespmem:s3+$0xB0];
	[tilespmem:s3+$0x20] =	vst v15;
	v11 =	vmul.f32 v63, v5  }
.LBB2_16:
0x2d3: {  	[tilespmem:s3+$0x30] =	vst v14;
	v5 =	vmul.f32 v10, v5;
	v10 =	vld [tilespmem:s3+$0xC0];
	s7 =	smov.u32 s1;
	s1 =	sadd.s32 $0x8, s1;
	s4 =	sadd.s32 $0x8, s4  }
0x2d4: {  	s8 =	sand.u32 $0x70, s1;
	s9 =	sand.u32 $0x8, s1;
	p0 =	slt.u32 s1, $0x78;
	[tilespmem:s3+$0x40] =	vst v13;
	v7 =	vmul.f32 v7, v4;
	v13 =	vld [tilespmem:s3+$0xD0]  }
0x2d5: {  	v14 =	vld [tilespmem:s8+$0xEA80];
	v15 =	vmov s9;
	[tilespmem:s3+$0x50] =	vst v12;
	v8 =	vmul.f32 v8, v4;
	s8 =	sand.u32 $0xFFFFFFF0, s4  }
0x2d6: {  	s3 =	sadd.s32 $0x200, s3;
	[tilespmem:s6+$0x60] =	vst v11;
	v9 =	vmul.f32 v9, v4;
	v11 =	vld [tilespmem:s6+$0xE0];
	s9 =	ssub.s32 s1, s8  }
0x2d7: {  	s7 =	ssub.s32 s7, s8;
	v12 =	vld [tilespmem:s3+$0xF0];
	[tilespmem:s6+$0x70] =	vst v5;
	v4 =	vmul.f32 v6, v4;
	s8 =	sadd.s32 $0x1, s9  }
0x2d8: {  	s10 =	sadd.s32 $0x2, s9;
	s12 =	sadd.s32 $0xF, s7;
	v6 =	vld [tilespmem:s3+$0xFFFFFF00];
	[tilespmem:s6+$0x80] =	vst v7;
	v5 =	vmul.f32 v10, v1;
	v10 =	vmov s8  }
0x2d9: {  	v16 =	vmov s10;
	s8 =	sadd.s32 $0xB, s7;
	s7 =	sadd.s32 $0xC, s7;
	s10 =	sadd.s32 $0x5, s9;
	v17 =	vmov s12;
	v7 =	vld [tilespmem:s3+$0xFFFFFF10];
	[tilespmem:s6+$0x90] =	vst v8  }
0x2da: {  	v18 =	vmov s8;
	v19 =	vmov s7;
	s7 =	sadd.s32 $0x6, s9;
	v8 =	vld [tilespmem:s3+$0xFFFFFF20];
	v17 =	vperm.xlane v14, v17;
	[tilespmem:s6+$0xA0] =	vst v9  }
0x2db: {  	v20 =	vmov s10;
	v9 =	vperm.xlane v14, v15;
	v21 =	vmov s7;
	v15 =	vld [tilespmem:s3+$0xFFFFFF30];
	[tilespmem:s6+$0xB0] =	vst v4  }
0x2dc: {  	v10 =	vperm.xlane v14, v10;
	v22 =	vld [tilespmem:s3+$0xFFFFFF40];
	v4 =	vmul.f32 v12, v17;
	[tilespmem:s6+$0xC0] =	vst v5  }
0x2dd: {  	v16 =	vperm.xlane v14, v16;
	v18 =	vperm.xlane v14, v18;
	v12 =	vld [tilespmem:s3+$0xFFFFFF50];
	[tilespmem:s0+$0xD0] =	vst v3  }
0x2de: {  	v19 =	vperm.xlane v14, v19;
	v5 =	vperm.xlane v14, v20;
	v23 =	vld [tilespmem:s3+$0xFFFFFF60];
	[tilespmem:s3+$0xF0] =	vst v4  }
0x2df: {  	v3 =	vmul.f32 v6, v9;
	v4 =	vperm.xlane v14, v21;
	v6 =	vld [tilespmem:s3+$0xFFFFFF70];
	[tilespmem:s0+$0xE0] =	vst v2;
	s0 =	smov.u32 s6;
	s6 =	smov.u32 s3  }
0x2e0: {  	v2 =	vmul.f32 v7, v9;
	v7 =	vmul.f32 v8, v9;
	v8 =	vld [tilespmem:s3+$0xFFFFFF80]  }
0x2e1: {  	v9 =	vmul.f32 v15, v9;
	[tilespmem:s3+$0xFFFFFF00] =	vst v3;
	v14 =	vmul.f32 v22, v10;
	v15 =	vld [tilespmem:s3+$0xFFFFFF90]  }
0x2e2: {  	v3 =	vmul.f32 v13, v1;
	[tilespmem:s3+$0xFFFFFF10] =	vst v2;
	v12 =	vmul.f32 v12, v10;
	v20 =	vld [tilespmem:s3+$0xFFFFFFA0]  }
0x2e3: {  	v2 =	vmul.f32 v11, v1;
	v1 =	vmov v17;
	[tilespmem:s3+$0xFFFFFF20] =	vst v7;
	v7 =	vmul.f32 v23, v10;
	v13 =	vld [tilespmem:s3+$0xFFFFFFB0]  }
0x2e4: {  	[tilespmem:s3+$0xFFFFFF30] =	vst v9;
	v6 =	vmul.f32 v6, v10;
	v9 =	vld [tilespmem:s3+$0xFFFFFFC0]  }
0x2e5: {  	[tilespmem:s3+$0xFFFFFF40] =	vst v14;
	v8 =	vmul.f32 v8, v16;
	v10 =	vld [tilespmem:s3+$0xFFFFFFD0]  }
0x2e6: {  	[tilespmem:s3+$0xFFFFFF50] =	vst v12;
	v11 =	vmul.f32 v15, v16;
	v12 =	vld [tilespmem:s3+$0xFFFFFFE0]  }
0x2e7: {  	[tilespmem:s3+$0xFFFFFF60] =	vst v7;
	v7 =	vmul.f32 v20, v16;
	v14 =	vld [tilespmem:s3+$0xFFFFFFF0]  }
0x2e8: {  	[tilespmem:s3+$0xFFFFFF70] =	vst v6;
	v6 =	vmul.f32 v13, v16;
	v13 =	vld [tilespmem:s3+$0x0]  }
0x2e9: {  	[tilespmem:s3+$0xFFFFFF80] =	vst v8;
	v8 =	vmul.f32 v9, v18;
	v9 =	vld [tilespmem:s3+$0x10]  }
0x2ea: {  	[tilespmem:s3+$0xFFFFFF90] =	vst v11;
	v10 =	vmul.f32 v10, v18;
	v11 =	vld [tilespmem:s3+$0x20]  }
0x2eb: {  	[tilespmem:s3+$0xFFFFFFA0] =	vst v7;
	v7 =	vmul.f32 v12, v18;
	v12 =	vld [tilespmem:s3+$0x30]  }
0x2ec: {  	[tilespmem:s3+$0xFFFFFFB0] =	vst v6;
	v6 =	vmul.f32 v14, v18;
	v15 =	vld [tilespmem:s3+$0x40]  }
0x2ed: {  	[tilespmem:s3+$0xFFFFFFC0] =	vst v8;
	v8 =	vmul.f32 v13, v19;
	v16 =	vld [tilespmem:s3+$0x50]  }
0x2ee: {  	[tilespmem:s3+$0xFFFFFFD0] =	vst v10;
	v9 =	vmul.f32 v9, v19;
	v17 =	vld [tilespmem:s3+$0x60]  }
.Ltmp7:
0x2ef: {  	[tilespmem:s3+$0xFFFFFFE0] =	vst v7;
	v11 =	vmul.f32 v11, v19;
	v10 =	vld [tilespmem:s3+$0x70];
	(pc) =	sbr.rel @p0 .LBB2_16-.Ltmp7, $4  }
0x2f0: {  	[tilespmem:s3+$0xFFFFFFF0] =	vst v6;
	v14 =	vmul.f32 v12, v19;
	v7 =	vld [tilespmem:s3+$0x80]  }
0x2f1: {  	[tilespmem:s3+$0x0] =	vst v8;
	v13 =	vmul.f32 v15, v5;
	v8 =	vld [tilespmem:s3+$0x90]  }
0x2f2: {  	[tilespmem:s3+$0x10] =	vst v9;
	v12 =	vmul.f32 v16, v5;
	v9 =	vld [tilespmem:s3+$0xA0]  }
0x2f3: {  	[tilespmem:s3+$0x20] =	vst v11;
	v11 =	vmul.f32 v17, v5;
	v6 =	vld [tilespmem:s3+$0xB0]  }
0x2f4: {  	[tilespmem:s3+$0x30] =	vst v14  }
0x2f5: {  	[tilespmem:s3+$0x40] =	vst v13  }
0x2f6: {  	[tilespmem:s3+$0x50] =	vst v12  }
0x2f7: {  	v5 =	vmul.f32 v10, v5;
	[tilespmem:s0+$0xD0] =	vst v3  }
0x2f8: {  	v10 =	vld [tilespmem:s3+$0xC0];
	[tilespmem:s0+$0xE0] =	vst v2;
	v7 =	vmul.f32 v7, v4  }
0x2f9: {  	[tilespmem:s6+$0x70] =	vst v5;
	v5 =	vld [tilespmem:s3+$0xD0]  }
0x2fa: {  	v8 =	vmul.f32 v8, v4;
	[tilespmem:s6+$0x80] =	vst v7;
	v7 =	vld [tilespmem:s6+$0xE0]  }
0x2fb: {  	[tilespmem:s6+$0x60] =	vst v11;
	v9 =	vmul.f32 v9, v4  }
0x2fc: {  	v4 =	vmul.f32 v6, v4;
	[tilespmem:s6+$0x90] =	vst v8  }
0x2fd: {  	v6 =	vmul.f32 v10, v1;
	[tilespmem:s6+$0xA0] =	vst v9  }
0x2fe: {  	[tilespmem:s6+$0xB0] =	vst v4;
	v3 =	vmul.f32 v5, v1  }
0x2ff: {  	[tilespmem:s6+$0xC0] =	vst v6;
	v1 =	vmul.f32 v7, v1  }
0x300: {  	[tilespmem:s6+$0xD0] =	vst v3  }
0x301: {  	s13 =	simm.s32 $0x9B00;
	[tilespmem:s6+$0xE0] =	vst v1  }
0x302: {  	[spmem:s2] =	stream.indirect.scatter.add.f32 [tilespmem:s23], [sflag:$0x6], $0x40, s13, s19, $0xb8;
	[tilespmem:$0x1E7C0] =	vst v63  }
0x303: {  	_ =	swait.ge [sflag:s30], $0x2000  }
0x304: {  	[sflag:s30] =	ssyncset.done $0x0  }
0x305: {  	[sflag:s30] =	ssyncadd.s32 $0xFFFFE000  }
0x306: {  	_ =	swait.ge [sflag:s24], $0x2000  }
0x307: {  	s1 =	simm.s32 $0x0;
	[sflag:s24] =	ssyncset.done $0x0  }
0x308: {  	s14 =	sand.u32 $0x70, s1;
	[sflag:s24] =	ssyncadd.s32 $0xFFFFE000  }
0x309: {  	s0 =	simm.s32 $0xEC80;
	v1 =	vld [tilespmem:s14+$0xEB00]  }
0x30a: {  	v3 =	vld [tilespmem:s0+$0xF0]  }
0x30b: {  	v4 =	vld [tilespmem:s0+$0xFFFFFF00]  }
0x30c: {  	v5 =	vld [tilespmem:s0+$0xFFFFFF10]  }
0x30d: {  	s17 =	simm.s32 $0x0;
	v6 =	vld [tilespmem:s0+$0xFFFFFF20]  }
0x30e: {  	s3 =	sand.u32 $0xFFFFFFF0, s17;
	v7 =	vld [tilespmem:s0+$0xFFFFFF30]  }
0x30f: {  	s4 =	ssub.s32 $0xFFFFFFF8, s3;
	v8 =	vld [tilespmem:s0+$0xFFFFFF40]  }
0x310: {  	s18 =	sadd.s32 $0xF, s4;
	v9 =	vld [tilespmem:s0+$0xFFFFFF50]  }
0x311: {  	s1 =	sand.u32 $0x8, s1;
	v2 =	vmov s18;
	v10 =	vld [tilespmem:s0+$0xFFFFFF60]  }
0x312: {  	v11 =	vmov s1;
	s3 =	ssub.s32 $0x0, s3;
	v12 =	vld [tilespmem:s0+$0xFFFFFF70];
	v2 =	vperm.xlane v1, v2  }
0x313: {  	s20 =	sadd.s32 $0x1, s3;
	v13 =	vld [tilespmem:s0+$0xFFFFFF80];
	v11 =	vperm.xlane v1, v11  }
0x314: {  	v16 =	vmov s20;
	v14 =	vld [tilespmem:s0+$0xFFFFFF90];
	v3 =	vmul.f32 v3, v2  }
0x315: {  	v15 =	vld [tilespmem:s0+$0xFFFFFFA0];
	v16 =	vperm.xlane v1, v16;
	v4 =	vmul.f32 v4, v11  }
0x316: {  	v6 =	vmul.f32 v6, v11;
	[tilespmem:s0+$0xF0] =	vst v3;
	v3 =	vmul.f32 v5, v11;
	v5 =	vld [tilespmem:s0+$0xFFFFFFB0]  }
0x317: {  	v7 =	vmul.f32 v7, v11;
	[tilespmem:s0+$0xFFFFFF00] =	vst v4;
	v4 =	vld [tilespmem:s0+$0xFFFFFFC0]  }
0x318: {  	v8 =	vmul.f32 v8, v16;
	[tilespmem:s0+$0xFFFFFF20] =	vst v6;
	v6 =	vld [tilespmem:s0+$0xFFFFFFE0]  }
0x319: {  	s6 =	sadd.s32 $0x2, s3;
	v9 =	vmul.f32 v9, v16;
	[tilespmem:s0+$0xFFFFFF30] =	vst v7;
	v7 =	vld [tilespmem:s0+$0xFFFFFFF0]  }
0x31a: {  	v10 =	vmul.f32 v10, v16;
	v11 =	vmov s6;
	[tilespmem:s0+$0xFFFFFF40] =	vst v8;
	v8 =	vld [tilespmem:s0+$0x0]  }
0x31b: {  	v12 =	vmul.f32 v12, v16;
	[tilespmem:s0+$0xFFFFFF50] =	vst v9;
	v9 =	vld [tilespmem:s0+$0x10];
	v11 =	vperm.xlane v1, v11  }
0x31c: {  	[tilespmem:s0+$0xFFFFFF60] =	vst v10;
	v10 =	vld [tilespmem:s0+$0x20]  }
0x31d: {  	s7 =	sadd.s32 $0xB, s4;
	[tilespmem:s0+$0xFFFFFF70] =	vst v12;
	v12 =	vld [tilespmem:s0+$0x30];
	v13 =	vmul.f32 v13, v11  }
0x31e: {  	v58 =	vmov s7;
	[tilespmem:s0+$0xFFFFFF10] =	vst v3;
	v3 =	vld [tilespmem:s0+$0xFFFFFFD0];
	v14 =	vmul.f32 v14, v11  }
0x31f: {  	v16 =	vperm.xlane v1, v58;
	v15 =	vmul.f32 v15, v11;
	[tilespmem:s0+$0xFFFFFF80] =	vst v13;
	v13 =	vld [tilespmem:s0+$0x40]  }
0x320: {  	v5 =	vmul.f32 v5, v11;
	[tilespmem:s0+$0xFFFFFF90] =	vst v14;
	v11 =	vld [tilespmem:s0+$0x50]  }
0x321: {  	s8 =	sadd.s32 $0xC, s4;
	v4 =	vmul.f32 v4, v16;
	[tilespmem:s0+$0xFFFFFFA0] =	vst v15;
	v14 =	vld [tilespmem:s0+$0x60]  }
0x322: {  	v15 =	vmov s8;
	v6 =	vmul.f32 v6, v16;
	[tilespmem:s0+$0xFFFFFFB0] =	vst v5;
	v5 =	vld [tilespmem:s0+$0x70]  }
0x323: {  	v7 =	vmul.f32 v7, v16;
	v15 =	vperm.xlane v1, v15;
	[tilespmem:s0+$0xFFFFFFC0] =	vst v4;
	v4 =	vld [tilespmem:s0+$0x80]  }
0x324: {  	s9 =	sadd.s32 $0x5, s3;
	v3 =	vmul.f32 v3, v16;
	[tilespmem:s0+$0xFFFFFFE0] =	vst v6;
	v6 =	vld [tilespmem:s0+$0xA0]  }
0x325: {  	v59 =	vmov s9;
	s3 =	sadd.s32 $0x6, s3;
	[tilespmem:s0+$0xFFFFFFF0] =	vst v7;
	v7 =	vld [tilespmem:s0+$0xB0];
	v8 =	vmul.f32 v8, v15;
	v9 =	vmul.f32 v9, v15  }
0x326: {  	v10 =	vmul.f32 v10, v15;
	v12 =	vmul.f32 v12, v15;
	v15 =	vmov s3;
	s3 =	simm.s32 $0xEE80;
	[tilespmem:s0+$0xFFFFFFD0] =	vst v3;
	v3 =	vld [tilespmem:s0+$0x90]  }
0x327: {  	v16 =	vperm.xlane v1, v59;
	v1 =	vperm.xlane v1, v15;
	v15 =	vld [tilespmem:s3+$0xFFFFFF30];
	[tilespmem:s0+$0x0] =	vst v8  }
0x328: {  	v17 =	vld [tilespmem:s3+$0x40];
	[tilespmem:s0+$0x10] =	vst v9  }
0x329: {  	s1 =	simm.s32 $0x8;
	v19 =	vld [tilespmem:s3+$0x50];
	v13 =	vmul.f32 v13, v16;
	[tilespmem:s0+$0x20] =	vst v10  }
0x32a: {  	s10 =	sand.u32 $0x70, s1;
	v8 =	vld [tilespmem:s0+$0xC0];
	v11 =	vmul.f32 v11, v16;
	[tilespmem:s0+$0x30] =	vst v12  }
0x32b: {  	s4 =	simm.s32 $0x8;
	v10 =	vld [tilespmem:s10+$0xEB00];
	v14 =	vmul.f32 v14, v16;
	[tilespmem:s0+$0x40] =	vst v13  }
0x32c: {  	s7 =	sand.u32 $0xFFFFFFF0, s4;
	v9 =	vld [tilespmem:s0+$0xD0];
	v5 =	vmul.f32 v5, v16;
	[tilespmem:s0+$0x50] =	vst v11  }
0x32d: {  	s12 =	ssub.s32 $0x0, s7;
	v13 =	vld [tilespmem:s3+$0xF0];
	v4 =	vmul.f32 v4, v1;
	[tilespmem:s0+$0x60] =	vst v14  }
0x32e: {  	s8 =	sadd.s32 $0xF, s12;
	v11 =	vld [tilespmem:s3+$0xFFFFFF00];
	v6 =	vmul.f32 v6, v1;
	[tilespmem:s0+$0x70] =	vst v5  }
0x32f: {  	s9 =	sand.u32 $0x8, s1;
	v14 =	vld [tilespmem:s3+$0xFFFFFF10];
	v7 =	vmul.f32 v7, v1;
	[tilespmem:s0+$0x80] =	vst v4;
	v4 =	vmov s8  }
0x330: {  	v60 =	vmov s9;
	v3 =	vmul.f32 v3, v1;
	v5 =	vld [tilespmem:s3+$0xFFFFFF20];
	[tilespmem:s0+$0xA0] =	vst v6;
	v1 =	vperm.xlane v10, v4  }
0x331: {  	v12 =	vld [tilespmem:s0+$0xE0];
	[tilespmem:s0+$0xB0] =	vst v7;
	v4 =	vmul.f32 v8, v2;
	v6 =	vperm.xlane v10, v60  }
0x332: {  	s7 =	ssub.s32 $0x8, s7;
	v8 =	vld [tilespmem:s3+$0xFFFFFF50];
	[tilespmem:s0+$0x90] =	vst v3;
	v7 =	vmul.f32 v13, v1  }
0x333: {  	s13 =	sadd.s32 $0x1, s7;
	v3 =	vld [tilespmem:s3+$0xFFFFFF40];
	[tilespmem:s0+$0xC0] =	vst v4;
	v4 =	vmul.f32 v11, v6  }
0x334: {  	v61 =	vmov s13;
	v13 =	vld [tilespmem:s3+$0xFFFFFF60];
	[tilespmem:s3+$0xF0] =	vst v7;
	v7 =	vmul.f32 v14, v6  }
0x335: {  	v16 =	vperm.xlane v10, v61;
	v11 =	vld [tilespmem:s3+$0xFFFFFF70];
	v5 =	vmul.f32 v5, v6;
	[tilespmem:s3+$0xFFFFFF00] =	vst v4  }
0x336: {  	v14 =	vld [tilespmem:s3+$0xFFFFFF80];
	v6 =	vmul.f32 v15, v6;
	[tilespmem:s3+$0xFFFFFF10] =	vst v7  }
0x337: {  	s14 =	sadd.s32 $0x2, s7;
	v4 =	vld [tilespmem:s3+$0xFFFFFF90];
	v8 =	vmul.f32 v8, v16;
	[tilespmem:s3+$0xFFFFFF20] =	vst v5  }
0x338: {  	v15 =	vmov s14;
	v7 =	vld [tilespmem:s3+$0xFFFFFFA0];
	v3 =	vmul.f32 v3, v16;
	[tilespmem:s3+$0xFFFFFF30] =	vst v6  }
0x339: {  	v15 =	vperm.xlane v10, v15;
	v5 =	vld [tilespmem:s3+$0xFFFFFFB0];
	v13 =	vmul.f32 v13, v16;
	[tilespmem:s3+$0xFFFFFF50] =	vst v8  }
0x33a: {  	v6 =	vld [tilespmem:s3+$0xFFFFFFC0];
	v11 =	vmul.f32 v11, v16;
	[tilespmem:s3+$0xFFFFFF40] =	vst v3  }
0x33b: {  	s17 =	sadd.s32 $0xB, s12;
	v3 =	vld [tilespmem:s3+$0xFFFFFFD0];
	v14 =	vmul.f32 v14, v15;
	[tilespmem:s3+$0xFFFFFF60] =	vst v13  }
0x33c: {  	v62 =	vmov s17;
	v8 =	vld [tilespmem:s3+$0xFFFFFFE0];
	v4 =	vmul.f32 v4, v15;
	[tilespmem:s3+$0xFFFFFF70] =	vst v11  }
0x33d: {  	v16 =	vperm.xlane v10, v62;
	v13 =	vld [tilespmem:s3+$0xFFFFFFF0];
	v7 =	vmul.f32 v7, v15;
	[tilespmem:s3+$0xFFFFFF80] =	vst v14  }
0x33e: {  	v11 =	vld [tilespmem:s3+$0x0];
	v5 =	vmul.f32 v5, v15;
	[tilespmem:s3+$0xFFFFFF90] =	vst v4  }
0x33f: {  	s6 =	sadd.s32 $0xC, s12;
	v14 =	vld [tilespmem:s3+$0x10];
	v4 =	vmul.f32 v6, v16;
	[tilespmem:s3+$0xFFFFFFA0] =	vst v7  }
0x340: {  	s18 =	sadd.s32 $0x5, s7;
	v15 =	vld [tilespmem:s3+$0x20];
	v7 =	vmov s6;
	v3 =	vmul.f32 v3, v16;
	[tilespmem:s3+$0xFFFFFFB0] =	vst v5  }
0x341: {  	s20 =	sadd.s32 $0x6, s7;
	v6 =	vld [tilespmem:s3+$0x30];
	v5 =	vmov s18;
	[tilespmem:s3+$0xFFFFFFC0] =	vst v4;
	v18 =	vperm.xlane v10, v7;
	v7 =	vmul.f32 v8, v16  }
0x342: {  	v63 =	vld [tilespmem:s3+$0x60];
	v4 =	vmov s20;
	v5 =	vperm.xlane v10, v5;
	v8 =	vmul.f32 v13, v16;
	[tilespmem:s3+$0xFFFFFFD0] =	vst v3  }
0x343: {  	v4 =	vperm.xlane v10, v4;
	v10 =	vld [tilespmem:s3+$0x70];
	v11 =	vmul.f32 v11, v18;
	[tilespmem:s3+$0xFFFFFFE0] =	vst v7  }
0x344: {  	v3 =	vmul.f32 v9, v2;
	v9 =	vmul.f32 v14, v18;
	[tilespmem:s3+$0xFFFFFFF0] =	vst v8;
	v7 =	vld [tilespmem:s3+$0x80]  }
0x345: {  	v2 =	vmul.f32 v12, v2;
	v15 =	vmul.f32 v15, v18;
	v8 =	vld [tilespmem:s3+$0x90];
	[tilespmem:s3+$0x0] =	vst v11  }
0x346: {  	v14 =	vmul.f32 v6, v18;
	v13 =	vmul.f32 v17, v5;
	[tilespmem:s3+$0x10] =	vst v9;
	v9 =	vld [tilespmem:s3+$0xA0]  }
0x347: {  	s6 =	simm.s32 $0xEE80;
	v12 =	vmul.f32 v19, v5;
	v6 =	vld [tilespmem:s3+$0xB0];
	[tilespmem:s3+$0x20] =	vst v15;
	v11 =	vmul.f32 v63, v5  }
.LBB2_18:
0x348: {  	[tilespmem:s3+$0x30] =	vst v14;
	v5 =	vmul.f32 v10, v5;
	v10 =	vld [tilespmem:s3+$0xC0];
	s7 =	smov.u32 s1;
	s1 =	sadd.s32 $0x8, s1;
	s4 =	sadd.s32 $0x8, s4  }
0x349: {  	s8 =	sand.u32 $0x70, s1;
	s9 =	sand.u32 $0x8, s1;
	p0 =	slt.u32 s1, $0x78;
	[tilespmem:s3+$0x40] =	vst v13;
	v7 =	vmul.f32 v7, v4;
	v13 =	vld [tilespmem:s3+$0xD0]  }
0x34a: {  	v14 =	vld [tilespmem:s8+$0xEB00];
	v15 =	vmov s9;
	[tilespmem:s3+$0x50] =	vst v12;
	v8 =	vmul.f32 v8, v4;
	s8 =	sand.u32 $0xFFFFFFF0, s4  }
0x34b: {  	s3 =	sadd.s32 $0x200, s3;
	[tilespmem:s6+$0x60] =	vst v11;
	v9 =	vmul.f32 v9, v4;
	v11 =	vld [tilespmem:s6+$0xE0];
	s9 =	ssub.s32 s1, s8  }
0x34c: {  	s7 =	ssub.s32 s7, s8;
	v12 =	vld [tilespmem:s3+$0xF0];
	[tilespmem:s6+$0x70] =	vst v5;
	v4 =	vmul.f32 v6, v4;
	s8 =	sadd.s32 $0x1, s9  }
0x34d: {  	s10 =	sadd.s32 $0x2, s9;
	s12 =	sadd.s32 $0xF, s7;
	v6 =	vld [tilespmem:s3+$0xFFFFFF00];
	[tilespmem:s6+$0x80] =	vst v7;
	v5 =	vmul.f32 v10, v1;
	v10 =	vmov s8  }
0x34e: {  	v16 =	vmov s10;
	s8 =	sadd.s32 $0xB, s7;
	s7 =	sadd.s32 $0xC, s7;
	s10 =	sadd.s32 $0x5, s9;
	v17 =	vmov s12;
	v7 =	vld [tilespmem:s3+$0xFFFFFF10];
	[tilespmem:s6+$0x90] =	vst v8  }
0x34f: {  	v18 =	vmov s8;
	v19 =	vmov s7;
	s7 =	sadd.s32 $0x6, s9;
	v8 =	vld [tilespmem:s3+$0xFFFFFF20];
	v17 =	vperm.xlane v14, v17;
	[tilespmem:s6+$0xA0] =	vst v9  }
0x350: {  	v20 =	vmov s10;
	v9 =	vperm.xlane v14, v15;
	v21 =	vmov s7;
	v15 =	vld [tilespmem:s3+$0xFFFFFF30];
	[tilespmem:s6+$0xB0] =	vst v4  }
0x351: {  	v10 =	vperm.xlane v14, v10;
	v22 =	vld [tilespmem:s3+$0xFFFFFF40];
	v4 =	vmul.f32 v12, v17;
	[tilespmem:s6+$0xC0] =	vst v5  }
0x352: {  	v16 =	vperm.xlane v14, v16;
	v18 =	vperm.xlane v14, v18;
	v12 =	vld [tilespmem:s3+$0xFFFFFF50];
	[tilespmem:s0+$0xD0] =	vst v3  }
0x353: {  	v19 =	vperm.xlane v14, v19;
	v5 =	vperm.xlane v14, v20;
	v23 =	vld [tilespmem:s3+$0xFFFFFF60];
	[tilespmem:s3+$0xF0] =	vst v4  }
0x354: {  	v3 =	vmul.f32 v6, v9;
	v4 =	vperm.xlane v14, v21;
	v6 =	vld [tilespmem:s3+$0xFFFFFF70];
	[tilespmem:s0+$0xE0] =	vst v2;
	s0 =	smov.u32 s6;
	s6 =	smov.u32 s3  }
0x355: {  	v2 =	vmul.f32 v7, v9;
	v7 =	vmul.f32 v8, v9;
	v8 =	vld [tilespmem:s3+$0xFFFFFF80]  }
0x356: {  	v9 =	vmul.f32 v15, v9;
	[tilespmem:s3+$0xFFFFFF00] =	vst v3;
	v14 =	vmul.f32 v22, v10;
	v15 =	vld [tilespmem:s3+$0xFFFFFF90]  }
0x357: {  	v3 =	vmul.f32 v13, v1;
	[tilespmem:s3+$0xFFFFFF10] =	vst v2;
	v12 =	vmul.f32 v12, v10;
	v20 =	vld [tilespmem:s3+$0xFFFFFFA0]  }
0x358: {  	v2 =	vmul.f32 v11, v1;
	v1 =	vmov v17;
	[tilespmem:s3+$0xFFFFFF20] =	vst v7;
	v7 =	vmul.f32 v23, v10;
	v13 =	vld [tilespmem:s3+$0xFFFFFFB0]  }
0x359: {  	[tilespmem:s3+$0xFFFFFF30] =	vst v9;
	v6 =	vmul.f32 v6, v10;
	v9 =	vld [tilespmem:s3+$0xFFFFFFC0]  }
0x35a: {  	[tilespmem:s3+$0xFFFFFF40] =	vst v14;
	v8 =	vmul.f32 v8, v16;
	v10 =	vld [tilespmem:s3+$0xFFFFFFD0]  }
0x35b: {  	[tilespmem:s3+$0xFFFFFF50] =	vst v12;
	v11 =	vmul.f32 v15, v16;
	v12 =	vld [tilespmem:s3+$0xFFFFFFE0]  }
0x35c: {  	[tilespmem:s3+$0xFFFFFF60] =	vst v7;
	v7 =	vmul.f32 v20, v16;
	v14 =	vld [tilespmem:s3+$0xFFFFFFF0]  }
0x35d: {  	[tilespmem:s3+$0xFFFFFF70] =	vst v6;
	v6 =	vmul.f32 v13, v16;
	v13 =	vld [tilespmem:s3+$0x0]  }
0x35e: {  	[tilespmem:s3+$0xFFFFFF80] =	vst v8;
	v8 =	vmul.f32 v9, v18;
	v9 =	vld [tilespmem:s3+$0x10]  }
0x35f: {  	[tilespmem:s3+$0xFFFFFF90] =	vst v11;
	v10 =	vmul.f32 v10, v18;
	v11 =	vld [tilespmem:s3+$0x20]  }
0x360: {  	[tilespmem:s3+$0xFFFFFFA0] =	vst v7;
	v7 =	vmul.f32 v12, v18;
	v12 =	vld [tilespmem:s3+$0x30]  }
0x361: {  	[tilespmem:s3+$0xFFFFFFB0] =	vst v6;
	v6 =	vmul.f32 v14, v18;
	v15 =	vld [tilespmem:s3+$0x40]  }
0x362: {  	[tilespmem:s3+$0xFFFFFFC0] =	vst v8;
	v8 =	vmul.f32 v13, v19;
	v16 =	vld [tilespmem:s3+$0x50]  }
0x363: {  	[tilespmem:s3+$0xFFFFFFD0] =	vst v10;
	v9 =	vmul.f32 v9, v19;
	v17 =	vld [tilespmem:s3+$0x60]  }
.Ltmp8:
0x364: {  	[tilespmem:s3+$0xFFFFFFE0] =	vst v7;
	v11 =	vmul.f32 v11, v19;
	v10 =	vld [tilespmem:s3+$0x70];
	(pc) =	sbr.rel @p0 .LBB2_18-.Ltmp8, $4  }
0x365: {  	[tilespmem:s3+$0xFFFFFFF0] =	vst v6;
	v14 =	vmul.f32 v12, v19;
	v7 =	vld [tilespmem:s3+$0x80]  }
0x366: {  	[tilespmem:s3+$0x0] =	vst v8;
	v13 =	vmul.f32 v15, v5;
	v8 =	vld [tilespmem:s3+$0x90]  }
0x367: {  	[tilespmem:s3+$0x10] =	vst v9;
	v12 =	vmul.f32 v16, v5;
	v9 =	vld [tilespmem:s3+$0xA0]  }
0x368: {  	[tilespmem:s3+$0x20] =	vst v11;
	v11 =	vmul.f32 v17, v5;
	v6 =	vld [tilespmem:s3+$0xB0]  }
0x369: {  	[tilespmem:s3+$0x30] =	vst v14  }
0x36a: {  	[tilespmem:s3+$0x40] =	vst v13  }
0x36b: {  	[tilespmem:s3+$0x50] =	vst v12  }
0x36c: {  	[tilespmem:s0+$0xD0] =	vst v3  }
0x36d: {  	v5 =	vmul.f32 v10, v5;
	v59 =	vld [tilespmem:s3+$0xC0];
	[tilespmem:s0+$0xE0] =	vst v2  }
0x36e: {  	v60 =	vld [tilespmem:s3+$0xD0];
	v7 =	vmul.f32 v7, v4;
	[tilespmem:s6+$0x60] =	vst v11  }
0x36f: {  	v61 =	vld [tilespmem:s6+$0xE0];
	v8 =	vmul.f32 v8, v4;
	[tilespmem:s6+$0x70] =	vst v5  }
0x370: {  	v9 =	vmul.f32 v9, v4;
	[tilespmem:s6+$0x80] =	vst v7  }
0x371: {  	v62 =	vmul.f32 v6, v4;
	[tilespmem:s6+$0x90] =	vst v8  }
0x372: {  	v63 =	vmul.f32 v59, v1;
	[tilespmem:s6+$0xA0] =	vst v9  }
0x373: {  	v3 =	vmul.f32 v60, v1;
	[tilespmem:s6+$0xB0] =	vst v62  }
0x374: {  	v1 =	vmul.f32 v61, v1;
	[tilespmem:s6+$0xC0] =	vst v63  }
0x375: {  	[tilespmem:s6+$0xD0] =	vst v3  }
0x376: {  	s14 =	simm.s32 $0x9C00;
	[tilespmem:s6+$0xE0] =	vst v1  }
0x377: {  	[spmem:s2] =	stream.indirect.scatter.add.f32 [tilespmem:s15], [sflag:$0x4], $0x40, s14, s19, $0xb8;
	[tilespmem:$0x1E7C0] =	vst v63  }
0x378: {  	_ =	swait.ge [sflag:s31], $0x2000  }
0x379: {  	[sflag:s31] =	ssyncset.done $0x0  }
0x37a: {  	[sflag:s31] =	ssyncadd.s32 $0xFFFFE000  }
0x37b: {  	_ =	swait.ge [sflag:s28], $0x2000  }
0x37c: {  	[sflag:s28] =	ssyncset.done $0x0  }
0x37d: {  	s17 =	stileid.u32;
	[sflag:s28] =	ssyncadd.s32 $0xFFFFE000  }
0x37e: {  	s0 =	sshll.u32 s17, $0x6;
	[bflag:$0x0] =	sbarrier.arrive $0xFFFF  }
0x37f: {  	s1 =	sshrl.u32 s5, $0x3;
	s0 =	sor.u32 $0x1C09, s0;
	s18 =	rddreg [dreg:$0xb]  }
0x380: {  	[hbm:s18], [sflag:s0] =	dma.local [spmem:s1], $0x1388  }
0x381: {  	_ =	swait.ge [sflag:s16], $0x1388  }
0x382: {  	s22 =	sadd.s32 $0x1, s22;
	s20 =	rddreg [dreg:$0xc]  }
0x383: {  	p0 =	sne.s32 s22, s20  }
.Ltmp9:
0x384: {  	_ = 	snop;
	(pc) =	sbr.rel @p0 .LBB2_1-.Ltmp9, $3  }
0x385: {  	_ =	sdelay $0x1  }
0x386: {  	[sflag:s16] =	ssyncset.done $0x0  }
0x387: {  	[sflag:s16] =	ssyncadd.s32 $0xFFFFEC78  }
0x388: {  	_ =	sfence.sel $0x180000  }
0x389: {  	[bflag:$0x0] =	sbarrier.arrive $0xFFFF  }
0x38a: {  	_ =	strace $0x90000047  }
0x38b: {  	s0 =	stileid.u32;
	[bflag:$0x2] =	sbarrier.arrive $0xFFFF  }
0x38c: {  	p0 =	sne.s32 s0, $0x0;
	s0 =	rddreg [dreg:$0x4]  }
0x38d: {  	s0 =	sadd.s32 @!p0 $0x100000, s0  }
0x38e: {  	[sflag:s0] =	ssyncadd.tile.s32 @!p0 $0x1;
	_ =	shalt  }
.Lfunc_end2:
_tile_overlayer_lowered:
.L_overlay_start_2:
0x38f: {  	(tag) =	ssettag $0x2  }
0x390: {  	s0 =	rddreg [dreg:$0x0];
	s2 =	stileid.u32  }
0x391: {  	s1 =	rddreg [dreg:$0x1];
	p0 =	sne.s32 s2, $0x0  }
0x392: {  	s3 =	rddreg [dreg:$0x2];
	[bflag:$0x3] =	sbarrier.arrive $0xFFFF;
	s2 =	simm.s32 @!p0 $0x1C09  }
0x393: {  	[timem:s3], [sflag:s2] =	dma.local @!p0 [hbm:s0], s1  }
0x394: {  	s0 =	simm.s32 @!p0 $0x9  }
0x395: {  	_ =	swait.ge @!p0 [sflag:s0], s1  }
0x396: {  	s1 =	ssub.s32 @!p0 $0x0, s1;
	[sflag:s0] =	ssyncset.done @!p0 $0x0  }
0x397: {  	[sflag:s0] =	ssyncadd.s32 @!p0 s1  }
0x398: {  	[bflag:$0x3] =	sbarrier.arrive $0xFFFF  }
0x399: {  	_ =	shalt  }

</sc_bundles>
